<compile_context>
chip_gen: v7x
topology: tpu7x:2x2x1
jax: 0.10.2.dev20260603
libtpu: 0.0.44.dev20260713+nightly
codegen_flags: <defaults>
</compile_context>

<pallas_src>
import functools

import jax
import jax.numpy as jnp
from jax import lax
from jax.experimental import pallas as pl
from jax.experimental.pallas import tpu as pltpu
from jax.experimental.pallas import tpu_sc as plsc

N = 10000
E = 320000
D = 128
HOPS = 3
NC = 2
NS = 16
NW = NC * NS
K = 79
CPT = K * 128
EPAD = NW * CPT
CH = 72
M0 = 160
M1 = 118
E0 = NS * M0 * CH
E1 = NS * M1 * CH
LR0 = -(-(M0 * CH) // 128) * 128
LR1 = -(-(M1 * CH) // 128) * 128
NACC = 10016
RA = 632
RA_LAST = NACC - 15 * RA
NP = 10240
BLK = 512
GRID = NP // BLK
ROWS_PT = NP // NS
DUMMY = N

@functools.cache
def _sc_mesh():
    return plsc.VectorSubcoreMesh(core_axis_name="c", subcore_axis_name="s",
                                  num_cores=NC, num_subcores=NS)


def _deg_body(col_hbm, out_hbm, col_v, deg_v):
    c = lax.axis_index("c")
    s = lax.axis_index("s")
    w = c * NS + s
    pltpu.sync_copy(col_hbm.at[w], col_v)
    zeros16 = jnp.zeros((16,), jnp.float32)

    def zbody(j, carry):
        deg_v[pl.ds(j * 16, 16)] = zeros16
        return carry

    lax.fori_loop(0, NP // 16, zbody, 0)
    ones16 = jnp.ones((16,), jnp.float32)

    def body(j, carry):
        plsc.addupdate_scatter(deg_v, [col_v[j]], ones16)
        return carry

    lax.fori_loop(0, CPT // 16, body, 0)
    pltpu.sync_copy(deg_v, out_hbm.at[w])


_SC_PARAMS = pltpu.CompilerParams(needs_layout_passes=False)


@functools.cache
def _deg_kernel():
    return pl.kernel(
        _deg_body,
        out_type=jax.ShapeDtypeStruct((NW, NP), jnp.float32),
        mesh=_sc_mesh(),
        compiler_params=_SC_PARAMS,
        scratch_types=[
            pltpu.VMEM((CPT // 16, 16), jnp.int32),
            pltpu.VMEM((NP,), jnp.float32),
        ],
    )


def _run_deg(colp16):
    return _deg_kernel()(colp16)


def _hop_body(y_hbm, row0_hbm, col0_hbm, row1_hbm, col1_hbm, zeros_hbm,
              out_hbm, row_v, col_v, gbuf0, gbuf1, acc, g0, g1, s0, s1):
    c = lax.axis_index("c")
    s = lax.axis_index("s")

    @pl.when(c == 0)
    def _():
        pltpu.sync_copy(row0_hbm.at[s], row_v.at[pl.ds(0, LR0)])
        pltpu.sync_copy(col0_hbm.at[s], col_v.at[pl.ds(0, M0)])

    @pl.when(c == 1)
    def _():
        pltpu.sync_copy(row1_hbm.at[s], row_v.at[pl.ds(0, LR1)])
        pltpu.sync_copy(col1_hbm.at[s], col_v.at[pl.ds(0, M1)])

    base = s * RA
    for jj in range(4):
        pltpu.sync_copy(zeros_hbm, acc.at[pl.ds(base + jj * 128, 128)])

    @pl.when(s < NS - 1)
    def _():
        pltpu.sync_copy(zeros_hbm.at[pl.ds(0, RA - 512)],
                        acc.at[pl.ds(base + 512, RA - 512)])

    @pl.when(s == NS - 1)
    def _():
        pltpu.sync_copy(zeros_hbm.at[pl.ds(0, RA_LAST - 512)],
                        acc.at[pl.ds(base + 512, RA_LAST - 512)])

    plsc.subcore_barrier()
    n = jnp.where(c == 0, M0, M1)

    def gather(j, buf, sem):
        return pltpu.async_copy(y_hbm.at[row_v.at[pl.ds(j * CH, CH)]],
                                buf, sem)

    gather(0, gbuf0, g0)
    gather(1, gbuf1, g1)

    def body(i, carry):
        j = 2 * i
        pltpu.make_async_copy(y_hbm.at[row_v.at[pl.ds(j * CH, CH)]],
                              gbuf0, g0).wait()
        pltpu.async_copy(gbuf0, acc.at[col_v.at[j]], s0, add=True).wait()

        @pl.when(j + 2 < n)
        def _():
            gather(j + 2, gbuf0, g0)

        pltpu.make_async_copy(y_hbm.at[row_v.at[pl.ds((j + 1) * CH, CH)]],
                              gbuf1, g1).wait()
        pltpu.async_copy(gbuf1, acc.at[col_v.at[j + 1]], s1, add=True).wait()

        @pl.when(j + 3 < n)
        def _():
            gather(j + 3, gbuf1, g1)

        return carry

    lax.fori_loop(0, n // 2, body, 0)
    plsc.subcore_barrier()

    @pl.when(s < NS - 1)
    def _():
        pltpu.sync_copy(acc.at[pl.ds(base, RA)],
                        out_hbm.at[c].at[pl.ds(base, RA)])

    @pl.when(s == NS - 1)
    def _():
        pltpu.sync_copy(acc.at[pl.ds(base, RA_LAST)],
                        out_hbm.at[c].at[pl.ds(base, RA_LAST)])


@functools.cache
def _hop_kernel():
    return pl.kernel(
        _hop_body,
        out_type=jax.ShapeDtypeStruct((NC, NP, D), jnp.float32),
        mesh=_sc_mesh(),
        compiler_params=_SC_PARAMS,
        scratch_types=[
            pltpu.VMEM((LR0,), jnp.int32),
            pltpu.VMEM((M0, CH), jnp.int32),
            pltpu.VMEM((CH, D), jnp.float32),
            pltpu.VMEM((CH, D), jnp.float32),
            pltpu.VMEM_SHARED((NACC, D), jnp.float32),
            pltpu.SemaphoreType.DMA,
            pltpu.SemaphoreType.DMA,
            pltpu.SemaphoreType.DMA,
            pltpu.SemaphoreType.DMA,
        ],
    )


def _run_hop(y, row0, col0, row1, col1, zeros128):
    return _hop_kernel()(y, row0, col0, row1, col1, zeros128)


def _dg(a, w):
    return lax.dot_general(a, w, (((1,), (1,)), ((), ())),
                           preferred_element_type=jnp.float32)


def _scale_body(degp_ref, x_ref, y1_ref, dis_ref):
    degsum = jnp.sum(degp_ref[...], axis=0)[0]
    r = lax.broadcasted_iota(jnp.int32, (128, 128), 0)
    cc = lax.broadcasted_iota(jnp.int32, (128, 128), 1)
    eye = jnp.where(r == cc, 1.0, 0.0).astype(jnp.float32)
    ones = jnp.ones((128, 128), jnp.float32)
    parts = []
    for kk in range(BLK // 128):
        vk = degsum[kk][None, :]
        w = jnp.broadcast_to(vk, (128, 128)) * eye
        parts.append(lax.dot_general(w, ones, (((1,), (0,)), ((), ())),
                                     preferred_element_type=jnp.float32,
                                     precision=lax.Precision.HIGHEST))
    deg_blk = jnp.concatenate(parts, axis=0)
    dis_blk = lax.rsqrt(deg_blk)
    dis_ref[...] = dis_blk
    y1_ref[...] = dis_blk * x_ref[...]


def _scale_call(degp3, xp):
    return pl.pallas_call(
        _scale_body,
        grid=(GRID,),
        in_specs=[
            pl.BlockSpec((NW, 1, BLK // 128, 128), lambda i: (0, i, 0, 0)),
            pl.BlockSpec((BLK, D), lambda i: (i, 0)),
        ],
        out_specs=[
            pl.BlockSpec((BLK, D), lambda i: (i, 0)),
            pl.BlockSpec((BLK, D), lambda i: (i, 0)),
        ],
        out_shape=[
            jax.ShapeDtypeStruct((NP, D), jnp.float32),
            jax.ShapeDtypeStruct((NP, D), jnp.float32),
        ],
    )(degp3, xp)


def _mid_body(zp_ref, dis_ref, c1_ref, y2_ref):
    dis = dis_ref[...]
    c1 = dis * (zp_ref[0] + zp_ref[1])
    c1_ref[...] = c1
    y2_ref[...] = dis * c1


def _mid_call(z1p, dis):
    return pl.pallas_call(
        _mid_body,
        grid=(GRID,),
        in_specs=[
            pl.BlockSpec((NC, BLK, D), lambda i: (0, i, 0)),
            pl.BlockSpec((BLK, D), lambda i: (i, 0)),
        ],
        out_specs=[
            pl.BlockSpec((BLK, D), lambda i: (i, 0)),
            pl.BlockSpec((BLK, D), lambda i: (i, 0)),
        ],
        out_shape=[
            jax.ShapeDtypeStruct((NP, D), jnp.float32),
            jax.ShapeDtypeStruct((NP, D), jnp.float32),
        ],
    )(z1p, dis)


def _full(shape):
    return pl.BlockSpec(shape, lambda i, _s=shape: tuple(0 for _ in _s))


def _branch_body(v_ref, l0w, l0b, l1w, l1b, rw, rb, out_ref):
    v = v_ref[...]
    res = _dg(v, rw[0]) + rb[0]
    h = jnp.maximum(_dg(v, l0w[0]) + l0b[0], 0.0)
    out_ref[...] = _dg(h, l1w[0]) + l1b[0] + res


def _branch_call(v, i, bl0w, bl0b, bl1w, bl1b, brw, brb):
    ws = (bl0w[i:i + 1], bl0b[i:i + 1], bl1w[i:i + 1], bl1b[i:i + 1],
          brw[i:i + 1], brb[i:i + 1])
    return pl.pallas_call(
        _branch_body,
        grid=(GRID,),
        in_specs=[pl.BlockSpec((BLK, D), lambda i: (i, 0))]
        + [_full(w.shape) for w in ws],
        out_specs=pl.BlockSpec((BLK, D), lambda i: (i, 0)),
        out_shape=jax.ShapeDtypeStruct((NP, D), jnp.float32),
    )(v, *ws)


def _mlp_body(h0_ref, h1_ref, z2p_ref, dis_ref,
              bl0w, bl0b, bl1w, bl1b, brw, brb,
              ml0w, ml0b, ml1w, ml1b, mrw, mrb, out_ref):
    dis = dis_ref[...]
    c2 = dis * (z2p_ref[0] + z2p_ref[1])
    res2 = _dg(c2, brw[2]) + brb[2]
    g2 = jnp.maximum(_dg(c2, bl0w[2]) + bl0b[2], 0.0)
    h2 = _dg(g2, bl1w[2]) + bl1b[2] + res2
    h = jnp.concatenate([h0_ref[...], h1_ref[...], h2], axis=1)
    res = _dg(h, mrw[...]) + mrb[...]
    g = jnp.maximum(_dg(h, ml0w[...]) + ml0b[...], 0.0)
    out_ref[...] = _dg(g, ml1w[...]) + ml1b[...] + res


def _mlp_call(h0, h1, z2p, dis, bl0w, bl0b, bl1w, bl1b, brw, brb,
              ml0w, ml0b, ml1w, ml1b, mrw, mrb):
    return pl.pallas_call(
        _mlp_body,
        grid=(GRID,),
        in_specs=[
            pl.BlockSpec((BLK, D), lambda i: (i, 0)),
            pl.BlockSpec((BLK, D), lambda i: (i, 0)),
            pl.BlockSpec((NC, BLK, D), lambda i: (0, i, 0)),
            pl.BlockSpec((BLK, D), lambda i: (i, 0)),
            _full(bl0w.shape), _full(bl0b.shape),
            _full(bl1w.shape), _full(bl1b.shape),
            _full(brw.shape), _full(brb.shape),
            _full(ml0w.shape), _full(ml0b.shape),
            _full(ml1w.shape), _full(ml1b.shape),
            _full(mrw.shape), _full(mrb.shape),
        ],
        out_specs=pl.BlockSpec((BLK, D), lambda i: (i, 0)),
        out_shape=jax.ShapeDtypeStruct((NP, D), jnp.float32),
    )(h0, h1, z2p, dis, bl0w, bl0b, bl1w, bl1b, brw, brb,
      ml0w, ml0b, ml1w, ml1b, mrw, mrb)


def kernel(x, edge_index, b_l0_w, b_l0_b, b_l1_w, b_l1_b, b_res_w, b_res_b,
           m_l0_w, m_l0_b, m_l1_w, m_l1_b, m_res_w, m_res_b):
    row = edge_index[0]
    col = edge_index[1]
    pad = EPAD - E
    pad_dst = DUMMY + jnp.arange(pad, dtype=jnp.int32) % (NP - N)
    colp16 = jnp.concatenate([col, pad_dst]).reshape(NW, CPT // 16, 16)
    pad_h = E0 + E1 - E
    pad_dst_h = DUMMY + jnp.arange(pad_h, dtype=jnp.int32) % (NACC - N)
    row_h = jnp.concatenate([row, jnp.zeros((pad_h,), jnp.int32)])
    col_h = jnp.concatenate([col, pad_dst_h])
    row0 = row_h[:E0].reshape(NS, M0 * CH)
    row0 = jnp.pad(row0, ((0, 0), (0, LR0 - M0 * CH)))
    col0 = col_h[:E0].reshape(NS, M0, CH)
    row1 = row_h[E0:].reshape(NS, M1 * CH)
    row1 = jnp.pad(row1, ((0, 0), (0, LR1 - M1 * CH)))
    col1 = col_h[E0:].reshape(NS, M1, CH)
    xp = jnp.pad(x, ((0, NP - N), (0, 0)))
    zeros128 = jnp.zeros((128, D), jnp.float32)
    m_l0_b = m_l0_b.reshape(1, -1)
    m_l1_b = m_l1_b.reshape(1, -1)
    m_res_b = m_res_b.reshape(1, -1)

    degp = _run_deg(colp16)
    degp3 = degp.reshape(NW, GRID, BLK // 128, 128)

    y1, dis = _scale_call(degp3, xp)
    h0 = _branch_call(xp, 0, b_l0_w, b_l0_b, b_l1_w, b_l1_b, b_res_w, b_res_b)
    z1p = _run_hop(y1, row0, col0, row1, col1, zeros128)
    c1, y2 = _mid_call(z1p, dis)
    h1 = _branch_call(c1, 1, b_l0_w, b_l0_b, b_l1_w, b_l1_b, b_res_w, b_res_b)
    z2p = _run_hop(y2, row0, col0, row1, col1, zeros128)
    out = _mlp_call(h0, h1, z2p, dis,
                    b_l0_w, b_l0_b, b_l1_w, b_l1_b, b_res_w, b_res_b,
                    m_l0_w, m_l0_b, m_l1_w, m_l1_b, m_res_w, m_res_b)
    return out[:N]

# --- scband reference (transcript-rebuilt; emitter-appended) ---
"""Pipeline reference for scband-sign-31808527794885 (READ-ONLY COPY).

The authoritative reference and input builder live on the scoring server;
editing this copy changes nothing except your own understanding.
"""

import jax, jax.numpy as jnp
import numpy as np

N = 10000
E = 320000
D = 128
H = 128
OUT = 128
HOPS = 3

def _init_linear(key, out_dim, in_dim):
    k1, k2 = jax.random.split(key)
    bound = 1.0 / np.sqrt(in_dim)
    w = jax.random.uniform(k1, (out_dim, in_dim), minval=-bound, maxval=bound, dtype=jnp.float32)
    b = jax.random.uniform(k2, (out_dim,), minval=-bound, maxval=bound, dtype=jnp.float32)
    return w, b

def setup_inputs(seed: int = 0):
    key = jax.random.key(seed)
    kx, ke, kp = jax.random.split(key, 3)
    x = jax.random.normal(kx, (N, D), dtype=jnp.float32)
    edge_index = jax.random.randint(ke, (2, E), 0, N, dtype=jnp.int32)
    pks = jax.random.split(kp, 3 * HOPS + 3)
    b_l0, b_l0b, b_l1, b_l1b, b_r, b_rb = [], [], [], [], [], []
    for i in range(HOPS):
        w, b = _init_linear(pks[3 * i], H, D); b_l0.append(w); b_l0b.append(b)
        w, b = _init_linear(pks[3 * i + 1], H, H); b_l1.append(w); b_l1b.append(b)
        w, b = _init_linear(pks[3 * i + 2], H, D); b_r.append(w); b_rb.append(b)
    m_l0_w, m_l0_b = _init_linear(pks[3 * HOPS], H, H * HOPS)
    m_l1_w, m_l1_b = _init_linear(pks[3 * HOPS + 1], OUT, H)
    m_res_w, m_res_b = _init_linear(pks[3 * HOPS + 2], OUT, H * HOPS)
    return {
        "x": x,
        "edge_index": edge_index,
        "b_l0_w": jnp.stack(b_l0), "b_l0_b": jnp.stack(b_l0b),
        "b_l1_w": jnp.stack(b_l1), "b_l1_b": jnp.stack(b_l1b),
        "b_res_w": jnp.stack(b_r), "b_res_b": jnp.stack(b_rb),
        "m_l0_w": m_l0_w, "m_l0_b": m_l0_b,
        "m_l1_w": m_l1_w, "m_l1_b": m_l1_b,
        "m_res_w": m_res_w, "m_res_b": m_res_b,
    }

def _mlp(x, l0_w, l0_b, l1_w, l1_b, res_w, res_b):
    res = x @ res_w.T + res_b
    h = jax.nn.relu(x @ l0_w.T + l0_b)
    return h @ l1_w.T + l1_b + res

def _gcn(x, edge_index):
    row, col = edge_index[0], edge_index[1]
    deg = jnp.zeros((x.shape[0],), dtype=x.dtype).at[col].add(1.0)
    dis = deg ** -0.5
    norm = dis[row] * dis[col]
    msg = norm[:, None] * x[row]
    return jnp.zeros_like(x).at[col].add(msg)

def reference(x, edge_index, b_l0_w, b_l0_b, b_l1_w, b_l1_b, b_res_w, b_res_b, m_l0_w, m_l0_b, m_l1_w, m_l1_b, m_res_w, m_res_b):
    xs = [_mlp(x, b_l0_w[0], b_l0_b[0], b_l1_w[0], b_l1_b[0], b_res_w[0], b_res_b[0])]
    cur = x
    for i in range(1, HOPS):
        cur = _gcn(cur, edge_index)
        xs.append(_mlp(cur, b_l0_w[i], b_l0_b[i], b_l1_w[i], b_l1_b[i], b_res_w[i], b_res_b[i]))
    h = jnp.concatenate(xs, axis=-1)
    return _mlp(h, m_l0_w, m_l0_b, m_l1_w, m_l1_b, m_res_w, m_res_b)

if __name__ == "__main__":
    import jax
    _d = setup_inputs()
    print(jax.jit(kernel)(*tuple(_d.values())))

</pallas_src>

<mosaic_0001>
#map = affine_map<(d0, d1) -> (0, 0, 0)>
#map1 = affine_map<(d0, d1) -> (0, 0)>
module attributes {stable_mosaic.version = 14 : i64} {
  func.func @_deg_body(%arg0: i32, %arg1: i32, %arg2: memref<32x632x16xi32, #tpu.memory_space<hbm>>, %arg3: memref<32x10240xf32, #tpu.memory_space<hbm>>, %arg4: memref<632x16xi32, #tpu.memory_space<vmem>>, %arg5: memref<10240xf32, #tpu.memory_space<vmem>>) attributes {dimension_semantics = [#tpu.dimension_semantics<core_parallel>, #tpu.dimension_semantics<subcore_parallel>], iteration_bounds = array<i64: 2, 16>, scalar_prefetch = 0 : i64, scratch_operands = 2 : i64, tpu.core_type = #tpu.core_type<sc_vector_subcore>, window_params = [{transform_indices = #map}, {transform_indices = #map1}]} {
    %mul3A = arith.constant 16 : i32
    %mul3A_0 = arith.muli %arg0, %mul3A : i32
    %add3A = arith.addi %mul3A_0, %arg1 : i32
    "tpu.region"() ({
      %run_scoped3A = tpu.sem_alloc : memref<!tpu.dma_semaphore, #tpu.memory_space<semaphore_mem>>
      %dma_start3A = arith.constant 0 : i32
      %dma_start3A_15 = arith.constant 0 : i32
      %dma_start3A_16 = tpu.memref_slice %arg2[%add3A, %dma_start3A, %dma_start3A_15] : memref<32x632x16xi32, #tpu.memory_space<hbm>> -> memref<1x632x16xi32, #tpu.memory_space<hbm>>
      %dma_start3A_17 = tpu.memref_squeeze %dma_start3A_16 : memref<1x632x16xi32, #tpu.memory_space<hbm>> -> memref<632x16xi32, #tpu.memory_space<hbm>>
      %dma_start3A_18 = arith.constant 0 : i32
      %dma_start3A_19 = arith.constant 0 : i32
      %dma_start3A_20 = tpu.memref_slice %arg2[%add3A, %dma_start3A_18, %dma_start3A_19] : memref<32x632x16xi32, #tpu.memory_space<hbm>> -> memref<1x632x16xi32, #tpu.memory_space<hbm>>
      %dma_start3A_21 = tpu.memref_squeeze %dma_start3A_20 : memref<1x632x16xi32, #tpu.memory_space<hbm>> -> memref<632x16xi32, #tpu.memory_space<hbm>>
      tpu.enqueue_dma source(%dma_start3A_21 : memref<632x16xi32, #tpu.memory_space<hbm>>) target(%arg4 : memref<632x16xi32, #tpu.memory_space<vmem>>) target_semaphore(%run_scoped3A : memref<!tpu.dma_semaphore, #tpu.memory_space<semaphore_mem>>)
      %dma_wait3A = arith.constant 0 : i32
      %dma_wait3A_22 = arith.constant 0 : i32
      %dma_wait3A_23 = tpu.memref_slice %arg2[%add3A, %dma_wait3A, %dma_wait3A_22] : memref<32x632x16xi32, #tpu.memory_space<hbm>> -> memref<1x632x16xi32, #tpu.memory_space<hbm>>
      %dma_wait3A_24 = tpu.memref_squeeze %dma_wait3A_23 : memref<1x632x16xi32, #tpu.memory_space<hbm>> -> memref<632x16xi32, #tpu.memory_space<hbm>>
      %dma_wait3A_25 = arith.constant 0 : i32
      %dma_wait3A_26 = arith.constant 0 : i32
      %dma_wait3A_27 = tpu.memref_slice %arg2[%add3A, %dma_wait3A_25, %dma_wait3A_26] : memref<32x632x16xi32, #tpu.memory_space<hbm>> -> memref<1x632x16xi32, #tpu.memory_space<hbm>>
      %dma_wait3A_28 = tpu.memref_squeeze %dma_wait3A_27 : memref<1x632x16xi32, #tpu.memory_space<hbm>> -> memref<632x16xi32, #tpu.memory_space<hbm>>
      tpu.wait_dma2 semaphore(%run_scoped3A : memref<!tpu.dma_semaphore, #tpu.memory_space<semaphore_mem>>) src(%dma_wait3A_28 : memref<632x16xi32, #tpu.memory_space<hbm>>) dst(%arg4 : memref<632x16xi32, #tpu.memory_space<vmem>>)
      tpu.yield
    }) : () -> ()
    %broadcast_in_dim3A = arith.constant 0.000000e+00 : f32
    %broadcast_in_dim3A_1 = vector.broadcast %broadcast_in_dim3A : f32 to vector<16xf32>
    %scan3A = arith.constant 0 : i32
    %scan3A_2 = arith.constant 0 : i32
    %scan3A_3 = arith.constant 640 : i32
    %scan3A_4 = arith.addi %scan3A_2, %scan3A_3 : i32
    %scan3A_5 = arith.constant 1 : i32
    scf.for %scan3A_15 = %scan3A_2 to %scan3A_4 step %scan3A_5  : i32 {
      %mul3A_16 = arith.constant 16 : i32
      %mul3A_17 = arith.muli %scan3A_15, %mul3A_16 : i32
      %swap3A = arith.index_cast %mul3A_17 : i32 to index
      %swap3A_18 = tpu.vector_load %arg5[%swap3A] {strides = array<i32>} : memref<10240xf32, #tpu.memory_space<vmem>>, vector<16xf32>,
      tpu.vector_store %arg5[%swap3A], %broadcast_in_dim3A_1 {strides = array<i32>} : memref<10240xf32, #tpu.memory_space<vmem>>, vector<16xf32>,
    }
    %scan3A_6 = arith.constant 640 : i32
    %broadcast_in_dim3A_7 = arith.constant 1.000000e+00 : f32
    %broadcast_in_dim3A_8 = vector.broadcast %broadcast_in_dim3A_7 : f32 to vector<16xf32>
    %scan3A_9 = arith.constant 0 : i32
    %scan3A_10 = arith.constant 0 : i32
    %scan3A_11 = arith.constant 632 : i32
    %scan3A_12 = arith.addi %scan3A_10, %scan3A_11 : i32
    %scan3A_13 = arith.constant 1 : i32
    scf.for %scan3A_15 = %scan3A_10 to %scan3A_12 step %scan3A_13  : i32 {
      %get3A = arith.index_cast %scan3A_15 : i32 to index
      %get3A_16 = arith.constant 0 : index
      %get3A_17 = tpu.vector_load %arg4[%get3A, %get3A_16] {strides = array<i32>} : memref<632x16xi32, #tpu.memory_space<vmem>>, vector<16xi32>,
      tpu.vector_store_idx %arg5[%get3A_17], %broadcast_in_dim3A_8 {add = true} : memref<10240xf32, #tpu.memory_space<vmem>>[vector<16xi32>], vector<16xf32>,
    }
    %scan3A_14 = arith.constant 632 : i32
    "tpu.region"() ({
      %run_scoped3A = tpu.sem_alloc : memref<!tpu.dma_semaphore, #tpu.memory_space<semaphore_mem>>
      %dma_start3A = arith.constant 0 : i32
      %dma_start3A_15 = tpu.memref_slice %arg3[%add3A, %dma_start3A] : memref<32x10240xf32, #tpu.memory_space<hbm>> -> memref<1x10240xf32, #tpu.memory_space<hbm>>
      %dma_start3A_16 = tpu.memref_squeeze %dma_start3A_15 : memref<1x10240xf32, #tpu.memory_space<hbm>> -> memref<10240xf32, #tpu.memory_space<hbm>>
      %dma_start3A_17 = arith.constant 0 : i32
      %dma_start3A_18 = tpu.memref_slice %arg3[%add3A, %dma_start3A_17] : memref<32x10240xf32, #tpu.memory_space<hbm>> -> memref<1x10240xf32, #tpu.memory_space<hbm>>
      %dma_start3A_19 = tpu.memref_squeeze %dma_start3A_18 : memref<1x10240xf32, #tpu.memory_space<hbm>> -> memref<10240xf32, #tpu.memory_space<hbm>>
      tpu.enqueue_dma source(%arg5 : memref<10240xf32, #tpu.memory_space<vmem>>) target(%dma_start3A_19 : memref<10240xf32, #tpu.memory_space<hbm>>) target_semaphore(%run_scoped3A : memref<!tpu.dma_semaphore, #tpu.memory_space<semaphore_mem>>)
      %dma_wait3A = arith.constant 0 : i32
      %dma_wait3A_20 = tpu.memref_slice %arg3[%add3A, %dma_wait3A] : memref<32x10240xf32, #tpu.memory_space<hbm>> -> memref<1x10240xf32, #tpu.memory_space<hbm>>
      %dma_wait3A_21 = tpu.memref_squeeze %dma_wait3A_20 : memref<1x10240xf32, #tpu.memory_space<hbm>> -> memref<10240xf32, #tpu.memory_space<hbm>>
      %dma_wait3A_22 = arith.constant 0 : i32
      %dma_wait3A_23 = tpu.memref_slice %arg3[%add3A, %dma_wait3A_22] : memref<32x10240xf32, #tpu.memory_space<hbm>> -> memref<1x10240xf32, #tpu.memory_space<hbm>>
      %dma_wait3A_24 = tpu.memref_squeeze %dma_wait3A_23 : memref<1x10240xf32, #tpu.memory_space<hbm>> -> memref<10240xf32, #tpu.memory_space<hbm>>
      tpu.wait_dma2 semaphore(%run_scoped3A : memref<!tpu.dma_semaphore, #tpu.memory_space<semaphore_mem>>) src(%arg5 : memref<10240xf32, #tpu.memory_space<vmem>>) dst(%dma_wait3A_24 : memref<10240xf32, #tpu.memory_space<hbm>>)
      tpu.yield
    }) : () -> ()
    return
  }
}

#map = affine_map<(d0, d1) -> (0, 0)>
#map1 = affine_map<(d0, d1) -> (0, 0, 0)>
module attributes {stable_mosaic.version = 14 : i64} {
  func.func @_hop_body(%arg0: i32, %arg1: i32, %arg2: memref<10240x128xf32, #tpu.memory_space<hbm>>, %arg3: memref<16x11520xi32, #tpu.memory_space<hbm>>, %arg4: memref<16x160x72xi32, #tpu.memory_space<hbm>>, %arg5: memref<16x8576xi32, #tpu.memory_space<hbm>>, %arg6: memref<16x118x72xi32, #tpu.memory_space<hbm>>, %arg7: memref<128x128xf32, #tpu.memory_space<hbm>>, %arg8: memref<2x10240x128xf32, #tpu.memory_space<hbm>>, %arg9: memref<11520xi32, #tpu.memory_space<vmem>>, %arg10: memref<160x72xi32, #tpu.memory_space<vmem>>, %arg11: memref<72x128xf32, #tpu.memory_space<vmem>>, %arg12: memref<72x128xf32, #tpu.memory_space<vmem>>, %arg13: memref<10016x128xf32, #tpu.memory_space<vmem_shared>>, %arg14: memref<!tpu.dma_semaphore, #tpu.memory_space<semaphore_mem>>, %arg15: memref<!tpu.dma_semaphore, #tpu.memory_space<semaphore_mem>>, %arg16: memref<!tpu.dma_semaphore, #tpu.memory_space<semaphore_mem>>, %arg17: memref<!tpu.dma_semaphore, #tpu.memory_space<semaphore_mem>>) attributes {dimension_semantics = [#tpu.dimension_semantics<core_parallel>, #tpu.dimension_semantics<subcore_parallel>], iteration_bounds = array<i64: 2, 16>, scalar_prefetch = 0 : i64, scratch_operands = 9 : i64, tpu.core_type = #tpu.core_type<sc_vector_subcore>, window_params = [{transform_indices = #map}, {transform_indices = #map}, {transform_indices = #map1}, {transform_indices = #map}, {transform_indices = #map1}, {transform_indices = #map}, {transform_indices = #map1}]} {
    %eq3A = arith.constant 0 : i32
    %eq3A_0 = arith.cmpi eq, %arg0, %eq3A : i32
    %convert_element_type3A = arith.extui %eq3A_0 : i1 to i32
    %cond3A = arith.constant 0 : i32
    %cond3A_1 = arith.cmpi ne, %convert_element_type3A, %cond3A : i32
    scf.if %cond3A_1 {
      "tpu.region"() ({
        %run_scoped3A = tpu.sem_alloc : memref<!tpu.dma_semaphore, #tpu.memory_space<semaphore_mem>>
        %dma_start3A_74 = arith.constant 0 : i32
        %dma_start3A_75 = tpu.memref_slice %arg9[%dma_start3A_74] : memref<11520xi32, #tpu.memory_space<vmem>> -> memref<11520xi32, #tpu.memory_space<vmem>>
        %dma_start3A_76 = arith.constant 0 : i32
        %dma_start3A_77 = tpu.memref_slice %arg3[%arg1, %dma_start3A_76] : memref<16x11520xi32, #tpu.memory_space<hbm>> -> memref<1x11520xi32, #tpu.memory_space<hbm>>
        %dma_start3A_78 = tpu.memref_squeeze %dma_start3A_77 : memref<1x11520xi32, #tpu.memory_space<hbm>> -> memref<11520xi32, #tpu.memory_space<hbm>>
        %dma_start3A_79 = arith.constant 0 : i32
        %dma_start3A_80 = tpu.memref_slice %arg9[%dma_start3A_79] : memref<11520xi32, #tpu.memory_space<vmem>> -> memref<11520xi32, #tpu.memory_space<vmem>>
        %dma_start3A_81 = arith.constant 0 : i32
        %dma_start3A_82 = tpu.memref_slice %arg3[%arg1, %dma_start3A_81] : memref<16x11520xi32, #tpu.memory_space<hbm>> -> memref<1x11520xi32, #tpu.memory_space<hbm>>
        %dma_start3A_83 = tpu.memref_squeeze %dma_start3A_82 : memref<1x11520xi32, #tpu.memory_space<hbm>> -> memref<11520xi32, #tpu.memory_space<hbm>>
        tpu.enqueue_dma source(%dma_start3A_83 : memref<11520xi32, #tpu.memory_space<hbm>>) target(%dma_start3A_80 : memref<11520xi32, #tpu.memory_space<vmem>>) target_semaphore(%run_scoped3A : memref<!tpu.dma_semaphore, #tpu.memory_space<semaphore_mem>>)
        %dma_wait3A = arith.constant 0 : i32
        %dma_wait3A_84 = tpu.memref_slice %arg9[%dma_wait3A] : memref<11520xi32, #tpu.memory_space<vmem>> -> memref<11520xi32, #tpu.memory_space<vmem>>
        %dma_wait3A_85 = arith.constant 0 : i32
        %dma_wait3A_86 = tpu.memref_slice %arg3[%arg1, %dma_wait3A_85] : memref<16x11520xi32, #tpu.memory_space<hbm>> -> memref<1x11520xi32, #tpu.memory_space<hbm>>
        %dma_wait3A_87 = tpu.memref_squeeze %dma_wait3A_86 : memref<1x11520xi32, #tpu.memory_space<hbm>> -> memref<11520xi32, #tpu.memory_space<hbm>>
        %dma_wait3A_88 = arith.constant 0 : i32
        %dma_wait3A_89 = tpu.memref_slice %arg9[%dma_wait3A_88] : memref<11520xi32, #tpu.memory_space<vmem>> -> memref<11520xi32, #tpu.memory_space<vmem>>
        %dma_wait3A_90 = arith.constant 0 : i32
        %dma_wait3A_91 = tpu.memref_slice %arg3[%arg1, %dma_wait3A_90] : memref<16x11520xi32, #tpu.memory_space<hbm>> -> memref<1x11520xi32, #tpu.memory_space<hbm>>
        %dma_wait3A_92 = tpu.memref_squeeze %dma_wait3A_91 : memref<1x11520xi32, #tpu.memory_space<hbm>> -> memref<11520xi32, #tpu.memory_space<hbm>>
        tpu.wait_dma2 semaphore(%run_scoped3A : memref<!tpu.dma_semaphore, #tpu.memory_space<semaphore_mem>>) src(%dma_wait3A_92 : memref<11520xi32, #tpu.memory_space<hbm>>) dst(%dma_wait3A_89 : memref<11520xi32, #tpu.memory_space<vmem>>)
        tpu.yield
      }) : () -> ()
      "tpu.region"() ({
        %run_scoped3A = tpu.sem_alloc : memref<!tpu.dma_semaphore, #tpu.memory_space<semaphore_mem>>
        %dma_start3A_74 = arith.constant 0 : i32
        %dma_start3A_75 = arith.constant 0 : i32
        %dma_start3A_76 = tpu.memref_slice %arg10[%dma_start3A_74, %dma_start3A_75] : memref<160x72xi32, #tpu.memory_space<vmem>> -> memref<160x72xi32, #tpu.memory_space<vmem>>
        %dma_start3A_77 = arith.constant 0 : i32
        %dma_start3A_78 = arith.constant 0 : i32
        %dma_start3A_79 = tpu.memref_slice %arg4[%arg1, %dma_start3A_77, %dma_start3A_78] : memref<16x160x72xi32, #tpu.memory_space<hbm>> -> memref<1x160x72xi32, #tpu.memory_space<hbm>>
        %dma_start3A_80 = tpu.memref_squeeze %dma_start3A_79 : memref<1x160x72xi32, #tpu.memory_space<hbm>> -> memref<160x72xi32, #tpu.memory_space<hbm>>
        %dma_start3A_81 = arith.constant 0 : i32
        %dma_start3A_82 = arith.constant 0 : i32
        %dma_start3A_83 = tpu.memref_slice %arg10[%dma_start3A_81, %dma_start3A_82] : memref<160x72xi32, #tpu.memory_space<vmem>> -> memref<160x72xi32, #tpu.memory_space<vmem>>
        %dma_start3A_84 = arith.constant 0 : i32
        %dma_start3A_85 = arith.constant 0 : i32
        %dma_start3A_86 = tpu.memref_slice %arg4[%arg1, %dma_start3A_84, %dma_start3A_85] : memref<16x160x72xi32, #tpu.memory_space<hbm>> -> memref<1x160x72xi32, #tpu.memory_space<hbm>>
        %dma_start3A_87 = tpu.memref_squeeze %dma_start3A_86 : memref<1x160x72xi32, #tpu.memory_space<hbm>> -> memref<160x72xi32, #tpu.memory_space<hbm>>
        tpu.enqueue_dma source(%dma_start3A_87 : memref<160x72xi32, #tpu.memory_space<hbm>>) target(%dma_start3A_83 : memref<160x72xi32, #tpu.memory_space<vmem>>) target_semaphore(%run_scoped3A : memref<!tpu.dma_semaphore, #tpu.memory_space<semaphore_mem>>)
        %dma_wait3A = arith.constant 0 : i32
        %dma_wait3A_88 = arith.constant 0 : i32
        %dma_wait3A_89 = tpu.memref_slice %arg10[%dma_wait3A, %dma_wait3A_88] : memref<160x72xi32, #tpu.memory_space<vmem>> -> memref<160x72xi32, #tpu.memory_space<vmem>>
        %dma_wait3A_90 = arith.constant 0 : i32
        %dma_wait3A_91 = arith.constant 0 : i32
        %dma_wait3A_92 = tpu.memref_slice %arg4[%arg1, %dma_wait3A_90, %dma_wait3A_91] : memref<16x160x72xi32, #tpu.memory_space<hbm>> -> memref<1x160x72xi32, #tpu.memory_space<hbm>>
        %dma_wait3A_93 = tpu.memref_squeeze %dma_wait3A_92 : memref<1x160x72xi32, #tpu.memory_space<hbm>> -> memref<160x72xi32, #tpu.memory_space<hbm>>
        %dma_wait3A_94 = arith.constant 0 : i32
        %dma_wait3A_95 = arith.constant 0 : i32
        %dma_wait3A_96 = tpu.memref_slice %arg10[%dma_wait3A_94, %dma_wait3A_95] : memref<160x72xi32, #tpu.memory_space<vmem>> -> memref<160x72xi32, #tpu.memory_space<vmem>>
        %dma_wait3A_97 = arith.constant 0 : i32
        %dma_wait3A_98 = arith.constant 0 : i32
        %dma_wait3A_99 = tpu.memref_slice %arg4[%arg1, %dma_wait3A_97, %dma_wait3A_98] : memref<16x160x72xi32, #tpu.memory_space<hbm>> -> memref<1x160x72xi32, #tpu.memory_space<hbm>>
        %dma_wait3A_100 = tpu.memref_squeeze %dma_wait3A_99 : memref<1x160x72xi32, #tpu.memory_space<hbm>> -> memref<160x72xi32, #tpu.memory_space<hbm>>
        tpu.wait_dma2 semaphore(%run_scoped3A : memref<!tpu.dma_semaphore, #tpu.memory_space<semaphore_mem>>) src(%dma_wait3A_100 : memref<160x72xi32, #tpu.memory_space<hbm>>) dst(%dma_wait3A_96 : memref<160x72xi32, #tpu.memory_space<vmem>>)
        tpu.yield
      }) : () -> ()
    } else {
    }
    %eq3A_2 = arith.constant 1 : i32
    %eq3A_3 = arith.cmpi eq, %arg0, %eq3A_2 : i32
    %convert_element_type3A_4 = arith.extui %eq3A_3 : i1 to i32
    %cond3A_5 = arith.constant 0 : i32
    %cond3A_6 = arith.cmpi ne, %convert_element_type3A_4, %cond3A_5 : i32
    scf.if %cond3A_6 {
      "tpu.region"() ({
        %run_scoped3A = tpu.sem_alloc : memref<!tpu.dma_semaphore, #tpu.memory_space<semaphore_mem>>
        %dma_start3A_74 = arith.constant 0 : i32
        %dma_start3A_75 = tpu.memref_slice %arg9[%dma_start3A_74] : memref<11520xi32, #tpu.memory_space<vmem>> -> memref<8576xi32, #tpu.memory_space<vmem>>
        %dma_start3A_76 = arith.constant 0 : i32
        %dma_start3A_77 = tpu.memref_slice %arg5[%arg1, %dma_start3A_76] : memref<16x8576xi32, #tpu.memory_space<hbm>> -> memref<1x8576xi32, #tpu.memory_space<hbm>>
        %dma_start3A_78 = tpu.memref_squeeze %dma_start3A_77 : memref<1x8576xi32, #tpu.memory_space<hbm>> -> memref<8576xi32, #tpu.memory_space<hbm>>
        %dma_start3A_79 = arith.constant 0 : i32
        %dma_start3A_80 = tpu.memref_slice %arg9[%dma_start3A_79] : memref<11520xi32, #tpu.memory_space<vmem>> -> memref<8576xi32, #tpu.memory_space<vmem>>
        %dma_start3A_81 = arith.constant 0 : i32
        %dma_start3A_82 = tpu.memref_slice %arg5[%arg1, %dma_start3A_81] : memref<16x8576xi32, #tpu.memory_space<hbm>> -> memref<1x8576xi32, #tpu.memory_space<hbm>>
        %dma_start3A_83 = tpu.memref_squeeze %dma_start3A_82 : memref<1x8576xi32, #tpu.memory_space<hbm>> -> memref<8576xi32, #tpu.memory_space<hbm>>
        tpu.enqueue_dma source(%dma_start3A_83 : memref<8576xi32, #tpu.memory_space<hbm>>) target(%dma_start3A_80 : memref<8576xi32, #tpu.memory_space<vmem>>) target_semaphore(%run_scoped3A : memref<!tpu.dma_semaphore, #tpu.memory_space<semaphore_mem>>)
        %dma_wait3A = arith.constant 0 : i32
        %dma_wait3A_84 = tpu.memref_slice %arg9[%dma_wait3A] : memref<11520xi32, #tpu.memory_space<vmem>> -> memref<8576xi32, #tpu.memory_space<vmem>>
        %dma_wait3A_85 = arith.constant 0 : i32
        %dma_wait3A_86 = tpu.memref_slice %arg5[%arg1, %dma_wait3A_85] : memref<16x8576xi32, #tpu.memory_space<hbm>> -> memref<1x8576xi32, #tpu.memory_space<hbm>>
        %dma_wait3A_87 = tpu.memref_squeeze %dma_wait3A_86 : memref<1x8576xi32, #tpu.memory_space<hbm>> -> memref<8576xi32, #tpu.memory_space<hbm>>
        %dma_wait3A_88 = arith.constant 0 : i32
        %dma_wait3A_89 = tpu.memref_slice %arg9[%dma_wait3A_88] : memref<11520xi32, #tpu.memory_space<vmem>> -> memref<8576xi32, #tpu.memory_space<vmem>>
        %dma_wait3A_90 = arith.constant 0 : i32
        %dma_wait3A_91 = tpu.memref_slice %arg5[%arg1, %dma_wait3A_90] : memref<16x8576xi32, #tpu.memory_space<hbm>> -> memref<1x8576xi32, #tpu.memory_space<hbm>>
        %dma_wait3A_92 = tpu.memref_squeeze %dma_wait3A_91 : memref<1x8576xi32, #tpu.memory_space<hbm>> -> memref<8576xi32, #tpu.memory_space<hbm>>
        tpu.wait_dma2 semaphore(%run_scoped3A : memref<!tpu.dma_semaphore, #tpu.memory_space<semaphore_mem>>) src(%dma_wait3A_92 : memref<8576xi32, #tpu.memory_space<hbm>>) dst(%dma_wait3A_89 : memref<8576xi32, #tpu.memory_space<vmem>>)
        tpu.yield
      }) : () -> ()
      "tpu.region"() ({
        %run_scoped3A = tpu.sem_alloc : memref<!tpu.dma_semaphore, #tpu.memory_space<semaphore_mem>>
        %dma_start3A_74 = arith.constant 0 : i32
        %dma_start3A_75 = arith.constant 0 : i32
        %dma_start3A_76 = tpu.memref_slice %arg10[%dma_start3A_74, %dma_start3A_75] : memref<160x72xi32, #tpu.memory_space<vmem>> -> memref<118x72xi32, #tpu.memory_space<vmem>>
        %dma_start3A_77 = arith.constant 0 : i32
        %dma_start3A_78 = arith.constant 0 : i32
        %dma_start3A_79 = tpu.memref_slice %arg6[%arg1, %dma_start3A_77, %dma_start3A_78] : memref<16x118x72xi32, #tpu.memory_space<hbm>> -> memref<1x118x72xi32, #tpu.memory_space<hbm>>
        %dma_start3A_80 = tpu.memref_squeeze %dma_start3A_79 : memref<1x118x72xi32, #tpu.memory_space<hbm>> -> memref<118x72xi32, #tpu.memory_space<hbm>>
        %dma_start3A_81 = arith.constant 0 : i32
        %dma_start3A_82 = arith.constant 0 : i32
        %dma_start3A_83 = tpu.memref_slice %arg10[%dma_start3A_81, %dma_start3A_82] : memref<160x72xi32, #tpu.memory_space<vmem>> -> memref<118x72xi32, #tpu.memory_space<vmem>>
        %dma_start3A_84 = arith.constant 0 : i32
        %dma_start3A_85 = arith.constant 0 : i32
        %dma_start3A_86 = tpu.memref_slice %arg6[%arg1, %dma_start3A_84, %dma_start3A_85] : memref<16x118x72xi32, #tpu.memory_space<hbm>> -> memref<1x118x72xi32, #tpu.memory_space<hbm>>
        %dma_start3A_87 = tpu.memref_squeeze %dma_start3A_86 : memref<1x118x72xi32, #tpu.memory_space<hbm>> -> memref<118x72xi32, #tpu.memory_space<hbm>>
        tpu.enqueue_dma source(%dma_start3A_87 : memref<118x72xi32, #tpu.memory_space<hbm>>) target(%dma_start3A_83 : memref<118x72xi32, #tpu.memory_space<vmem>>) target_semaphore(%run_scoped3A : memref<!tpu.dma_semaphore, #tpu.memory_space<semaphore_mem>>)
        %dma_wait3A = arith.constant 0 : i32
        %dma_wait3A_88 = arith.constant 0 : i32
        %dma_wait3A_89 = tpu.memref_slice %arg10[%dma_wait3A, %dma_wait3A_88] : memref<160x72xi32, #tpu.memory_space<vmem>> -> memref<118x72xi32, #tpu.memory_space<vmem>>
        %dma_wait3A_90 = arith.constant 0 : i32
        %dma_wait3A_91 = arith.constant 0 : i32
        %dma_wait3A_92 = tpu.memref_slice %arg6[%arg1, %dma_wait3A_90, %dma_wait3A_91] : memref<16x118x72xi32, #tpu.memory_space<hbm>> -> memref<1x118x72xi32, #tpu.memory_space<hbm>>
        %dma_wait3A_93 = tpu.memref_squeeze %dma_wait3A_92 : memref<1x118x72xi32, #tpu.memory_space<hbm>> -> memref<118x72xi32, #tpu.memory_space<hbm>>
        %dma_wait3A_94 = arith.constant 0 : i32
        %dma_wait3A_95 = arith.constant 0 : i32
        %dma_wait3A_96 = tpu.memref_slice %arg10[%dma_wait3A_94, %dma_wait3A_95] : memref<160x72xi32, #tpu.memory_space<vmem>> -> memref<118x72xi32, #tpu.memory_space<vmem>>
        %dma_wait3A_97 = arith.constant 0 : i32
        %dma_wait3A_98 = arith.constant 0 : i32
        %dma_wait3A_99 = tpu.memref_slice %arg6[%arg1, %dma_wait3A_97, %dma_wait3A_98] : memref<16x118x72xi32, #tpu.memory_space<hbm>> -> memref<1x118x72xi32, #tpu.memory_space<hbm>>
        %dma_wait3A_100 = tpu.memref_squeeze %dma_wait3A_99 : memref<1x118x72xi32, #tpu.memory_space<hbm>> -> memref<118x72xi32, #tpu.memory_space<hbm>>
        tpu.wait_dma2 semaphore(%run_scoped3A : memref<!tpu.dma_semaphore, #tpu.memory_space<semaphore_mem>>) src(%dma_wait3A_100 : memref<118x72xi32, #tpu.memory_space<hbm>>) dst(%dma_wait3A_96 : memref<118x72xi32, #tpu.memory_space<vmem>>)
        tpu.yield
      }) : () -> ()
    } else {
    }
    %mul3A = arith.constant 632 : i32
    %mul3A_7 = arith.muli %arg1, %mul3A : i32
    %add3A = arith.constant 0 : i32
    %add3A_8 = arith.addi %mul3A_7, %add3A : i32
    "tpu.region"() ({
      %run_scoped3A = tpu.sem_alloc : memref<!tpu.dma_semaphore, #tpu.memory_space<semaphore_mem>>
      %dma_start3A_74 = arith.constant 0 : i32
      %dma_start3A_75 = tpu.memref_slice %arg13[%add3A_8, %dma_start3A_74] : memref<10016x128xf32, #tpu.memory_space<vmem_shared>> -> memref<128x128xf32, #tpu.memory_space<vmem_shared>>
      tpu.enqueue_dma source(%arg7 : memref<128x128xf32, #tpu.memory_space<hbm>>) target(%dma_start3A_75 : memref<128x128xf32, #tpu.memory_space<vmem_shared>>) target_semaphore(%run_scoped3A : memref<!tpu.dma_semaphore, #tpu.memory_space<semaphore_mem>>)
      %dma_wait3A = arith.constant 0 : i32
      %dma_wait3A_76 = tpu.memref_slice %arg13[%add3A_8, %dma_wait3A] : memref<10016x128xf32, #tpu.memory_space<vmem_shared>> -> memref<128x128xf32, #tpu.memory_space<vmem_shared>>
      tpu.wait_dma2 semaphore(%run_scoped3A : memref<!tpu.dma_semaphore, #tpu.memory_space<semaphore_mem>>) src(%arg7 : memref<128x128xf32, #tpu.memory_space<hbm>>) dst(%dma_wait3A_76 : memref<128x128xf32, #tpu.memory_space<vmem_shared>>)
      tpu.yield
    }) : () -> ()
    %add3A_9 = arith.constant 128 : i32
    %add3A_10 = arith.addi %mul3A_7, %add3A_9 : i32
    "tpu.region"() ({
      %run_scoped3A = tpu.sem_alloc : memref<!tpu.dma_semaphore, #tpu.memory_space<semaphore_mem>>
      %dma_start3A_74 = arith.constant 0 : i32
      %dma_start3A_75 = tpu.memref_slice %arg13[%add3A_10, %dma_start3A_74] : memref<10016x128xf32, #tpu.memory_space<vmem_shared>> -> memref<128x128xf32, #tpu.memory_space<vmem_shared>>
      tpu.enqueue_dma source(%arg7 : memref<128x128xf32, #tpu.memory_space<hbm>>) target(%dma_start3A_75 : memref<128x128xf32, #tpu.memory_space<vmem_shared>>) target_semaphore(%run_scoped3A : memref<!tpu.dma_semaphore, #tpu.memory_space<semaphore_mem>>)
      %dma_wait3A = arith.constant 0 : i32
      %dma_wait3A_76 = tpu.memref_slice %arg13[%add3A_10, %dma_wait3A] : memref<10016x128xf32, #tpu.memory_space<vmem_shared>> -> memref<128x128xf32, #tpu.memory_space<vmem_shared>>
      tpu.wait_dma2 semaphore(%run_scoped3A : memref<!tpu.dma_semaphore, #tpu.memory_space<semaphore_mem>>) src(%arg7 : memref<128x128xf32, #tpu.memory_space<hbm>>) dst(%dma_wait3A_76 : memref<128x128xf32, #tpu.memory_space<vmem_shared>>)
      tpu.yield
    }) : () -> ()
    %add3A_11 = arith.constant 256 : i32
    %add3A_12 = arith.addi %mul3A_7, %add3A_11 : i32
    "tpu.region"() ({
      %run_scoped3A = tpu.sem_alloc : memref<!tpu.dma_semaphore, #tpu.memory_space<semaphore_mem>>
      %dma_start3A_74 = arith.constant 0 : i32
      %dma_start3A_75 = tpu.memref_slice %arg13[%add3A_12, %dma_start3A_74] : memref<10016x128xf32, #tpu.memory_space<vmem_shared>> -> memref<128x128xf32, #tpu.memory_space<vmem_shared>>
      tpu.enqueue_dma source(%arg7 : memref<128x128xf32, #tpu.memory_space<hbm>>) target(%dma_start3A_75 : memref<128x128xf32, #tpu.memory_space<vmem_shared>>) target_semaphore(%run_scoped3A : memref<!tpu.dma_semaphore, #tpu.memory_space<semaphore_mem>>)
      %dma_wait3A = arith.constant 0 : i32
      %dma_wait3A_76 = tpu.memref_slice %arg13[%add3A_12, %dma_wait3A] : memref<10016x128xf32, #tpu.memory_space<vmem_shared>> -> memref<128x128xf32, #tpu.memory_space<vmem_shared>>
      tpu.wait_dma2 semaphore(%run_scoped3A : memref<!tpu.dma_semaphore, #tpu.memory_space<semaphore_mem>>) src(%arg7 : memref<128x128xf32, #tpu.memory_space<hbm>>) dst(%dma_wait3A_76 : memref<128x128xf32, #tpu.memory_space<vmem_shared>>)
      tpu.yield
    }) : () -> ()
    %add3A_13 = arith.constant 384 : i32
    %add3A_14 = arith.addi %mul3A_7, %add3A_13 : i32
    "tpu.region"() ({
      %run_scoped3A = tpu.sem_alloc : memref<!tpu.dma_semaphore, #tpu.memory_space<semaphore_mem>>
      %dma_start3A_74 = arith.constant 0 : i32
      %dma_start3A_75 = tpu.memref_slice %arg13[%add3A_14, %dma_start3A_74] : memref<10016x128xf32, #tpu.memory_space<vmem_shared>> -> memref<128x128xf32, #tpu.memory_space<vmem_shared>>
      tpu.enqueue_dma source(%arg7 : memref<128x128xf32, #tpu.memory_space<hbm>>) target(%dma_start3A_75 : memref<128x128xf32, #tpu.memory_space<vmem_shared>>) target_semaphore(%run_scoped3A : memref<!tpu.dma_semaphore, #tpu.memory_space<semaphore_mem>>)
      %dma_wait3A = arith.constant 0 : i32
      %dma_wait3A_76 = tpu.memref_slice %arg13[%add3A_14, %dma_wait3A] : memref<10016x128xf32, #tpu.memory_space<vmem_shared>> -> memref<128x128xf32, #tpu.memory_space<vmem_shared>>
      tpu.wait_dma2 semaphore(%run_scoped3A : memref<!tpu.dma_semaphore, #tpu.memory_space<semaphore_mem>>) src(%arg7 : memref<128x128xf32, #tpu.memory_space<hbm>>) dst(%dma_wait3A_76 : memref<128x128xf32, #tpu.memory_space<vmem_shared>>)
      tpu.yield
    }) : () -> ()
    %lt3A = arith.constant 15 : i32
    %lt3A_15 = arith.cmpi slt, %arg1, %lt3A : i32
    %convert_element_type3A_16 = arith.extui %lt3A_15 : i1 to i32
    %cond3A_17 = arith.constant 0 : i32
    %cond3A_18 = arith.cmpi ne, %convert_element_type3A_16, %cond3A_17 : i32
    scf.if %cond3A_18 {
      %add3A_74 = arith.constant 512 : i32
      %add3A_75 = arith.addi %mul3A_7, %add3A_74 : i32
      "tpu.region"() ({
        %run_scoped3A = tpu.sem_alloc : memref<!tpu.dma_semaphore, #tpu.memory_space<semaphore_mem>>
        %dma_start3A_76 = arith.constant 0 : i32
        %dma_start3A_77 = tpu.memref_slice %arg13[%add3A_75, %dma_start3A_76] : memref<10016x128xf32, #tpu.memory_space<vmem_shared>> -> memref<120x128xf32, #tpu.memory_space<vmem_shared>>
        %dma_start3A_78 = arith.constant 0 : i32
        %dma_start3A_79 = arith.constant 0 : i32
        %dma_start3A_80 = tpu.memref_slice %arg7[%dma_start3A_78, %dma_start3A_79] : memref<128x128xf32, #tpu.memory_space<hbm>> -> memref<120x128xf32, #tpu.memory_space<hbm>>
        tpu.enqueue_dma source(%dma_start3A_80 : memref<120x128xf32, #tpu.memory_space<hbm>>) target(%dma_start3A_77 : memref<120x128xf32, #tpu.memory_space<vmem_shared>>) target_semaphore(%run_scoped3A : memref<!tpu.dma_semaphore, #tpu.memory_space<semaphore_mem>>)
        %dma_wait3A = arith.constant 0 : i32
        %dma_wait3A_81 = tpu.memref_slice %arg13[%add3A_75, %dma_wait3A] : memref<10016x128xf32, #tpu.memory_space<vmem_shared>> -> memref<120x128xf32, #tpu.memory_space<vmem_shared>>
        %dma_wait3A_82 = arith.constant 0 : i32
        %dma_wait3A_83 = arith.constant 0 : i32
        %dma_wait3A_84 = tpu.memref_slice %arg7[%dma_wait3A_82, %dma_wait3A_83] : memref<128x128xf32, #tpu.memory_space<hbm>> -> memref<120x128xf32, #tpu.memory_space<hbm>>
        tpu.wait_dma2 semaphore(%run_scoped3A : memref<!tpu.dma_semaphore, #tpu.memory_space<semaphore_mem>>) src(%dma_wait3A_84 : memref<120x128xf32, #tpu.memory_space<hbm>>) dst(%dma_wait3A_81 : memref<120x128xf32, #tpu.memory_space<vmem_shared>>)
        tpu.yield
      }) : () -> ()
    } else {
    }
    %eq3A_19 = arith.constant 15 : i32
    %eq3A_20 = arith.cmpi eq, %arg1, %eq3A_19 : i32
    %convert_element_type3A_21 = arith.extui %eq3A_20 : i1 to i32
    %cond3A_22 = arith.constant 0 : i32
    %cond3A_23 = arith.cmpi ne, %convert_element_type3A_21, %cond3A_22 : i32
    scf.if %cond3A_23 {
      %add3A_74 = arith.constant 512 : i32
      %add3A_75 = arith.addi %mul3A_7, %add3A_74 : i32
      "tpu.region"() ({
        %run_scoped3A = tpu.sem_alloc : memref<!tpu.dma_semaphore, #tpu.memory_space<semaphore_mem>>
        %dma_start3A_76 = arith.constant 0 : i32
        %dma_start3A_77 = tpu.memref_slice %arg13[%add3A_75, %dma_start3A_76] : memref<10016x128xf32, #tpu.memory_space<vmem_shared>> -> memref<24x128xf32, #tpu.memory_space<vmem_shared>>
        %dma_start3A_78 = arith.constant 0 : i32
        %dma_start3A_79 = arith.constant 0 : i32
        %dma_start3A_80 = tpu.memref_slice %arg7[%dma_start3A_78, %dma_start3A_79] : memref<128x128xf32, #tpu.memory_space<hbm>> -> memref<24x128xf32, #tpu.memory_space<hbm>>
        tpu.enqueue_dma source(%dma_start3A_80 : memref<24x128xf32, #tpu.memory_space<hbm>>) target(%dma_start3A_77 : memref<24x128xf32, #tpu.memory_space<vmem_shared>>) target_semaphore(%run_scoped3A : memref<!tpu.dma_semaphore, #tpu.memory_space<semaphore_mem>>)
        %dma_wait3A = arith.constant 0 : i32
        %dma_wait3A_81 = tpu.memref_slice %arg13[%add3A_75, %dma_wait3A] : memref<10016x128xf32, #tpu.memory_space<vmem_shared>> -> memref<24x128xf32, #tpu.memory_space<vmem_shared>>
        %dma_wait3A_82 = arith.constant 0 : i32
        %dma_wait3A_83 = arith.constant 0 : i32
        %dma_wait3A_84 = tpu.memref_slice %arg7[%dma_wait3A_82, %dma_wait3A_83] : memref<128x128xf32, #tpu.memory_space<hbm>> -> memref<24x128xf32, #tpu.memory_space<hbm>>
        tpu.wait_dma2 semaphore(%run_scoped3A : memref<!tpu.dma_semaphore, #tpu.memory_space<semaphore_mem>>) src(%dma_wait3A_84 : memref<24x128xf32, #tpu.memory_space<hbm>>) dst(%dma_wait3A_81 : memref<24x128xf32, #tpu.memory_space<vmem_shared>>)
        tpu.yield
      }) : () -> ()
    } else {
    }
    %barrier3A = arith.constant 0 : index
    tpu.barrier barrier_id(%barrier3A)
    %eq3A_24 = arith.constant 0 : i32
    %eq3A_25 = arith.cmpi eq, %arg0, %eq3A_24 : i32
    %jit3A = arith.constant 160 : i32
    %jit3A_26 = arith.constant 118 : i32
    %select_n3A = arith.select %eq3A_25, %jit3A, %jit3A_26 : i32
    %dma_start3A = arith.constant 0 : i32
    %dma_start3A_27 = tpu.memref_slice %arg9[%dma_start3A] : memref<11520xi32, #tpu.memory_space<vmem>> -> memref<72xi32, #tpu.memory_space<vmem>>
    %dma_start3A_28 = arith.constant 0 : i32
    %dma_start3A_29 = arith.constant 0 : i32
    %dma_start3A_30 = tpu.memref_slice %arg2[%dma_start3A_28, %dma_start3A_29] : memref<10240x128xf32, #tpu.memory_space<hbm>> -> memref<10240x128xf32, #tpu.memory_space<hbm>>
    tpu.enqueue_indirect_dma source(%dma_start3A_30 : memref<10240x128xf32, #tpu.memory_space<hbm>>) target(%arg11 : memref<72x128xf32, #tpu.memory_space<vmem>>) offsets(%dma_start3A_27 : memref<72xi32, #tpu.memory_space<vmem>>) semaphore(%arg14 : memref<!tpu.dma_semaphore, #tpu.memory_space<semaphore_mem>>)
    %dma_start3A_31 = arith.constant 72 : i32
    %dma_start3A_32 = tpu.memref_slice %arg9[%dma_start3A_31] : memref<11520xi32, #tpu.memory_space<vmem>> -> memref<72xi32, #tpu.memory_space<vmem>>
    %dma_start3A_33 = arith.constant 0 : i32
    %dma_start3A_34 = arith.constant 0 : i32
    %dma_start3A_35 = tpu.memref_slice %arg2[%dma_start3A_33, %dma_start3A_34] : memref<10240x128xf32, #tpu.memory_space<hbm>> -> memref<10240x128xf32, #tpu.memory_space<hbm>>
    tpu.enqueue_indirect_dma source(%dma_start3A_35 : memref<10240x128xf32, #tpu.memory_space<hbm>>) target(%arg12 : memref<72x128xf32, #tpu.memory_space<vmem>>) offsets(%dma_start3A_32 : memref<72xi32, #tpu.memory_space<vmem>>) semaphore(%arg15 : memref<!tpu.dma_semaphore, #tpu.memory_space<semaphore_mem>>)
    %jit3A_36 = arith.constant 2 : i32
    %div3A = arith.divsi %select_n3A, %jit3A_36 : i32
    %sign3A = arith.constant 0 : i32
    %sign3A_37 = arith.cmpi sgt, %select_n3A, %sign3A : i32
    %sign3A_38 = arith.extui %sign3A_37 : i1 to i32
    %sign3A_39 = arith.constant 0 : i32
    %sign3A_40 = arith.cmpi slt, %select_n3A, %sign3A_39 : i32
    %sign3A_41 = arith.extui %sign3A_40 : i1 to i32
    %sign3A_42 = arith.subi %sign3A_38, %sign3A_41 : i32
    %sign3A_43 = arith.constant 0 : i32
    %sign3A_44 = arith.cmpi sgt, %jit3A_36, %sign3A_43 : i32
    %sign3A_45 = arith.extui %sign3A_44 : i1 to i32
    %sign3A_46 = arith.constant 0 : i32
    %sign3A_47 = arith.cmpi slt, %jit3A_36, %sign3A_46 : i32
    %sign3A_48 = arith.extui %sign3A_47 : i1 to i32
    %sign3A_49 = arith.subi %sign3A_45, %sign3A_48 : i32
    %ne3A = arith.cmpi ne, %sign3A_42, %sign3A_49 : i32
    %rem3A = arith.remsi %select_n3A, %jit3A_36 : i32
    %ne3A_50 = arith.constant 0 : i32
    %ne3A_51 = arith.cmpi ne, %rem3A, %ne3A_50 : i32
    %and3A = arith.andi %ne3A, %ne3A_51 : i1
    %sub3A = arith.constant 1 : i32
    %sub3A_52 = arith.subi %div3A, %sub3A : i32
    %select_n3A_53 = arith.select %and3A, %sub3A_52, %div3A : i32
    %while3A = arith.constant 0 : i32
    %while3A_54 = arith.constant 0 : i32
    %while3A_55 = arith.subi %select_n3A_53, %while3A_54 : i32
    %while3A_56 = arith.addi %while3A_54, %while3A_55 : i32
    %while3A_57 = arith.constant 1 : i32
    %while3A_58 = arith.divsi %while3A_55, %while3A_57 : i32
    %while3A_59 = arith.muli %while3A_58, %while3A_57 : i32
    %while3A_60 = arith.addi %while3A_54, %while3A_59 : i32
    %while3A_61 = arith.constant 1 : i32
    scf.for %while3A_74 = %while3A_54 to %while3A_60 step %while3A_61  : i32 {
      %mul3A_75 = arith.constant 2 : i32
      %mul3A_76 = arith.muli %mul3A_75, %while3A_74 : i32
      %mul3A_77 = arith.constant 72 : i32
      %mul3A_78 = arith.muli %mul3A_76, %mul3A_77 : i32
      %dma_wait3A = tpu.memref_slice %arg9[%mul3A_78] : memref<11520xi32, #tpu.memory_space<vmem>> -> memref<72xi32, #tpu.memory_space<vmem>>
      %dma_wait3A_79 = arith.constant 0 : i32
      %dma_wait3A_80 = arith.constant 0 : i32
      %dma_wait3A_81 = tpu.memref_slice %arg2[%dma_wait3A_79, %dma_wait3A_80] : memref<10240x128xf32, #tpu.memory_space<hbm>> -> memref<10240x128xf32, #tpu.memory_space<hbm>>
      tpu.wait_indirect_dma semaphore(%arg14 : memref<!tpu.dma_semaphore, #tpu.memory_space<semaphore_mem>>) src(%dma_wait3A_81 : memref<10240x128xf32, #tpu.memory_space<hbm>>) dst(%arg11 : memref<72x128xf32, #tpu.memory_space<vmem>>)
      %dma_start3A_82 = arith.constant 0 : i32
      %dma_start3A_83 = tpu.memref_slice %arg10[%mul3A_76, %dma_start3A_82] : memref<160x72xi32, #tpu.memory_space<vmem>> -> memref<1x72xi32, #tpu.memory_space<vmem>>
      %dma_start3A_84 = tpu.memref_squeeze %dma_start3A_83 : memref<1x72xi32, #tpu.memory_space<vmem>> -> memref<72xi32, #tpu.memory_space<vmem>>
      %dma_start3A_85 = arith.constant 0 : i32
      %dma_start3A_86 = arith.constant 0 : i32
      %dma_start3A_87 = tpu.memref_slice %arg13[%dma_start3A_85, %dma_start3A_86] : memref<10016x128xf32, #tpu.memory_space<vmem_shared>> -> memref<10016x128xf32, #tpu.memory_space<vmem_shared>>
      tpu.enqueue_indirect_dma source(%arg11 : memref<72x128xf32, #tpu.memory_space<vmem>>) target(%dma_start3A_87 : memref<10016x128xf32, #tpu.memory_space<vmem_shared>>) offsets(%dma_start3A_84 : memref<72xi32, #tpu.memory_space<vmem>>) semaphore(%arg16 : memref<!tpu.dma_semaphore, #tpu.memory_space<semaphore_mem>>) {add = true}
      %dma_wait3A_88 = arith.constant 0 : i32
      %dma_wait3A_89 = tpu.memref_slice %arg10[%mul3A_76, %dma_wait3A_88] : memref<160x72xi32, #tpu.memory_space<vmem>> -> memref<1x72xi32, #tpu.memory_space<vmem>>
      %dma_wait3A_90 = tpu.memref_squeeze %dma_wait3A_89 : memref<1x72xi32, #tpu.memory_space<vmem>> -> memref<72xi32, #tpu.memory_space<vmem>>
      %dma_wait3A_91 = arith.constant 0 : i32
      %dma_wait3A_92 = arith.constant 0 : i32
      %dma_wait3A_93 = tpu.memref_slice %arg13[%dma_wait3A_91, %dma_wait3A_92] : memref<10016x128xf32, #tpu.memory_space<vmem_shared>> -> memref<10016x128xf32, #tpu.memory_space<vmem_shared>>
      tpu.wait_indirect_dma semaphore(%arg16 : memref<!tpu.dma_semaphore, #tpu.memory_space<semaphore_mem>>) src(%arg11 : memref<72x128xf32, #tpu.memory_space<vmem>>) dst(%dma_wait3A_93 : memref<10016x128xf32, #tpu.memory_space<vmem_shared>>)
      %add3A_94 = arith.constant 2 : i32
      %add3A_95 = arith.addi %mul3A_76, %add3A_94 : i32
      %lt3A_96 = arith.cmpi slt, %add3A_95, %select_n3A : i32
      %convert_element_type3A_97 = arith.extui %lt3A_96 : i1 to i32
      %cond3A_98 = arith.constant 0 : i32
      %cond3A_99 = arith.cmpi ne, %convert_element_type3A_97, %cond3A_98 : i32
      scf.if %cond3A_99 {
        %add3A_128 = arith.constant 2 : i32
        %add3A_129 = arith.addi %mul3A_76, %add3A_128 : i32
        %mul3A_130 = arith.constant 72 : i32
        %mul3A_131 = arith.muli %add3A_129, %mul3A_130 : i32
        %dma_start3A_132 = tpu.memref_slice %arg9[%mul3A_131] : memref<11520xi32, #tpu.memory_space<vmem>> -> memref<72xi32, #tpu.memory_space<vmem>>
        %dma_start3A_133 = arith.constant 0 : i32
        %dma_start3A_134 = arith.constant 0 : i32
        %dma_start3A_135 = tpu.memref_slice %arg2[%dma_start3A_133, %dma_start3A_134] : memref<10240x128xf32, #tpu.memory_space<hbm>> -> memref<10240x128xf32, #tpu.memory_space<hbm>>
        tpu.enqueue_indirect_dma source(%dma_start3A_135 : memref<10240x128xf32, #tpu.memory_space<hbm>>) target(%arg11 : memref<72x128xf32, #tpu.memory_space<vmem>>) offsets(%dma_start3A_132 : memref<72xi32, #tpu.memory_space<vmem>>) semaphore(%arg14 : memref<!tpu.dma_semaphore, #tpu.memory_space<semaphore_mem>>)
      } else {
      }
      %add3A_100 = arith.constant 1 : i32
      %add3A_101 = arith.addi %mul3A_76, %add3A_100 : i32
      %mul3A_102 = arith.constant 72 : i32
      %mul3A_103 = arith.muli %add3A_101, %mul3A_102 : i32
      %dma_wait3A_104 = tpu.memref_slice %arg9[%mul3A_103] : memref<11520xi32, #tpu.memory_space<vmem>> -> memref<72xi32, #tpu.memory_space<vmem>>
      %dma_wait3A_105 = arith.constant 0 : i32
      %dma_wait3A_106 = arith.constant 0 : i32
      %dma_wait3A_107 = tpu.memref_slice %arg2[%dma_wait3A_105, %dma_wait3A_106] : memref<10240x128xf32, #tpu.memory_space<hbm>> -> memref<10240x128xf32, #tpu.memory_space<hbm>>
      tpu.wait_indirect_dma semaphore(%arg15 : memref<!tpu.dma_semaphore, #tpu.memory_space<semaphore_mem>>) src(%dma_wait3A_107 : memref<10240x128xf32, #tpu.memory_space<hbm>>) dst(%arg12 : memref<72x128xf32, #tpu.memory_space<vmem>>)
      %add3A_108 = arith.constant 1 : i32
      %add3A_109 = arith.addi %mul3A_76, %add3A_108 : i32
      %dma_start3A_110 = arith.constant 0 : i32
      %dma_start3A_111 = tpu.memref_slice %arg10[%add3A_109, %dma_start3A_110] : memref<160x72xi32, #tpu.memory_space<vmem>> -> memref<1x72xi32, #tpu.memory_space<vmem>>
      %dma_start3A_112 = tpu.memref_squeeze %dma_start3A_111 : memref<1x72xi32, #tpu.memory_space<vmem>> -> memref<72xi32, #tpu.memory_space<vmem>>
      %dma_start3A_113 = arith.constant 0 : i32
      %dma_start3A_114 = arith.constant 0 : i32
      %dma_start3A_115 = tpu.memref_slice %arg13[%dma_start3A_113, %dma_start3A_114] : memref<10016x128xf32, #tpu.memory_space<vmem_shared>> -> memref<10016x128xf32, #tpu.memory_space<vmem_shared>>
      tpu.enqueue_indirect_dma source(%arg12 : memref<72x128xf32, #tpu.memory_space<vmem>>) target(%dma_start3A_115 : memref<10016x128xf32, #tpu.memory_space<vmem_shared>>) offsets(%dma_start3A_112 : memref<72xi32, #tpu.memory_space<vmem>>) semaphore(%arg17 : memref<!tpu.dma_semaphore, #tpu.memory_space<semaphore_mem>>) {add = true}
      %dma_wait3A_116 = arith.constant 0 : i32
      %dma_wait3A_117 = tpu.memref_slice %arg10[%add3A_109, %dma_wait3A_116] : memref<160x72xi32, #tpu.memory_space<vmem>> -> memref<1x72xi32, #tpu.memory_space<vmem>>
      %dma_wait3A_118 = tpu.memref_squeeze %dma_wait3A_117 : memref<1x72xi32, #tpu.memory_space<vmem>> -> memref<72xi32, #tpu.memory_space<vmem>>
      %dma_wait3A_119 = arith.constant 0 : i32
      %dma_wait3A_120 = arith.constant 0 : i32
      %dma_wait3A_121 = tpu.memref_slice %arg13[%dma_wait3A_119, %dma_wait3A_120] : memref<10016x128xf32, #tpu.memory_space<vmem_shared>> -> memref<10016x128xf32, #tpu.memory_space<vmem_shared>>
      tpu.wait_indirect_dma semaphore(%arg17 : memref<!tpu.dma_semaphore, #tpu.memory_space<semaphore_mem>>) src(%arg12 : memref<72x128xf32, #tpu.memory_space<vmem>>) dst(%dma_wait3A_121 : memref<10016x128xf32, #tpu.memory_space<vmem_shared>>)
      %add3A_122 = arith.constant 3 : i32
      %add3A_123 = arith.addi %mul3A_76, %add3A_122 : i32
      %lt3A_124 = arith.cmpi slt, %add3A_123, %select_n3A : i32
      %convert_element_type3A_125 = arith.extui %lt3A_124 : i1 to i32
      %cond3A_126 = arith.constant 0 : i32
      %cond3A_127 = arith.cmpi ne, %convert_element_type3A_125, %cond3A_126 : i32
      scf.if %cond3A_127 {
        %add3A_128 = arith.constant 3 : i32
        %add3A_129 = arith.addi %mul3A_76, %add3A_128 : i32
        %mul3A_130 = arith.constant 72 : i32
        %mul3A_131 = arith.muli %add3A_129, %mul3A_130 : i32
        %dma_start3A_132 = tpu.memref_slice %arg9[%mul3A_131] : memref<11520xi32, #tpu.memory_space<vmem>> -> memref<72xi32, #tpu.memory_space<vmem>>
        %dma_start3A_133 = arith.constant 0 : i32
        %dma_start3A_134 = arith.constant 0 : i32
        %dma_start3A_135 = tpu.memref_slice %arg2[%dma_start3A_133, %dma_start3A_134] : memref<10240x128xf32, #tpu.memory_space<hbm>> -> memref<10240x128xf32, #tpu.memory_space<hbm>>
        tpu.enqueue_indirect_dma source(%dma_start3A_135 : memref<10240x128xf32, #tpu.memory_space<hbm>>) target(%arg12 : memref<72x128xf32, #tpu.memory_space<vmem>>) offsets(%dma_start3A_132 : memref<72xi32, #tpu.memory_space<vmem>>) semaphore(%arg15 : memref<!tpu.dma_semaphore, #tpu.memory_space<semaphore_mem>>)
      } else {
      }
    }
    %while3A_62 = arith.constant 1 : i32
    scf.for %while3A_74 = %while3A_60 to %while3A_56 step %while3A_62  : i32 {
      %mul3A_75 = arith.constant 2 : i32
      %mul3A_76 = arith.muli %mul3A_75, %while3A_74 : i32
      %mul3A_77 = arith.constant 72 : i32
      %mul3A_78 = arith.muli %mul3A_76, %mul3A_77 : i32
      %dma_wait3A = tpu.memref_slice %arg9[%mul3A_78] : memref<11520xi32, #tpu.memory_space<vmem>> -> memref<72xi32, #tpu.memory_space<vmem>>
      %dma_wait3A_79 = arith.constant 0 : i32
      %dma_wait3A_80 = arith.constant 0 : i32
      %dma_wait3A_81 = tpu.memref_slice %arg2[%dma_wait3A_79, %dma_wait3A_80] : memref<10240x128xf32, #tpu.memory_space<hbm>> -> memref<10240x128xf32, #tpu.memory_space<hbm>>
      tpu.wait_indirect_dma semaphore(%arg14 : memref<!tpu.dma_semaphore, #tpu.memory_space<semaphore_mem>>) src(%dma_wait3A_81 : memref<10240x128xf32, #tpu.memory_space<hbm>>) dst(%arg11 : memref<72x128xf32, #tpu.memory_space<vmem>>)
      %dma_start3A_82 = arith.constant 0 : i32
      %dma_start3A_83 = tpu.memref_slice %arg10[%mul3A_76, %dma_start3A_82] : memref<160x72xi32, #tpu.memory_space<vmem>> -> memref<1x72xi32, #tpu.memory_space<vmem>>
      %dma_start3A_84 = tpu.memref_squeeze %dma_start3A_83 : memref<1x72xi32, #tpu.memory_space<vmem>> -> memref<72xi32, #tpu.memory_space<vmem>>
      %dma_start3A_85 = arith.constant 0 : i32
      %dma_start3A_86 = arith.constant 0 : i32
      %dma_start3A_87 = tpu.memref_slice %arg13[%dma_start3A_85, %dma_start3A_86] : memref<10016x128xf32, #tpu.memory_space<vmem_shared>> -> memref<10016x128xf32, #tpu.memory_space<vmem_shared>>
      tpu.enqueue_indirect_dma source(%arg11 : memref<72x128xf32, #tpu.memory_space<vmem>>) target(%dma_start3A_87 : memref<10016x128xf32, #tpu.memory_space<vmem_shared>>) offsets(%dma_start3A_84 : memref<72xi32, #tpu.memory_space<vmem>>) semaphore(%arg16 : memref<!tpu.dma_semaphore, #tpu.memory_space<semaphore_mem>>) {add = true}
      %dma_wait3A_88 = arith.constant 0 : i32
      %dma_wait3A_89 = tpu.memref_slice %arg10[%mul3A_76, %dma_wait3A_88] : memref<160x72xi32, #tpu.memory_space<vmem>> -> memref<1x72xi32, #tpu.memory_space<vmem>>
      %dma_wait3A_90 = tpu.memref_squeeze %dma_wait3A_89 : memref<1x72xi32, #tpu.memory_space<vmem>> -> memref<72xi32, #tpu.memory_space<vmem>>
      %dma_wait3A_91 = arith.constant 0 : i32
      %dma_wait3A_92 = arith.constant 0 : i32
      %dma_wait3A_93 = tpu.memref_slice %arg13[%dma_wait3A_91, %dma_wait3A_92] : memref<10016x128xf32, #tpu.memory_space<vmem_shared>> -> memref<10016x128xf32, #tpu.memory_space<vmem_shared>>
      tpu.wait_indirect_dma semaphore(%arg16 : memref<!tpu.dma_semaphore, #tpu.memory_space<semaphore_mem>>) src(%arg11 : memref<72x128xf32, #tpu.memory_space<vmem>>) dst(%dma_wait3A_93 : memref<10016x128xf32, #tpu.memory_space<vmem_shared>>)
      %add3A_94 = arith.constant 2 : i32
      %add3A_95 = arith.addi %mul3A_76, %add3A_94 : i32
      %lt3A_96 = arith.cmpi slt, %add3A_95, %select_n3A : i32
      %convert_element_type3A_97 = arith.extui %lt3A_96 : i1 to i32
      %cond3A_98 = arith.constant 0 : i32
      %cond3A_99 = arith.cmpi ne, %convert_element_type3A_97, %cond3A_98 : i32
      scf.if %cond3A_99 {
        %add3A_128 = arith.constant 2 : i32
        %add3A_129 = arith.addi %mul3A_76, %add3A_128 : i32
        %mul3A_130 = arith.constant 72 : i32
        %mul3A_131 = arith.muli %add3A_129, %mul3A_130 : i32
        %dma_start3A_132 = tpu.memref_slice %arg9[%mul3A_131] : memref<11520xi32, #tpu.memory_space<vmem>> -> memref<72xi32, #tpu.memory_space<vmem>>
        %dma_start3A_133 = arith.constant 0 : i32
        %dma_start3A_134 = arith.constant 0 : i32
        %dma_start3A_135 = tpu.memref_slice %arg2[%dma_start3A_133, %dma_start3A_134] : memref<10240x128xf32, #tpu.memory_space<hbm>> -> memref<10240x128xf32, #tpu.memory_space<hbm>>
        tpu.enqueue_indirect_dma source(%dma_start3A_135 : memref<10240x128xf32, #tpu.memory_space<hbm>>) target(%arg11 : memref<72x128xf32, #tpu.memory_space<vmem>>) offsets(%dma_start3A_132 : memref<72xi32, #tpu.memory_space<vmem>>) semaphore(%arg14 : memref<!tpu.dma_semaphore, #tpu.memory_space<semaphore_mem>>)
      } else {
      }
      %add3A_100 = arith.constant 1 : i32
      %add3A_101 = arith.addi %mul3A_76, %add3A_100 : i32
      %mul3A_102 = arith.constant 72 : i32
      %mul3A_103 = arith.muli %add3A_101, %mul3A_102 : i32
      %dma_wait3A_104 = tpu.memref_slice %arg9[%mul3A_103] : memref<11520xi32, #tpu.memory_space<vmem>> -> memref<72xi32, #tpu.memory_space<vmem>>
      %dma_wait3A_105 = arith.constant 0 : i32
      %dma_wait3A_106 = arith.constant 0 : i32
      %dma_wait3A_107 = tpu.memref_slice %arg2[%dma_wait3A_105, %dma_wait3A_106] : memref<10240x128xf32, #tpu.memory_space<hbm>> -> memref<10240x128xf32, #tpu.memory_space<hbm>>
      tpu.wait_indirect_dma semaphore(%arg15 : memref<!tpu.dma_semaphore, #tpu.memory_space<semaphore_mem>>) src(%dma_wait3A_107 : memref<10240x128xf32, #tpu.memory_space<hbm>>) dst(%arg12 : memref<72x128xf32, #tpu.memory_space<vmem>>)
      %add3A_108 = arith.constant 1 : i32
      %add3A_109 = arith.addi %mul3A_76, %add3A_108 : i32
      %dma_start3A_110 = arith.constant 0 : i32
      %dma_start3A_111 = tpu.memref_slice %arg10[%add3A_109, %dma_start3A_110] : memref<160x72xi32, #tpu.memory_space<vmem>> -> memref<1x72xi32, #tpu.memory_space<vmem>>
      %dma_start3A_112 = tpu.memref_squeeze %dma_start3A_111 : memref<1x72xi32, #tpu.memory_space<vmem>> -> memref<72xi32, #tpu.memory_space<vmem>>
      %dma_start3A_113 = arith.constant 0 : i32
      %dma_start3A_114 = arith.constant 0 : i32
      %dma_start3A_115 = tpu.memref_slice %arg13[%dma_start3A_113, %dma_start3A_114] : memref<10016x128xf32, #tpu.memory_space<vmem_shared>> -> memref<10016x128xf32, #tpu.memory_space<vmem_shared>>
      tpu.enqueue_indirect_dma source(%arg12 : memref<72x128xf32, #tpu.memory_space<vmem>>) target(%dma_start3A_115 : memref<10016x128xf32, #tpu.memory_space<vmem_shared>>) offsets(%dma_start3A_112 : memref<72xi32, #tpu.memory_space<vmem>>) semaphore(%arg17 : memref<!tpu.dma_semaphore, #tpu.memory_space<semaphore_mem>>) {add = true}
      %dma_wait3A_116 = arith.constant 0 : i32
      %dma_wait3A_117 = tpu.memref_slice %arg10[%add3A_109, %dma_wait3A_116] : memref<160x72xi32, #tpu.memory_space<vmem>> -> memref<1x72xi32, #tpu.memory_space<vmem>>
      %dma_wait3A_118 = tpu.memref_squeeze %dma_wait3A_117 : memref<1x72xi32, #tpu.memory_space<vmem>> -> memref<72xi32, #tpu.memory_space<vmem>>
      %dma_wait3A_119 = arith.constant 0 : i32
      %dma_wait3A_120 = arith.constant 0 : i32
      %dma_wait3A_121 = tpu.memref_slice %arg13[%dma_wait3A_119, %dma_wait3A_120] : memref<10016x128xf32, #tpu.memory_space<vmem_shared>> -> memref<10016x128xf32, #tpu.memory_space<vmem_shared>>
      tpu.wait_indirect_dma semaphore(%arg17 : memref<!tpu.dma_semaphore, #tpu.memory_space<semaphore_mem>>) src(%arg12 : memref<72x128xf32, #tpu.memory_space<vmem>>) dst(%dma_wait3A_121 : memref<10016x128xf32, #tpu.memory_space<vmem_shared>>)
      %add3A_122 = arith.constant 3 : i32
      %add3A_123 = arith.addi %mul3A_76, %add3A_122 : i32
      %lt3A_124 = arith.cmpi slt, %add3A_123, %select_n3A : i32
      %convert_element_type3A_125 = arith.extui %lt3A_124 : i1 to i32
      %cond3A_126 = arith.constant 0 : i32
      %cond3A_127 = arith.cmpi ne, %convert_element_type3A_125, %cond3A_126 : i32
      scf.if %cond3A_127 {
        %add3A_128 = arith.constant 3 : i32
        %add3A_129 = arith.addi %mul3A_76, %add3A_128 : i32
        %mul3A_130 = arith.constant 72 : i32
        %mul3A_131 = arith.muli %add3A_129, %mul3A_130 : i32
        %dma_start3A_132 = tpu.memref_slice %arg9[%mul3A_131] : memref<11520xi32, #tpu.memory_space<vmem>> -> memref<72xi32, #tpu.memory_space<vmem>>
        %dma_start3A_133 = arith.constant 0 : i32
        %dma_start3A_134 = arith.constant 0 : i32
        %dma_start3A_135 = tpu.memref_slice %arg2[%dma_start3A_133, %dma_start3A_134] : memref<10240x128xf32, #tpu.memory_space<hbm>> -> memref<10240x128xf32, #tpu.memory_space<hbm>>
        tpu.enqueue_indirect_dma source(%dma_start3A_135 : memref<10240x128xf32, #tpu.memory_space<hbm>>) target(%arg12 : memref<72x128xf32, #tpu.memory_space<vmem>>) offsets(%dma_start3A_132 : memref<72xi32, #tpu.memory_space<vmem>>) semaphore(%arg15 : memref<!tpu.dma_semaphore, #tpu.memory_space<semaphore_mem>>)
      } else {
      }
    }
    %barrier3A_63 = arith.constant 0 : index
    tpu.barrier barrier_id(%barrier3A_63)
    %lt3A_64 = arith.constant 15 : i32
    %lt3A_65 = arith.cmpi slt, %arg1, %lt3A_64 : i32
    %convert_element_type3A_66 = arith.extui %lt3A_65 : i1 to i32
    %cond3A_67 = arith.constant 0 : i32
    %cond3A_68 = arith.cmpi ne, %convert_element_type3A_66, %cond3A_67 : i32
    scf.if %cond3A_68 {
      "tpu.region"() ({
        %run_scoped3A = tpu.sem_alloc : memref<!tpu.dma_semaphore, #tpu.memory_space<semaphore_mem>>
        %dma_start3A_74 = arith.constant 0 : i32
        %dma_start3A_75 = arith.constant 0 : i32
        %dma_start3A_76 = tpu.memref_slice %arg8[%arg0, %dma_start3A_74, %dma_start3A_75] : memref<2x10240x128xf32, #tpu.memory_space<hbm>> -> memref<1x10240x128xf32, #tpu.memory_space<hbm>>
        %dma_start3A_77 = tpu.memref_squeeze %dma_start3A_76 : memref<1x10240x128xf32, #tpu.memory_space<hbm>> -> memref<10240x128xf32, #tpu.memory_space<hbm>>
        %dma_start3A_78 = arith.constant 0 : i32
        %dma_start3A_79 = tpu.memref_slice %dma_start3A_77[%mul3A_7, %dma_start3A_78] : memref<10240x128xf32, #tpu.memory_space<hbm>> -> memref<632x128xf32, #tpu.memory_space<hbm>>
        %dma_start3A_80 = arith.constant 0 : i32
        %dma_start3A_81 = tpu.memref_slice %arg13[%mul3A_7, %dma_start3A_80] : memref<10016x128xf32, #tpu.memory_space<vmem_shared>> -> memref<632x128xf32, #tpu.memory_space<vmem_shared>>
        tpu.enqueue_dma source(%dma_start3A_81 : memref<632x128xf32, #tpu.memory_space<vmem_shared>>) target(%dma_start3A_79 : memref<632x128xf32, #tpu.memory_space<hbm>>) target_semaphore(%run_scoped3A : memref<!tpu.dma_semaphore, #tpu.memory_space<semaphore_mem>>)
        %dma_wait3A = arith.constant 0 : i32
        %dma_wait3A_82 = arith.constant 0 : i32
        %dma_wait3A_83 = tpu.memref_slice %arg8[%arg0, %dma_wait3A, %dma_wait3A_82] : memref<2x10240x128xf32, #tpu.memory_space<hbm>> -> memref<1x10240x128xf32, #tpu.memory_space<hbm>>
        %dma_wait3A_84 = tpu.memref_squeeze %dma_wait3A_83 : memref<1x10240x128xf32, #tpu.memory_space<hbm>> -> memref<10240x128xf32, #tpu.memory_space<hbm>>
        %dma_wait3A_85 = arith.constant 0 : i32
        %dma_wait3A_86 = tpu.memref_slice %dma_wait3A_84[%mul3A_7, %dma_wait3A_85] : memref<10240x128xf32, #tpu.memory_space<hbm>> -> memref<632x128xf32, #tpu.memory_space<hbm>>
        %dma_wait3A_87 = arith.constant 0 : i32
        %dma_wait3A_88 = tpu.memref_slice %arg13[%mul3A_7, %dma_wait3A_87] : memref<10016x128xf32, #tpu.memory_space<vmem_shared>> -> memref<632x128xf32, #tpu.memory_space<vmem_shared>>
        tpu.wait_dma2 semaphore(%run_scoped3A : memref<!tpu.dma_semaphore, #tpu.memory_space<semaphore_mem>>) src(%dma_wait3A_88 : memref<632x128xf32, #tpu.memory_space<vmem_shared>>) dst(%dma_wait3A_86 : memref<632x128xf32, #tpu.memory_space<hbm>>)
        tpu.yield
      }) : () -> ()
    } else {
    }
    %eq3A_69 = arith.constant 15 : i32
    %eq3A_70 = arith.cmpi eq, %arg1, %eq3A_69 : i32
    %convert_element_type3A_71 = arith.extui %eq3A_70 : i1 to i32
    %cond3A_72 = arith.constant 0 : i32
    %cond3A_73 = arith.cmpi ne, %convert_element_type3A_71, %cond3A_72 : i32
    scf.if %cond3A_73 {
      "tpu.region"() ({
        %run_scoped3A = tpu.sem_alloc : memref<!tpu.dma_semaphore, #tpu.memory_space<semaphore_mem>>
        %dma_start3A_74 = arith.constant 0 : i32
        %dma_start3A_75 = arith.constant 0 : i32
        %dma_start3A_76 = tpu.memref_slice %arg8[%arg0, %dma_start3A_74, %dma_start3A_75] : memref<2x10240x128xf32, #tpu.memory_space<hbm>> -> memref<1x10240x128xf32, #tpu.memory_space<hbm>>
        %dma_start3A_77 = tpu.memref_squeeze %dma_start3A_76 : memref<1x10240x128xf32, #tpu.memory_space<hbm>> -> memref<10240x128xf32, #tpu.memory_space<hbm>>
        %dma_start3A_78 = arith.constant 0 : i32
        %dma_start3A_79 = tpu.memref_slice %dma_start3A_77[%mul3A_7, %dma_start3A_78] : memref<10240x128xf32, #tpu.memory_space<hbm>> -> memref<536x128xf32, #tpu.memory_space<hbm>>
        %dma_start3A_80 = arith.constant 0 : i32
        %dma_start3A_81 = tpu.memref_slice %arg13[%mul3A_7, %dma_start3A_80] : memref<10016x128xf32, #tpu.memory_space<vmem_shared>> -> memref<536x128xf32, #tpu.memory_space<vmem_shared>>
        tpu.enqueue_dma source(%dma_start3A_81 : memref<536x128xf32, #tpu.memory_space<vmem_shared>>) target(%dma_start3A_79 : memref<536x128xf32, #tpu.memory_space<hbm>>) target_semaphore(%run_scoped3A : memref<!tpu.dma_semaphore, #tpu.memory_space<semaphore_mem>>)
        %dma_wait3A = arith.constant 0 : i32
        %dma_wait3A_82 = arith.constant 0 : i32
        %dma_wait3A_83 = tpu.memref_slice %arg8[%arg0, %dma_wait3A, %dma_wait3A_82] : memref<2x10240x128xf32, #tpu.memory_space<hbm>> -> memref<1x10240x128xf32, #tpu.memory_space<hbm>>
        %dma_wait3A_84 = tpu.memref_squeeze %dma_wait3A_83 : memref<1x10240x128xf32, #tpu.memory_space<hbm>> -> memref<10240x128xf32, #tpu.memory_space<hbm>>
        %dma_wait3A_85 = arith.constant 0 : i32
        %dma_wait3A_86 = tpu.memref_slice %dma_wait3A_84[%mul3A_7, %dma_wait3A_85] : memref<10240x128xf32, #tpu.memory_space<hbm>> -> memref<536x128xf32, #tpu.memory_space<hbm>>
        %dma_wait3A_87 = arith.constant 0 : i32
        %dma_wait3A_88 = tpu.memref_slice %arg13[%mul3A_7, %dma_wait3A_87] : memref<10016x128xf32, #tpu.memory_space<vmem_shared>> -> memref<536x128xf32, #tpu.memory_space<vmem_shared>>
        tpu.wait_dma2 semaphore(%run_scoped3A : memref<!tpu.dma_semaphore, #tpu.memory_space<semaphore_mem>>) src(%dma_wait3A_88 : memref<536x128xf32, #tpu.memory_space<vmem_shared>>) dst(%dma_wait3A_86 : memref<536x128xf32, #tpu.memory_space<hbm>>)
        tpu.yield
      }) : () -> ()
    } else {
    }
    return
  }
}

#map = affine_map<(d0, d1) -> (0, 0)>
#map1 = affine_map<(d0, d1) -> (0, 0, 0)>
module attributes {stable_mosaic.version = 14 : i64} {
  func.func @_hop_body(%arg0: i32, %arg1: i32, %arg2: memref<10240x128xf32, #tpu.memory_space<hbm>>, %arg3: memref<16x11520xi32, #tpu.memory_space<hbm>>, %arg4: memref<16x160x72xi32, #tpu.memory_space<hbm>>, %arg5: memref<16x8576xi32, #tpu.memory_space<hbm>>, %arg6: memref<16x118x72xi32, #tpu.memory_space<hbm>>, %arg7: memref<128x128xf32, #tpu.memory_space<hbm>>, %arg8: memref<2x10240x128xf32, #tpu.memory_space<hbm>>, %arg9: memref<11520xi32, #tpu.memory_space<vmem>>, %arg10: memref<160x72xi32, #tpu.memory_space<vmem>>, %arg11: memref<72x128xf32, #tpu.memory_space<vmem>>, %arg12: memref<72x128xf32, #tpu.memory_space<vmem>>, %arg13: memref<10016x128xf32, #tpu.memory_space<vmem_shared>>, %arg14: memref<!tpu.dma_semaphore, #tpu.memory_space<semaphore_mem>>, %arg15: memref<!tpu.dma_semaphore, #tpu.memory_space<semaphore_mem>>, %arg16: memref<!tpu.dma_semaphore, #tpu.memory_space<semaphore_mem>>, %arg17: memref<!tpu.dma_semaphore, #tpu.memory_space<semaphore_mem>>) attributes {dimension_semantics = [#tpu.dimension_semantics<core_parallel>, #tpu.dimension_semantics<subcore_parallel>], iteration_bounds = array<i64: 2, 16>, scalar_prefetch = 0 : i64, scratch_operands = 9 : i64, tpu.core_type = #tpu.core_type<sc_vector_subcore>, window_params = [{transform_indices = #map}, {transform_indices = #map}, {transform_indices = #map1}, {transform_indices = #map}, {transform_indices = #map1}, {transform_indices = #map}, {transform_indices = #map1}]} {
    %eq3A = arith.constant 0 : i32
    %eq3A_0 = arith.cmpi eq, %arg0, %eq3A : i32
    %convert_element_type3A = arith.extui %eq3A_0 : i1 to i32
    %cond3A = arith.constant 0 : i32
    %cond3A_1 = arith.cmpi ne, %convert_element_type3A, %cond3A : i32
    scf.if %cond3A_1 {
      "tpu.region"() ({
        %run_scoped3A = tpu.sem_alloc : memref<!tpu.dma_semaphore, #tpu.memory_space<semaphore_mem>>
        %dma_start3A_74 = arith.constant 0 : i32
        %dma_start3A_75 = tpu.memref_slice %arg9[%dma_start3A_74] : memref<11520xi32, #tpu.memory_space<vmem>> -> memref<11520xi32, #tpu.memory_space<vmem>>
        %dma_start3A_76 = arith.constant 0 : i32
        %dma_start3A_77 = tpu.memref_slice %arg3[%arg1, %dma_start3A_76] : memref<16x11520xi32, #tpu.memory_space<hbm>> -> memref<1x11520xi32, #tpu.memory_space<hbm>>
        %dma_start3A_78 = tpu.memref_squeeze %dma_start3A_77 : memref<1x11520xi32, #tpu.memory_space<hbm>> -> memref<11520xi32, #tpu.memory_space<hbm>>
        %dma_start3A_79 = arith.constant 0 : i32
        %dma_start3A_80 = tpu.memref_slice %arg9[%dma_start3A_79] : memref<11520xi32, #tpu.memory_space<vmem>> -> memref<11520xi32, #tpu.memory_space<vmem>>
        %dma_start3A_81 = arith.constant 0 : i32
        %dma_start3A_82 = tpu.memref_slice %arg3[%arg1, %dma_start3A_81] : memref<16x11520xi32, #tpu.memory_space<hbm>> -> memref<1x11520xi32, #tpu.memory_space<hbm>>
        %dma_start3A_83 = tpu.memref_squeeze %dma_start3A_82 : memref<1x11520xi32, #tpu.memory_space<hbm>> -> memref<11520xi32, #tpu.memory_space<hbm>>
        tpu.enqueue_dma source(%dma_start3A_83 : memref<11520xi32, #tpu.memory_space<hbm>>) target(%dma_start3A_80 : memref<11520xi32, #tpu.memory_space<vmem>>) target_semaphore(%run_scoped3A : memref<!tpu.dma_semaphore, #tpu.memory_space<semaphore_mem>>)
        %dma_wait3A = arith.constant 0 : i32
        %dma_wait3A_84 = tpu.memref_slice %arg9[%dma_wait3A] : memref<11520xi32, #tpu.memory_space<vmem>> -> memref<11520xi32, #tpu.memory_space<vmem>>
        %dma_wait3A_85 = arith.constant 0 : i32
        %dma_wait3A_86 = tpu.memref_slice %arg3[%arg1, %dma_wait3A_85] : memref<16x11520xi32, #tpu.memory_space<hbm>> -> memref<1x11520xi32, #tpu.memory_space<hbm>>
        %dma_wait3A_87 = tpu.memref_squeeze %dma_wait3A_86 : memref<1x11520xi32, #tpu.memory_space<hbm>> -> memref<11520xi32, #tpu.memory_space<hbm>>
        %dma_wait3A_88 = arith.constant 0 : i32
        %dma_wait3A_89 = tpu.memref_slice %arg9[%dma_wait3A_88] : memref<11520xi32, #tpu.memory_space<vmem>> -> memref<11520xi32, #tpu.memory_space<vmem>>
        %dma_wait3A_90 = arith.constant 0 : i32
        %dma_wait3A_91 = tpu.memref_slice %arg3[%arg1, %dma_wait3A_90] : memref<16x11520xi32, #tpu.memory_space<hbm>> -> memref<1x11520xi32, #tpu.memory_space<hbm>>
        %dma_wait3A_92 = tpu.memref_squeeze %dma_wait3A_91 : memref<1x11520xi32, #tpu.memory_space<hbm>> -> memref<11520xi32, #tpu.memory_space<hbm>>
        tpu.wait_dma2 semaphore(%run_scoped3A : memref<!tpu.dma_semaphore, #tpu.memory_space<semaphore_mem>>) src(%dma_wait3A_92 : memref<11520xi32, #tpu.memory_space<hbm>>) dst(%dma_wait3A_89 : memref<11520xi32, #tpu.memory_space<vmem>>)
        tpu.yield
      }) : () -> ()
      "tpu.region"() ({
        %run_scoped3A = tpu.sem_alloc : memref<!tpu.dma_semaphore, #tpu.memory_space<semaphore_mem>>
        %dma_start3A_74 = arith.constant 0 : i32
        %dma_start3A_75 = arith.constant 0 : i32
        %dma_start3A_76 = tpu.memref_slice %arg10[%dma_start3A_74, %dma_start3A_75] : memref<160x72xi32, #tpu.memory_space<vmem>> -> memref<160x72xi32, #tpu.memory_space<vmem>>
        %dma_start3A_77 = arith.constant 0 : i32
        %dma_start3A_78 = arith.constant 0 : i32
        %dma_start3A_79 = tpu.memref_slice %arg4[%arg1, %dma_start3A_77, %dma_start3A_78] : memref<16x160x72xi32, #tpu.memory_space<hbm>> -> memref<1x160x72xi32, #tpu.memory_space<hbm>>
        %dma_start3A_80 = tpu.memref_squeeze %dma_start3A_79 : memref<1x160x72xi32, #tpu.memory_space<hbm>> -> memref<160x72xi32, #tpu.memory_space<hbm>>
        %dma_start3A_81 = arith.constant 0 : i32
        %dma_start3A_82 = arith.constant 0 : i32
        %dma_start3A_83 = tpu.memref_slice %arg10[%dma_start3A_81, %dma_start3A_82] : memref<160x72xi32, #tpu.memory_space<vmem>> -> memref<160x72xi32, #tpu.memory_space<vmem>>
        %dma_start3A_84 = arith.constant 0 : i32
        %dma_start3A_85 = arith.constant 0 : i32
        %dma_start3A_86 = tpu.memref_slice %arg4[%arg1, %dma_start3A_84, %dma_start3A_85] : memref<16x160x72xi32, #tpu.memory_space<hbm>> -> memref<1x160x72xi32, #tpu.memory_space<hbm>>
        %dma_start3A_87 = tpu.memref_squeeze %dma_start3A_86 : memref<1x160x72xi32, #tpu.memory_space<hbm>> -> memref<160x72xi32, #tpu.memory_space<hbm>>
        tpu.enqueue_dma source(%dma_start3A_87 : memref<160x72xi32, #tpu.memory_space<hbm>>) target(%dma_start3A_83 : memref<160x72xi32, #tpu.memory_space<vmem>>) target_semaphore(%run_scoped3A : memref<!tpu.dma_semaphore, #tpu.memory_space<semaphore_mem>>)
        %dma_wait3A = arith.constant 0 : i32
        %dma_wait3A_88 = arith.constant 0 : i32
        %dma_wait3A_89 = tpu.memref_slice %arg10[%dma_wait3A, %dma_wait3A_88] : memref<160x72xi32, #tpu.memory_space<vmem>> -> memref<160x72xi32, #tpu.memory_space<vmem>>
        %dma_wait3A_90 = arith.constant 0 : i32
        %dma_wait3A_91 = arith.constant 0 : i32
        %dma_wait3A_92 = tpu.memref_slice %arg4[%arg1, %dma_wait3A_90, %dma_wait3A_91] : memref<16x160x72xi32, #tpu.memory_space<hbm>> -> memref<1x160x72xi32, #tpu.memory_space<hbm>>
        %dma_wait3A_93 = tpu.memref_squeeze %dma_wait3A_92 : memref<1x160x72xi32, #tpu.memory_space<hbm>> -> memref<160x72xi32, #tpu.memory_space<hbm>>
        %dma_wait3A_94 = arith.constant 0 : i32
        %dma_wait3A_95 = arith.constant 0 : i32
        %dma_wait3A_96 = tpu.memref_slice %arg10[%dma_wait3A_94, %dma_wait3A_95] : memref<160x72xi32, #tpu.memory_space<vmem>> -> memref<160x72xi32, #tpu.memory_space<vmem>>
        %dma_wait3A_97 = arith.constant 0 : i32
        %dma_wait3A_98 = arith.constant 0 : i32
        %dma_wait3A_99 = tpu.memref_slice %arg4[%arg1, %dma_wait3A_97, %dma_wait3A_98] : memref<16x160x72xi32, #tpu.memory_space<hbm>> -> memref<1x160x72xi32, #tpu.memory_space<hbm>>
        %dma_wait3A_100 = tpu.memref_squeeze %dma_wait3A_99 : memref<1x160x72xi32, #tpu.memory_space<hbm>> -> memref<160x72xi32, #tpu.memory_space<hbm>>
        tpu.wait_dma2 semaphore(%run_scoped3A : memref<!tpu.dma_semaphore, #tpu.memory_space<semaphore_mem>>) src(%dma_wait3A_100 : memref<160x72xi32, #tpu.memory_space<hbm>>) dst(%dma_wait3A_96 : memref<160x72xi32, #tpu.memory_space<vmem>>)
        tpu.yield
      }) : () -> ()
    } else {
    }
    %eq3A_2 = arith.constant 1 : i32
    %eq3A_3 = arith.cmpi eq, %arg0, %eq3A_2 : i32
    %convert_element_type3A_4 = arith.extui %eq3A_3 : i1 to i32
    %cond3A_5 = arith.constant 0 : i32
    %cond3A_6 = arith.cmpi ne, %convert_element_type3A_4, %cond3A_5 : i32
    scf.if %cond3A_6 {
      "tpu.region"() ({
        %run_scoped3A = tpu.sem_alloc : memref<!tpu.dma_semaphore, #tpu.memory_space<semaphore_mem>>
        %dma_start3A_74 = arith.constant 0 : i32
        %dma_start3A_75 = tpu.memref_slice %arg9[%dma_start3A_74] : memref<11520xi32, #tpu.memory_space<vmem>> -> memref<8576xi32, #tpu.memory_space<vmem>>
        %dma_start3A_76 = arith.constant 0 : i32
        %dma_start3A_77 = tpu.memref_slice %arg5[%arg1, %dma_start3A_76] : memref<16x8576xi32, #tpu.memory_space<hbm>> -> memref<1x8576xi32, #tpu.memory_space<hbm>>
        %dma_start3A_78 = tpu.memref_squeeze %dma_start3A_77 : memref<1x8576xi32, #tpu.memory_space<hbm>> -> memref<8576xi32, #tpu.memory_space<hbm>>
        %dma_start3A_79 = arith.constant 0 : i32
        %dma_start3A_80 = tpu.memref_slice %arg9[%dma_start3A_79] : memref<11520xi32, #tpu.memory_space<vmem>> -> memref<8576xi32, #tpu.memory_space<vmem>>
        %dma_start3A_81 = arith.constant 0 : i32
        %dma_start3A_82 = tpu.memref_slice %arg5[%arg1, %dma_start3A_81] : memref<16x8576xi32, #tpu.memory_space<hbm>> -> memref<1x8576xi32, #tpu.memory_space<hbm>>
        %dma_start3A_83 = tpu.memref_squeeze %dma_start3A_82 : memref<1x8576xi32, #tpu.memory_space<hbm>> -> memref<8576xi32, #tpu.memory_space<hbm>>
        tpu.enqueue_dma source(%dma_start3A_83 : memref<8576xi32, #tpu.memory_space<hbm>>) target(%dma_start3A_80 : memref<8576xi32, #tpu.memory_space<vmem>>) target_semaphore(%run_scoped3A : memref<!tpu.dma_semaphore, #tpu.memory_space<semaphore_mem>>)
        %dma_wait3A = arith.constant 0 : i32
        %dma_wait3A_84 = tpu.memref_slice %arg9[%dma_wait3A] : memref<11520xi32, #tpu.memory_space<vmem>> -> memref<8576xi32, #tpu.memory_space<vmem>>
        %dma_wait3A_85 = arith.constant 0 : i32
        %dma_wait3A_86 = tpu.memref_slice %arg5[%arg1, %dma_wait3A_85] : memref<16x8576xi32, #tpu.memory_space<hbm>> -> memref<1x8576xi32, #tpu.memory_space<hbm>>
        %dma_wait3A_87 = tpu.memref_squeeze %dma_wait3A_86 : memref<1x8576xi32, #tpu.memory_space<hbm>> -> memref<8576xi32, #tpu.memory_space<hbm>>
        %dma_wait3A_88 = arith.constant 0 : i32
        %dma_wait3A_89 = tpu.memref_slice %arg9[%dma_wait3A_88] : memref<11520xi32, #tpu.memory_space<vmem>> -> memref<8576xi32, #tpu.memory_space<vmem>>
        %dma_wait3A_90 = arith.constant 0 : i32
        %dma_wait3A_91 = tpu.memref_slice %arg5[%arg1, %dma_wait3A_90] : memref<16x8576xi32, #tpu.memory_space<hbm>> -> memref<1x8576xi32, #tpu.memory_space<hbm>>
        %dma_wait3A_92 = tpu.memref_squeeze %dma_wait3A_91 : memref<1x8576xi32, #tpu.memory_space<hbm>> -> memref<8576xi32, #tpu.memory_space<hbm>>
        tpu.wait_dma2 semaphore(%run_scoped3A : memref<!tpu.dma_semaphore, #tpu.memory_space<semaphore_mem>>) src(%dma_wait3A_92 : memref<8576xi32, #tpu.memory_space<hbm>>) dst(%dma_wait3A_89 : memref<8576xi32, #tpu.memory_space<vmem>>)
        tpu.yield
      }) : () -> ()
      "tpu.region"() ({
        %run_scoped3A = tpu.sem_alloc : memref<!tpu.dma_semaphore, #tpu.memory_space<semaphore_mem>>
        %dma_start3A_74 = arith.constant 0 : i32
        %dma_start3A_75 = arith.constant 0 : i32
        %dma_start3A_76 = tpu.memref_slice %arg10[%dma_start3A_74, %dma_start3A_75] : memref<160x72xi32, #tpu.memory_space<vmem>> -> memref<118x72xi32, #tpu.memory_space<vmem>>
        %dma_start3A_77 = arith.constant 0 : i32
        %dma_start3A_78 = arith.constant 0 : i32
        %dma_start3A_79 = tpu.memref_slice %arg6[%arg1, %dma_start3A_77, %dma_start3A_78] : memref<16x118x72xi32, #tpu.memory_space<hbm>> -> memref<1x118x72xi32, #tpu.memory_space<hbm>>
        %dma_start3A_80 = tpu.memref_squeeze %dma_start3A_79 : memref<1x118x72xi32, #tpu.memory_space<hbm>> -> memref<118x72xi32, #tpu.memory_space<hbm>>
        %dma_start3A_81 = arith.constant 0 : i32
        %dma_start3A_82 = arith.constant 0 : i32
        %dma_start3A_83 = tpu.memref_slice %arg10[%dma_start3A_81, %dma_start3A_82] : memref<160x72xi32, #tpu.memory_space<vmem>> -> memref<118x72xi32, #tpu.memory_space<vmem>>
        %dma_start3A_84 = arith.constant 0 : i32
        %dma_start3A_85 = arith.constant 0 : i32
        %dma_start3A_86 = tpu.memref_slice %arg6[%arg1, %dma_start3A_84, %dma_start3A_85] : memref<16x118x72xi32, #tpu.memory_space<hbm>> -> memref<1x118x72xi32, #tpu.memory_space<hbm>>
        %dma_start3A_87 = tpu.memref_squeeze %dma_start3A_86 : memref<1x118x72xi32, #tpu.memory_space<hbm>> -> memref<118x72xi32, #tpu.memory_space<hbm>>
        tpu.enqueue_dma source(%dma_start3A_87 : memref<118x72xi32, #tpu.memory_space<hbm>>) target(%dma_start3A_83 : memref<118x72xi32, #tpu.memory_space<vmem>>) target_semaphore(%run_scoped3A : memref<!tpu.dma_semaphore, #tpu.memory_space<semaphore_mem>>)
        %dma_wait3A = arith.constant 0 : i32
        %dma_wait3A_88 = arith.constant 0 : i32
        %dma_wait3A_89 = tpu.memref_slice %arg10[%dma_wait3A, %dma_wait3A_88] : memref<160x72xi32, #tpu.memory_space<vmem>> -> memref<118x72xi32, #tpu.memory_space<vmem>>
        %dma_wait3A_90 = arith.constant 0 : i32
        %dma_wait3A_91 = arith.constant 0 : i32
        %dma_wait3A_92 = tpu.memref_slice %arg6[%arg1, %dma_wait3A_90, %dma_wait3A_91] : memref<16x118x72xi32, #tpu.memory_space<hbm>> -> memref<1x118x72xi32, #tpu.memory_space<hbm>>
        %dma_wait3A_93 = tpu.memref_squeeze %dma_wait3A_92 : memref<1x118x72xi32, #tpu.memory_space<hbm>> -> memref<118x72xi32, #tpu.memory_space<hbm>>
        %dma_wait3A_94 = arith.constant 0 : i32
        %dma_wait3A_95 = arith.constant 0 : i32
        %dma_wait3A_96 = tpu.memref_slice %arg10[%dma_wait3A_94, %dma_wait3A_95] : memref<160x72xi32, #tpu.memory_space<vmem>> -> memref<118x72xi32, #tpu.memory_space<vmem>>
        %dma_wait3A_97 = arith.constant 0 : i32
        %dma_wait3A_98 = arith.constant 0 : i32
        %dma_wait3A_99 = tpu.memref_slice %arg6[%arg1, %dma_wait3A_97, %dma_wait3A_98] : memref<16x118x72xi32, #tpu.memory_space<hbm>> -> memref<1x118x72xi32, #tpu.memory_space<hbm>>
        %dma_wait3A_100 = tpu.memref_squeeze %dma_wait3A_99 : memref<1x118x72xi32, #tpu.memory_space<hbm>> -> memref<118x72xi32, #tpu.memory_space<hbm>>
        tpu.wait_dma2 semaphore(%run_scoped3A : memref<!tpu.dma_semaphore, #tpu.memory_space<semaphore_mem>>) src(%dma_wait3A_100 : memref<118x72xi32, #tpu.memory_space<hbm>>) dst(%dma_wait3A_96 : memref<118x72xi32, #tpu.memory_space<vmem>>)
        tpu.yield
      }) : () -> ()
    } else {
    }
    %mul3A = arith.constant 632 : i32
    %mul3A_7 = arith.muli %arg1, %mul3A : i32
    %add3A = arith.constant 0 : i32
    %add3A_8 = arith.addi %mul3A_7, %add3A : i32
    "tpu.region"() ({
      %run_scoped3A = tpu.sem_alloc : memref<!tpu.dma_semaphore, #tpu.memory_space<semaphore_mem>>
      %dma_start3A_74 = arith.constant 0 : i32
      %dma_start3A_75 = tpu.memref_slice %arg13[%add3A_8, %dma_start3A_74] : memref<10016x128xf32, #tpu.memory_space<vmem_shared>> -> memref<128x128xf32, #tpu.memory_space<vmem_shared>>
      tpu.enqueue_dma source(%arg7 : memref<128x128xf32, #tpu.memory_space<hbm>>) target(%dma_start3A_75 : memref<128x128xf32, #tpu.memory_space<vmem_shared>>) target_semaphore(%run_scoped3A : memref<!tpu.dma_semaphore, #tpu.memory_space<semaphore_mem>>)
      %dma_wait3A = arith.constant 0 : i32
      %dma_wait3A_76 = tpu.memref_slice %arg13[%add3A_8, %dma_wait3A] : memref<10016x128xf32, #tpu.memory_space<vmem_shared>> -> memref<128x128xf32, #tpu.memory_space<vmem_shared>>
      tpu.wait_dma2 semaphore(%run_scoped3A : memref<!tpu.dma_semaphore, #tpu.memory_space<semaphore_mem>>) src(%arg7 : memref<128x128xf32, #tpu.memory_space<hbm>>) dst(%dma_wait3A_76 : memref<128x128xf32, #tpu.memory_space<vmem_shared>>)
      tpu.yield
    }) : () -> ()
    %add3A_9 = arith.constant 128 : i32
    %add3A_10 = arith.addi %mul3A_7, %add3A_9 : i32
    "tpu.region"() ({
      %run_scoped3A = tpu.sem_alloc : memref<!tpu.dma_semaphore, #tpu.memory_space<semaphore_mem>>
      %dma_start3A_74 = arith.constant 0 : i32
      %dma_start3A_75 = tpu.memref_slice %arg13[%add3A_10, %dma_start3A_74] : memref<10016x128xf32, #tpu.memory_space<vmem_shared>> -> memref<128x128xf32, #tpu.memory_space<vmem_shared>>
      tpu.enqueue_dma source(%arg7 : memref<128x128xf32, #tpu.memory_space<hbm>>) target(%dma_start3A_75 : memref<128x128xf32, #tpu.memory_space<vmem_shared>>) target_semaphore(%run_scoped3A : memref<!tpu.dma_semaphore, #tpu.memory_space<semaphore_mem>>)
      %dma_wait3A = arith.constant 0 : i32
      %dma_wait3A_76 = tpu.memref_slice %arg13[%add3A_10, %dma_wait3A] : memref<10016x128xf32, #tpu.memory_space<vmem_shared>> -> memref<128x128xf32, #tpu.memory_space<vmem_shared>>
      tpu.wait_dma2 semaphore(%run_scoped3A : memref<!tpu.dma_semaphore, #tpu.memory_space<semaphore_mem>>) src(%arg7 : memref<128x128xf32, #tpu.memory_space<hbm>>) dst(%dma_wait3A_76 : memref<128x128xf32, #tpu.memory_space<vmem_shared>>)
      tpu.yield
    }) : () -> ()
    %add3A_11 = arith.constant 256 : i32
    %add3A_12 = arith.addi %mul3A_7, %add3A_11 : i32
    "tpu.region"() ({
      %run_scoped3A = tpu.sem_alloc : memref<!tpu.dma_semaphore, #tpu.memory_space<semaphore_mem>>
      %dma_start3A_74 = arith.constant 0 : i32
      %dma_start3A_75 = tpu.memref_slice %arg13[%add3A_12, %dma_start3A_74] : memref<10016x128xf32, #tpu.memory_space<vmem_shared>> -> memref<128x128xf32, #tpu.memory_space<vmem_shared>>
      tpu.enqueue_dma source(%arg7 : memref<128x128xf32, #tpu.memory_space<hbm>>) target(%dma_start3A_75 : memref<128x128xf32, #tpu.memory_space<vmem_shared>>) target_semaphore(%run_scoped3A : memref<!tpu.dma_semaphore, #tpu.memory_space<semaphore_mem>>)
      %dma_wait3A = arith.constant 0 : i32
      %dma_wait3A_76 = tpu.memref_slice %arg13[%add3A_12, %dma_wait3A] : memref<10016x128xf32, #tpu.memory_space<vmem_shared>> -> memref<128x128xf32, #tpu.memory_space<vmem_shared>>
      tpu.wait_dma2 semaphore(%run_scoped3A : memref<!tpu.dma_semaphore, #tpu.memory_space<semaphore_mem>>) src(%arg7 : memref<128x128xf32, #tpu.memory_space<hbm>>) dst(%dma_wait3A_76 : memref<128x128xf32, #tpu.memory_space<vmem_shared>>)
      tpu.yield
    }) : () -> ()
    %add3A_13 = arith.constant 384 : i32
    %add3A_14 = arith.addi %mul3A_7, %add3A_13 : i32
    "tpu.region"() ({
      %run_scoped3A = tpu.sem_alloc : memref<!tpu.dma_semaphore, #tpu.memory_space<semaphore_mem>>
      %dma_start3A_74 = arith.constant 0 : i32
      %dma_start3A_75 = tpu.memref_slice %arg13[%add3A_14, %dma_start3A_74] : memref<10016x128xf32, #tpu.memory_space<vmem_shared>> -> memref<128x128xf32, #tpu.memory_space<vmem_shared>>
      tpu.enqueue_dma source(%arg7 : memref<128x128xf32, #tpu.memory_space<hbm>>) target(%dma_start3A_75 : memref<128x128xf32, #tpu.memory_space<vmem_shared>>) target_semaphore(%run_scoped3A : memref<!tpu.dma_semaphore, #tpu.memory_space<semaphore_mem>>)
      %dma_wait3A = arith.constant 0 : i32
      %dma_wait3A_76 = tpu.memref_slice %arg13[%add3A_14, %dma_wait3A] : memref<10016x128xf32, #tpu.memory_space<vmem_shared>> -> memref<128x128xf32, #tpu.memory_space<vmem_shared>>
      tpu.wait_dma2 semaphore(%run_scoped3A : memref<!tpu.dma_semaphore, #tpu.memory_space<semaphore_mem>>) src(%arg7 : memref<128x128xf32, #tpu.memory_space<hbm>>) dst(%dma_wait3A_76 : memref<128x128xf32, #tpu.memory_space<vmem_shared>>)
      tpu.yield
    }) : () -> ()
    %lt3A = arith.constant 15 : i32
    %lt3A_15 = arith.cmpi slt, %arg1, %lt3A : i32
    %convert_element_type3A_16 = arith.extui %lt3A_15 : i1 to i32
    %cond3A_17 = arith.constant 0 : i32
    %cond3A_18 = arith.cmpi ne, %convert_element_type3A_16, %cond3A_17 : i32
    scf.if %cond3A_18 {
      %add3A_74 = arith.constant 512 : i32
      %add3A_75 = arith.addi %mul3A_7, %add3A_74 : i32
      "tpu.region"() ({
        %run_scoped3A = tpu.sem_alloc : memref<!tpu.dma_semaphore, #tpu.memory_space<semaphore_mem>>
        %dma_start3A_76 = arith.constant 0 : i32
        %dma_start3A_77 = tpu.memref_slice %arg13[%add3A_75, %dma_start3A_76] : memref<10016x128xf32, #tpu.memory_space<vmem_shared>> -> memref<120x128xf32, #tpu.memory_space<vmem_shared>>
        %dma_start3A_78 = arith.constant 0 : i32
        %dma_start3A_79 = arith.constant 0 : i32
        %dma_start3A_80 = tpu.memref_slice %arg7[%dma_start3A_78, %dma_start3A_79] : memref<128x128xf32, #tpu.memory_space<hbm>> -> memref<120x128xf32, #tpu.memory_space<hbm>>
        tpu.enqueue_dma source(%dma_start3A_80 : memref<120x128xf32, #tpu.memory_space<hbm>>) target(%dma_start3A_77 : memref<120x128xf32, #tpu.memory_space<vmem_shared>>) target_semaphore(%run_scoped3A : memref<!tpu.dma_semaphore, #tpu.memory_space<semaphore_mem>>)
        %dma_wait3A = arith.constant 0 : i32
        %dma_wait3A_81 = tpu.memref_slice %arg13[%add3A_75, %dma_wait3A] : memref<10016x128xf32, #tpu.memory_space<vmem_shared>> -> memref<120x128xf32, #tpu.memory_space<vmem_shared>>
        %dma_wait3A_82 = arith.constant 0 : i32
        %dma_wait3A_83 = arith.constant 0 : i32
        %dma_wait3A_84 = tpu.memref_slice %arg7[%dma_wait3A_82, %dma_wait3A_83] : memref<128x128xf32, #tpu.memory_space<hbm>> -> memref<120x128xf32, #tpu.memory_space<hbm>>
        tpu.wait_dma2 semaphore(%run_scoped3A : memref<!tpu.dma_semaphore, #tpu.memory_space<semaphore_mem>>) src(%dma_wait3A_84 : memref<120x128xf32, #tpu.memory_space<hbm>>) dst(%dma_wait3A_81 : memref<120x128xf32, #tpu.memory_space<vmem_shared>>)
        tpu.yield
      }) : () -> ()
    } else {
    }
    %eq3A_19 = arith.constant 15 : i32
    %eq3A_20 = arith.cmpi eq, %arg1, %eq3A_19 : i32
    %convert_element_type3A_21 = arith.extui %eq3A_20 : i1 to i32
    %cond3A_22 = arith.constant 0 : i32
    %cond3A_23 = arith.cmpi ne, %convert_element_type3A_21, %cond3A_22 : i32
    scf.if %cond3A_23 {
      %add3A_74 = arith.constant 512 : i32
      %add3A_75 = arith.addi %mul3A_7, %add3A_74 : i32
      "tpu.region"() ({
        %run_scoped3A = tpu.sem_alloc : memref<!tpu.dma_semaphore, #tpu.memory_space<semaphore_mem>>
        %dma_start3A_76 = arith.constant 0 : i32
        %dma_start3A_77 = tpu.memref_slice %arg13[%add3A_75, %dma_start3A_76] : memref<10016x128xf32, #tpu.memory_space<vmem_shared>> -> memref<24x128xf32, #tpu.memory_space<vmem_shared>>
        %dma_start3A_78 = arith.constant 0 : i32
        %dma_start3A_79 = arith.constant 0 : i32
        %dma_start3A_80 = tpu.memref_slice %arg7[%dma_start3A_78, %dma_start3A_79] : memref<128x128xf32, #tpu.memory_space<hbm>> -> memref<24x128xf32, #tpu.memory_space<hbm>>
        tpu.enqueue_dma source(%dma_start3A_80 : memref<24x128xf32, #tpu.memory_space<hbm>>) target(%dma_start3A_77 : memref<24x128xf32, #tpu.memory_space<vmem_shared>>) target_semaphore(%run_scoped3A : memref<!tpu.dma_semaphore, #tpu.memory_space<semaphore_mem>>)
        %dma_wait3A = arith.constant 0 : i32
        %dma_wait3A_81 = tpu.memref_slice %arg13[%add3A_75, %dma_wait3A] : memref<10016x128xf32, #tpu.memory_space<vmem_shared>> -> memref<24x128xf32, #tpu.memory_space<vmem_shared>>
        %dma_wait3A_82 = arith.constant 0 : i32
        %dma_wait3A_83 = arith.constant 0 : i32
        %dma_wait3A_84 = tpu.memref_slice %arg7[%dma_wait3A_82, %dma_wait3A_83] : memref<128x128xf32, #tpu.memory_space<hbm>> -> memref<24x128xf32, #tpu.memory_space<hbm>>
        tpu.wait_dma2 semaphore(%run_scoped3A : memref<!tpu.dma_semaphore, #tpu.memory_space<semaphore_mem>>) src(%dma_wait3A_84 : memref<24x128xf32, #tpu.memory_space<hbm>>) dst(%dma_wait3A_81 : memref<24x128xf32, #tpu.memory_space<vmem_shared>>)
        tpu.yield
      }) : () -> ()
    } else {
    }
    %barrier3A = arith.constant 0 : index
    tpu.barrier barrier_id(%barrier3A)
    %eq3A_24 = arith.constant 0 : i32
    %eq3A_25 = arith.cmpi eq, %arg0, %eq3A_24 : i32
    %jit3A = arith.constant 160 : i32
    %jit3A_26 = arith.constant 118 : i32
    %select_n3A = arith.select %eq3A_25, %jit3A, %jit3A_26 : i32
    %dma_start3A = arith.constant 0 : i32
    %dma_start3A_27 = tpu.memref_slice %arg9[%dma_start3A] : memref<11520xi32, #tpu.memory_space<vmem>> -> memref<72xi32, #tpu.memory_space<vmem>>
    %dma_start3A_28 = arith.constant 0 : i32
    %dma_start3A_29 = arith.constant 0 : i32
    %dma_start3A_30 = tpu.memref_slice %arg2[%dma_start3A_28, %dma_start3A_29] : memref<10240x128xf32, #tpu.memory_space<hbm>> -> memref<10240x128xf32, #tpu.memory_space<hbm>>
    tpu.enqueue_indirect_dma source(%dma_start3A_30 : memref<10240x128xf32, #tpu.memory_space<hbm>>) target(%arg11 : memref<72x128xf32, #tpu.memory_space<vmem>>) offsets(%dma_start3A_27 : memref<72xi32, #tpu.memory_space<vmem>>) semaphore(%arg14 : memref<!tpu.dma_semaphore, #tpu.memory_space<semaphore_mem>>)
    %dma_start3A_31 = arith.constant 72 : i32
    %dma_start3A_32 = tpu.memref_slice %arg9[%dma_start3A_31] : memref<11520xi32, #tpu.memory_space<vmem>> -> memref<72xi32, #tpu.memory_space<vmem>>
    %dma_start3A_33 = arith.constant 0 : i32
    %dma_start3A_34 = arith.constant 0 : i32
    %dma_start3A_35 = tpu.memref_slice %arg2[%dma_start3A_33, %dma_start3A_34] : memref<10240x128xf32, #tpu.memory_space<hbm>> -> memref<10240x128xf32, #tpu.memory_space<hbm>>
    tpu.enqueue_indirect_dma source(%dma_start3A_35 : memref<10240x128xf32, #tpu.memory_space<hbm>>) target(%arg12 : memref<72x128xf32, #tpu.memory_space<vmem>>) offsets(%dma_start3A_32 : memref<72xi32, #tpu.memory_space<vmem>>) semaphore(%arg15 : memref<!tpu.dma_semaphore, #tpu.memory_space<semaphore_mem>>)
    %jit3A_36 = arith.constant 2 : i32
    %div3A = arith.divsi %select_n3A, %jit3A_36 : i32
    %sign3A = arith.constant 0 : i32
    %sign3A_37 = arith.cmpi sgt, %select_n3A, %sign3A : i32
    %sign3A_38 = arith.extui %sign3A_37 : i1 to i32
    %sign3A_39 = arith.constant 0 : i32
    %sign3A_40 = arith.cmpi slt, %select_n3A, %sign3A_39 : i32
    %sign3A_41 = arith.extui %sign3A_40 : i1 to i32
    %sign3A_42 = arith.subi %sign3A_38, %sign3A_41 : i32
    %sign3A_43 = arith.constant 0 : i32
    %sign3A_44 = arith.cmpi sgt, %jit3A_36, %sign3A_43 : i32
    %sign3A_45 = arith.extui %sign3A_44 : i1 to i32
    %sign3A_46 = arith.constant 0 : i32
    %sign3A_47 = arith.cmpi slt, %jit3A_36, %sign3A_46 : i32
    %sign3A_48 = arith.extui %sign3A_47 : i1 to i32
    %sign3A_49 = arith.subi %sign3A_45, %sign3A_48 : i32
    %ne3A = arith.cmpi ne, %sign3A_42, %sign3A_49 : i32
    %rem3A = arith.remsi %select_n3A, %jit3A_36 : i32
    %ne3A_50 = arith.constant 0 : i32
    %ne3A_51 = arith.cmpi ne, %rem3A, %ne3A_50 : i32
    %and3A = arith.andi %ne3A, %ne3A_51 : i1
    %sub3A = arith.constant 1 : i32
    %sub3A_52 = arith.subi %div3A, %sub3A : i32
    %select_n3A_53 = arith.select %and3A, %sub3A_52, %div3A : i32
    %while3A = arith.constant 0 : i32
    %while3A_54 = arith.constant 0 : i32
    %while3A_55 = arith.subi %select_n3A_53, %while3A_54 : i32
    %while3A_56 = arith.addi %while3A_54, %while3A_55 : i32
    %while3A_57 = arith.constant 1 : i32
    %while3A_58 = arith.divsi %while3A_55, %while3A_57 : i32
    %while3A_59 = arith.muli %while3A_58, %while3A_57 : i32
    %while3A_60 = arith.addi %while3A_54, %while3A_59 : i32
    %while3A_61 = arith.constant 1 : i32
    scf.for %while3A_74 = %while3A_54 to %while3A_60 step %while3A_61  : i32 {
      %mul3A_75 = arith.constant 2 : i32
      %mul3A_76 = arith.muli %mul3A_75, %while3A_74 : i32
      %mul3A_77 = arith.constant 72 : i32
      %mul3A_78 = arith.muli %mul3A_76, %mul3A_77 : i32
      %dma_wait3A = tpu.memref_slice %arg9[%mul3A_78] : memref<11520xi32, #tpu.memory_space<vmem>> -> memref<72xi32, #tpu.memory_space<vmem>>
      %dma_wait3A_79 = arith.constant 0 : i32
      %dma_wait3A_80 = arith.constant 0 : i32
      %dma_wait3A_81 = tpu.memref_slice %arg2[%dma_wait3A_79, %dma_wait3A_80] : memref<10240x128xf32, #tpu.memory_space<hbm>> -> memref<10240x128xf32, #tpu.memory_space<hbm>>
      tpu.wait_indirect_dma semaphore(%arg14 : memref<!tpu.dma_semaphore, #tpu.memory_space<semaphore_mem>>) src(%dma_wait3A_81 : memref<10240x128xf32, #tpu.memory_space<hbm>>) dst(%arg11 : memref<72x128xf32, #tpu.memory_space<vmem>>)
      %dma_start3A_82 = arith.constant 0 : i32
      %dma_start3A_83 = tpu.memref_slice %arg10[%mul3A_76, %dma_start3A_82] : memref<160x72xi32, #tpu.memory_space<vmem>> -> memref<1x72xi32, #tpu.memory_space<vmem>>
      %dma_start3A_84 = tpu.memref_squeeze %dma_start3A_83 : memref<1x72xi32, #tpu.memory_space<vmem>> -> memref<72xi32, #tpu.memory_space<vmem>>
      %dma_start3A_85 = arith.constant 0 : i32
      %dma_start3A_86 = arith.constant 0 : i32
      %dma_start3A_87 = tpu.memref_slice %arg13[%dma_start3A_85, %dma_start3A_86] : memref<10016x128xf32, #tpu.memory_space<vmem_shared>> -> memref<10016x128xf32, #tpu.memory_space<vmem_shared>>
      tpu.enqueue_indirect_dma source(%arg11 : memref<72x128xf32, #tpu.memory_space<vmem>>) target(%dma_start3A_87 : memref<10016x128xf32, #tpu.memory_space<vmem_shared>>) offsets(%dma_start3A_84 : memref<72xi32, #tpu.memory_space<vmem>>) semaphore(%arg16 : memref<!tpu.dma_semaphore, #tpu.memory_space<semaphore_mem>>) {add = true}
      %dma_wait3A_88 = arith.constant 0 : i32
      %dma_wait3A_89 = tpu.memref_slice %arg10[%mul3A_76, %dma_wait3A_88] : memref<160x72xi32, #tpu.memory_space<vmem>> -> memref<1x72xi32, #tpu.memory_space<vmem>>
      %dma_wait3A_90 = tpu.memref_squeeze %dma_wait3A_89 : memref<1x72xi32, #tpu.memory_space<vmem>> -> memref<72xi32, #tpu.memory_space<vmem>>
      %dma_wait3A_91 = arith.constant 0 : i32
      %dma_wait3A_92 = arith.constant 0 : i32
      %dma_wait3A_93 = tpu.memref_slice %arg13[%dma_wait3A_91, %dma_wait3A_92] : memref<10016x128xf32, #tpu.memory_space<vmem_shared>> -> memref<10016x128xf32, #tpu.memory_space<vmem_shared>>
      tpu.wait_indirect_dma semaphore(%arg16 : memref<!tpu.dma_semaphore, #tpu.memory_space<semaphore_mem>>) src(%arg11 : memref<72x128xf32, #tpu.memory_space<vmem>>) dst(%dma_wait3A_93 : memref<10016x128xf32, #tpu.memory_space<vmem_shared>>)
      %add3A_94 = arith.constant 2 : i32
      %add3A_95 = arith.addi %mul3A_76, %add3A_94 : i32
      %lt3A_96 = arith.cmpi slt, %add3A_95, %select_n3A : i32
      %convert_element_type3A_97 = arith.extui %lt3A_96 : i1 to i32
      %cond3A_98 = arith.constant 0 : i32
      %cond3A_99 = arith.cmpi ne, %convert_element_type3A_97, %cond3A_98 : i32
      scf.if %cond3A_99 {
        %add3A_128 = arith.constant 2 : i32
        %add3A_129 = arith.addi %mul3A_76, %add3A_128 : i32
        %mul3A_130 = arith.constant 72 : i32
        %mul3A_131 = arith.muli %add3A_129, %mul3A_130 : i32
        %dma_start3A_132 = tpu.memref_slice %arg9[%mul3A_131] : memref<11520xi32, #tpu.memory_space<vmem>> -> memref<72xi32, #tpu.memory_space<vmem>>
        %dma_start3A_133 = arith.constant 0 : i32
        %dma_start3A_134 = arith.constant 0 : i32
        %dma_start3A_135 = tpu.memref_slice %arg2[%dma_start3A_133, %dma_start3A_134] : memref<10240x128xf32, #tpu.memory_space<hbm>> -> memref<10240x128xf32, #tpu.memory_space<hbm>>
        tpu.enqueue_indirect_dma source(%dma_start3A_135 : memref<10240x128xf32, #tpu.memory_space<hbm>>) target(%arg11 : memref<72x128xf32, #tpu.memory_space<vmem>>) offsets(%dma_start3A_132 : memref<72xi32, #tpu.memory_space<vmem>>) semaphore(%arg14 : memref<!tpu.dma_semaphore, #tpu.memory_space<semaphore_mem>>)
      } else {
      }
      %add3A_100 = arith.constant 1 : i32
      %add3A_101 = arith.addi %mul3A_76, %add3A_100 : i32
      %mul3A_102 = arith.constant 72 : i32
      %mul3A_103 = arith.muli %add3A_101, %mul3A_102 : i32
      %dma_wait3A_104 = tpu.memref_slice %arg9[%mul3A_103] : memref<11520xi32, #tpu.memory_space<vmem>> -> memref<72xi32, #tpu.memory_space<vmem>>
      %dma_wait3A_105 = arith.constant 0 : i32
      %dma_wait3A_106 = arith.constant 0 : i32
      %dma_wait3A_107 = tpu.memref_slice %arg2[%dma_wait3A_105, %dma_wait3A_106] : memref<10240x128xf32, #tpu.memory_space<hbm>> -> memref<10240x128xf32, #tpu.memory_space<hbm>>
      tpu.wait_indirect_dma semaphore(%arg15 : memref<!tpu.dma_semaphore, #tpu.memory_space<semaphore_mem>>) src(%dma_wait3A_107 : memref<10240x128xf32, #tpu.memory_space<hbm>>) dst(%arg12 : memref<72x128xf32, #tpu.memory_space<vmem>>)
      %add3A_108 = arith.constant 1 : i32
      %add3A_109 = arith.addi %mul3A_76, %add3A_108 : i32
      %dma_start3A_110 = arith.constant 0 : i32
      %dma_start3A_111 = tpu.memref_slice %arg10[%add3A_109, %dma_start3A_110] : memref<160x72xi32, #tpu.memory_space<vmem>> -> memref<1x72xi32, #tpu.memory_space<vmem>>
      %dma_start3A_112 = tpu.memref_squeeze %dma_start3A_111 : memref<1x72xi32, #tpu.memory_space<vmem>> -> memref<72xi32, #tpu.memory_space<vmem>>
      %dma_start3A_113 = arith.constant 0 : i32
      %dma_start3A_114 = arith.constant 0 : i32
      %dma_start3A_115 = tpu.memref_slice %arg13[%dma_start3A_113, %dma_start3A_114] : memref<10016x128xf32, #tpu.memory_space<vmem_shared>> -> memref<10016x128xf32, #tpu.memory_space<vmem_shared>>
      tpu.enqueue_indirect_dma source(%arg12 : memref<72x128xf32, #tpu.memory_space<vmem>>) target(%dma_start3A_115 : memref<10016x128xf32, #tpu.memory_space<vmem_shared>>) offsets(%dma_start3A_112 : memref<72xi32, #tpu.memory_space<vmem>>) semaphore(%arg17 : memref<!tpu.dma_semaphore, #tpu.memory_space<semaphore_mem>>) {add = true}
      %dma_wait3A_116 = arith.constant 0 : i32
      %dma_wait3A_117 = tpu.memref_slice %arg10[%add3A_109, %dma_wait3A_116] : memref<160x72xi32, #tpu.memory_space<vmem>> -> memref<1x72xi32, #tpu.memory_space<vmem>>
      %dma_wait3A_118 = tpu.memref_squeeze %dma_wait3A_117 : memref<1x72xi32, #tpu.memory_space<vmem>> -> memref<72xi32, #tpu.memory_space<vmem>>
      %dma_wait3A_119 = arith.constant 0 : i32
      %dma_wait3A_120 = arith.constant 0 : i32
      %dma_wait3A_121 = tpu.memref_slice %arg13[%dma_wait3A_119, %dma_wait3A_120] : memref<10016x128xf32, #tpu.memory_space<vmem_shared>> -> memref<10016x128xf32, #tpu.memory_space<vmem_shared>>
      tpu.wait_indirect_dma semaphore(%arg17 : memref<!tpu.dma_semaphore, #tpu.memory_space<semaphore_mem>>) src(%arg12 : memref<72x128xf32, #tpu.memory_space<vmem>>) dst(%dma_wait3A_121 : memref<10016x128xf32, #tpu.memory_space<vmem_shared>>)
      %add3A_122 = arith.constant 3 : i32
      %add3A_123 = arith.addi %mul3A_76, %add3A_122 : i32
      %lt3A_124 = arith.cmpi slt, %add3A_123, %select_n3A : i32
      %convert_element_type3A_125 = arith.extui %lt3A_124 : i1 to i32
      %cond3A_126 = arith.constant 0 : i32
      %cond3A_127 = arith.cmpi ne, %convert_element_type3A_125, %cond3A_126 : i32
      scf.if %cond3A_127 {
        %add3A_128 = arith.constant 3 : i32
        %add3A_129 = arith.addi %mul3A_76, %add3A_128 : i32
        %mul3A_130 = arith.constant 72 : i32
        %mul3A_131 = arith.muli %add3A_129, %mul3A_130 : i32
        %dma_start3A_132 = tpu.memref_slice %arg9[%mul3A_131] : memref<11520xi32, #tpu.memory_space<vmem>> -> memref<72xi32, #tpu.memory_space<vmem>>
        %dma_start3A_133 = arith.constant 0 : i32
        %dma_start3A_134 = arith.constant 0 : i32
        %dma_start3A_135 = tpu.memref_slice %arg2[%dma_start3A_133, %dma_start3A_134] : memref<10240x128xf32, #tpu.memory_space<hbm>> -> memref<10240x128xf32, #tpu.memory_space<hbm>>
        tpu.enqueue_indirect_dma source(%dma_start3A_135 : memref<10240x128xf32, #tpu.memory_space<hbm>>) target(%arg12 : memref<72x128xf32, #tpu.memory_space<vmem>>) offsets(%dma_start3A_132 : memref<72xi32, #tpu.memory_space<vmem>>) semaphore(%arg15 : memref<!tpu.dma_semaphore, #tpu.memory_space<semaphore_mem>>)
      } else {
      }
    }
    %while3A_62 = arith.constant 1 : i32
    scf.for %while3A_74 = %while3A_60 to %while3A_56 step %while3A_62  : i32 {
      %mul3A_75 = arith.constant 2 : i32
      %mul3A_76 = arith.muli %mul3A_75, %while3A_74 : i32
      %mul3A_77 = arith.constant 72 : i32
      %mul3A_78 = arith.muli %mul3A_76, %mul3A_77 : i32
      %dma_wait3A = tpu.memref_slice %arg9[%mul3A_78] : memref<11520xi32, #tpu.memory_space<vmem>> -> memref<72xi32, #tpu.memory_space<vmem>>
      %dma_wait3A_79 = arith.constant 0 : i32
      %dma_wait3A_80 = arith.constant 0 : i32
      %dma_wait3A_81 = tpu.memref_slice %arg2[%dma_wait3A_79, %dma_wait3A_80] : memref<10240x128xf32, #tpu.memory_space<hbm>> -> memref<10240x128xf32, #tpu.memory_space<hbm>>
      tpu.wait_indirect_dma semaphore(%arg14 : memref<!tpu.dma_semaphore, #tpu.memory_space<semaphore_mem>>) src(%dma_wait3A_81 : memref<10240x128xf32, #tpu.memory_space<hbm>>) dst(%arg11 : memref<72x128xf32, #tpu.memory_space<vmem>>)
      %dma_start3A_82 = arith.constant 0 : i32
      %dma_start3A_83 = tpu.memref_slice %arg10[%mul3A_76, %dma_start3A_82] : memref<160x72xi32, #tpu.memory_space<vmem>> -> memref<1x72xi32, #tpu.memory_space<vmem>>
      %dma_start3A_84 = tpu.memref_squeeze %dma_start3A_83 : memref<1x72xi32, #tpu.memory_space<vmem>> -> memref<72xi32, #tpu.memory_space<vmem>>
      %dma_start3A_85 = arith.constant 0 : i32
      %dma_start3A_86 = arith.constant 0 : i32
      %dma_start3A_87 = tpu.memref_slice %arg13[%dma_start3A_85, %dma_start3A_86] : memref<10016x128xf32, #tpu.memory_space<vmem_shared>> -> memref<10016x128xf32, #tpu.memory_space<vmem_shared>>
      tpu.enqueue_indirect_dma source(%arg11 : memref<72x128xf32, #tpu.memory_space<vmem>>) target(%dma_start3A_87 : memref<10016x128xf32, #tpu.memory_space<vmem_shared>>) offsets(%dma_start3A_84 : memref<72xi32, #tpu.memory_space<vmem>>) semaphore(%arg16 : memref<!tpu.dma_semaphore, #tpu.memory_space<semaphore_mem>>) {add = true}
      %dma_wait3A_88 = arith.constant 0 : i32
      %dma_wait3A_89 = tpu.memref_slice %arg10[%mul3A_76, %dma_wait3A_88] : memref<160x72xi32, #tpu.memory_space<vmem>> -> memref<1x72xi32, #tpu.memory_space<vmem>>
      %dma_wait3A_90 = tpu.memref_squeeze %dma_wait3A_89 : memref<1x72xi32, #tpu.memory_space<vmem>> -> memref<72xi32, #tpu.memory_space<vmem>>
      %dma_wait3A_91 = arith.constant 0 : i32
      %dma_wait3A_92 = arith.constant 0 : i32
      %dma_wait3A_93 = tpu.memref_slice %arg13[%dma_wait3A_91, %dma_wait3A_92] : memref<10016x128xf32, #tpu.memory_space<vmem_shared>> -> memref<10016x128xf32, #tpu.memory_space<vmem_shared>>
      tpu.wait_indirect_dma semaphore(%arg16 : memref<!tpu.dma_semaphore, #tpu.memory_space<semaphore_mem>>) src(%arg11 : memref<72x128xf32, #tpu.memory_space<vmem>>) dst(%dma_wait3A_93 : memref<10016x128xf32, #tpu.memory_space<vmem_shared>>)
      %add3A_94 = arith.constant 2 : i32
      %add3A_95 = arith.addi %mul3A_76, %add3A_94 : i32
      %lt3A_96 = arith.cmpi slt, %add3A_95, %select_n3A : i32
      %convert_element_type3A_97 = arith.extui %lt3A_96 : i1 to i32
      %cond3A_98 = arith.constant 0 : i32
      %cond3A_99 = arith.cmpi ne, %convert_element_type3A_97, %cond3A_98 : i32
      scf.if %cond3A_99 {
        %add3A_128 = arith.constant 2 : i32
        %add3A_129 = arith.addi %mul3A_76, %add3A_128 : i32
        %mul3A_130 = arith.constant 72 : i32
        %mul3A_131 = arith.muli %add3A_129, %mul3A_130 : i32
        %dma_start3A_132 = tpu.memref_slice %arg9[%mul3A_131] : memref<11520xi32, #tpu.memory_space<vmem>> -> memref<72xi32, #tpu.memory_space<vmem>>
        %dma_start3A_133 = arith.constant 0 : i32
        %dma_start3A_134 = arith.constant 0 : i32
        %dma_start3A_135 = tpu.memref_slice %arg2[%dma_start3A_133, %dma_start3A_134] : memref<10240x128xf32, #tpu.memory_space<hbm>> -> memref<10240x128xf32, #tpu.memory_space<hbm>>
        tpu.enqueue_indirect_dma source(%dma_start3A_135 : memref<10240x128xf32, #tpu.memory_space<hbm>>) target(%arg11 : memref<72x128xf32, #tpu.memory_space<vmem>>) offsets(%dma_start3A_132 : memref<72xi32, #tpu.memory_space<vmem>>) semaphore(%arg14 : memref<!tpu.dma_semaphore, #tpu.memory_space<semaphore_mem>>)
      } else {
      }
      %add3A_100 = arith.constant 1 : i32
      %add3A_101 = arith.addi %mul3A_76, %add3A_100 : i32
      %mul3A_102 = arith.constant 72 : i32
      %mul3A_103 = arith.muli %add3A_101, %mul3A_102 : i32
      %dma_wait3A_104 = tpu.memref_slice %arg9[%mul3A_103] : memref<11520xi32, #tpu.memory_space<vmem>> -> memref<72xi32, #tpu.memory_space<vmem>>
      %dma_wait3A_105 = arith.constant 0 : i32
      %dma_wait3A_106 = arith.constant 0 : i32
      %dma_wait3A_107 = tpu.memref_slice %arg2[%dma_wait3A_105, %dma_wait3A_106] : memref<10240x128xf32, #tpu.memory_space<hbm>> -> memref<10240x128xf32, #tpu.memory_space<hbm>>
      tpu.wait_indirect_dma semaphore(%arg15 : memref<!tpu.dma_semaphore, #tpu.memory_space<semaphore_mem>>) src(%dma_wait3A_107 : memref<10240x128xf32, #tpu.memory_space<hbm>>) dst(%arg12 : memref<72x128xf32, #tpu.memory_space<vmem>>)
      %add3A_108 = arith.constant 1 : i32
      %add3A_109 = arith.addi %mul3A_76, %add3A_108 : i32
      %dma_start3A_110 = arith.constant 0 : i32
      %dma_start3A_111 = tpu.memref_slice %arg10[%add3A_109, %dma_start3A_110] : memref<160x72xi32, #tpu.memory_space<vmem>> -> memref<1x72xi32, #tpu.memory_space<vmem>>
      %dma_start3A_112 = tpu.memref_squeeze %dma_start3A_111 : memref<1x72xi32, #tpu.memory_space<vmem>> -> memref<72xi32, #tpu.memory_space<vmem>>
      %dma_start3A_113 = arith.constant 0 : i32
      %dma_start3A_114 = arith.constant 0 : i32
      %dma_start3A_115 = tpu.memref_slice %arg13[%dma_start3A_113, %dma_start3A_114] : memref<10016x128xf32, #tpu.memory_space<vmem_shared>> -> memref<10016x128xf32, #tpu.memory_space<vmem_shared>>
      tpu.enqueue_indirect_dma source(%arg12 : memref<72x128xf32, #tpu.memory_space<vmem>>) target(%dma_start3A_115 : memref<10016x128xf32, #tpu.memory_space<vmem_shared>>) offsets(%dma_start3A_112 : memref<72xi32, #tpu.memory_space<vmem>>) semaphore(%arg17 : memref<!tpu.dma_semaphore, #tpu.memory_space<semaphore_mem>>) {add = true}
      %dma_wait3A_116 = arith.constant 0 : i32
      %dma_wait3A_117 = tpu.memref_slice %arg10[%add3A_109, %dma_wait3A_116] : memref<160x72xi32, #tpu.memory_space<vmem>> -> memref<1x72xi32, #tpu.memory_space<vmem>>
      %dma_wait3A_118 = tpu.memref_squeeze %dma_wait3A_117 : memref<1x72xi32, #tpu.memory_space<vmem>> -> memref<72xi32, #tpu.memory_space<vmem>>
      %dma_wait3A_119 = arith.constant 0 : i32
      %dma_wait3A_120 = arith.constant 0 : i32
      %dma_wait3A_121 = tpu.memref_slice %arg13[%dma_wait3A_119, %dma_wait3A_120] : memref<10016x128xf32, #tpu.memory_space<vmem_shared>> -> memref<10016x128xf32, #tpu.memory_space<vmem_shared>>
      tpu.wait_indirect_dma semaphore(%arg17 : memref<!tpu.dma_semaphore, #tpu.memory_space<semaphore_mem>>) src(%arg12 : memref<72x128xf32, #tpu.memory_space<vmem>>) dst(%dma_wait3A_121 : memref<10016x128xf32, #tpu.memory_space<vmem_shared>>)
      %add3A_122 = arith.constant 3 : i32
      %add3A_123 = arith.addi %mul3A_76, %add3A_122 : i32
      %lt3A_124 = arith.cmpi slt, %add3A_123, %select_n3A : i32
      %convert_element_type3A_125 = arith.extui %lt3A_124 : i1 to i32
      %cond3A_126 = arith.constant 0 : i32
      %cond3A_127 = arith.cmpi ne, %convert_element_type3A_125, %cond3A_126 : i32
      scf.if %cond3A_127 {
        %add3A_128 = arith.constant 3 : i32
        %add3A_129 = arith.addi %mul3A_76, %add3A_128 : i32
        %mul3A_130 = arith.constant 72 : i32
        %mul3A_131 = arith.muli %add3A_129, %mul3A_130 : i32
        %dma_start3A_132 = tpu.memref_slice %arg9[%mul3A_131] : memref<11520xi32, #tpu.memory_space<vmem>> -> memref<72xi32, #tpu.memory_space<vmem>>
        %dma_start3A_133 = arith.constant 0 : i32
        %dma_start3A_134 = arith.constant 0 : i32
        %dma_start3A_135 = tpu.memref_slice %arg2[%dma_start3A_133, %dma_start3A_134] : memref<10240x128xf32, #tpu.memory_space<hbm>> -> memref<10240x128xf32, #tpu.memory_space<hbm>>
        tpu.enqueue_indirect_dma source(%dma_start3A_135 : memref<10240x128xf32, #tpu.memory_space<hbm>>) target(%arg12 : memref<72x128xf32, #tpu.memory_space<vmem>>) offsets(%dma_start3A_132 : memref<72xi32, #tpu.memory_space<vmem>>) semaphore(%arg15 : memref<!tpu.dma_semaphore, #tpu.memory_space<semaphore_mem>>)
      } else {
      }
    }
    %barrier3A_63 = arith.constant 0 : index
    tpu.barrier barrier_id(%barrier3A_63)
    %lt3A_64 = arith.constant 15 : i32
    %lt3A_65 = arith.cmpi slt, %arg1, %lt3A_64 : i32
    %convert_element_type3A_66 = arith.extui %lt3A_65 : i1 to i32
    %cond3A_67 = arith.constant 0 : i32
    %cond3A_68 = arith.cmpi ne, %convert_element_type3A_66, %cond3A_67 : i32
    scf.if %cond3A_68 {
      "tpu.region"() ({
        %run_scoped3A = tpu.sem_alloc : memref<!tpu.dma_semaphore, #tpu.memory_space<semaphore_mem>>
        %dma_start3A_74 = arith.constant 0 : i32
        %dma_start3A_75 = arith.constant 0 : i32
        %dma_start3A_76 = tpu.memref_slice %arg8[%arg0, %dma_start3A_74, %dma_start3A_75] : memref<2x10240x128xf32, #tpu.memory_space<hbm>> -> memref<1x10240x128xf32, #tpu.memory_space<hbm>>
        %dma_start3A_77 = tpu.memref_squeeze %dma_start3A_76 : memref<1x10240x128xf32, #tpu.memory_space<hbm>> -> memref<10240x128xf32, #tpu.memory_space<hbm>>
        %dma_start3A_78 = arith.constant 0 : i32
        %dma_start3A_79 = tpu.memref_slice %dma_start3A_77[%mul3A_7, %dma_start3A_78] : memref<10240x128xf32, #tpu.memory_space<hbm>> -> memref<632x128xf32, #tpu.memory_space<hbm>>
        %dma_start3A_80 = arith.constant 0 : i32
        %dma_start3A_81 = tpu.memref_slice %arg13[%mul3A_7, %dma_start3A_80] : memref<10016x128xf32, #tpu.memory_space<vmem_shared>> -> memref<632x128xf32, #tpu.memory_space<vmem_shared>>
        tpu.enqueue_dma source(%dma_start3A_81 : memref<632x128xf32, #tpu.memory_space<vmem_shared>>) target(%dma_start3A_79 : memref<632x128xf32, #tpu.memory_space<hbm>>) target_semaphore(%run_scoped3A : memref<!tpu.dma_semaphore, #tpu.memory_space<semaphore_mem>>)
        %dma_wait3A = arith.constant 0 : i32
        %dma_wait3A_82 = arith.constant 0 : i32
        %dma_wait3A_83 = tpu.memref_slice %arg8[%arg0, %dma_wait3A, %dma_wait3A_82] : memref<2x10240x128xf32, #tpu.memory_space<hbm>> -> memref<1x10240x128xf32, #tpu.memory_space<hbm>>
        %dma_wait3A_84 = tpu.memref_squeeze %dma_wait3A_83 : memref<1x10240x128xf32, #tpu.memory_space<hbm>> -> memref<10240x128xf32, #tpu.memory_space<hbm>>
        %dma_wait3A_85 = arith.constant 0 : i32
        %dma_wait3A_86 = tpu.memref_slice %dma_wait3A_84[%mul3A_7, %dma_wait3A_85] : memref<10240x128xf32, #tpu.memory_space<hbm>> -> memref<632x128xf32, #tpu.memory_space<hbm>>
        %dma_wait3A_87 = arith.constant 0 : i32
        %dma_wait3A_88 = tpu.memref_slice %arg13[%mul3A_7, %dma_wait3A_87] : memref<10016x128xf32, #tpu.memory_space<vmem_shared>> -> memref<632x128xf32, #tpu.memory_space<vmem_shared>>
        tpu.wait_dma2 semaphore(%run_scoped3A : memref<!tpu.dma_semaphore, #tpu.memory_space<semaphore_mem>>) src(%dma_wait3A_88 : memref<632x128xf32, #tpu.memory_space<vmem_shared>>) dst(%dma_wait3A_86 : memref<632x128xf32, #tpu.memory_space<hbm>>)
        tpu.yield
      }) : () -> ()
    } else {
    }
    %eq3A_69 = arith.constant 15 : i32
    %eq3A_70 = arith.cmpi eq, %arg1, %eq3A_69 : i32
    %convert_element_type3A_71 = arith.extui %eq3A_70 : i1 to i32
    %cond3A_72 = arith.constant 0 : i32
    %cond3A_73 = arith.cmpi ne, %convert_element_type3A_71, %cond3A_72 : i32
    scf.if %cond3A_73 {
      "tpu.region"() ({
        %run_scoped3A = tpu.sem_alloc : memref<!tpu.dma_semaphore, #tpu.memory_space<semaphore_mem>>
        %dma_start3A_74 = arith.constant 0 : i32
        %dma_start3A_75 = arith.constant 0 : i32
        %dma_start3A_76 = tpu.memref_slice %arg8[%arg0, %dma_start3A_74, %dma_start3A_75] : memref<2x10240x128xf32, #tpu.memory_space<hbm>> -> memref<1x10240x128xf32, #tpu.memory_space<hbm>>
        %dma_start3A_77 = tpu.memref_squeeze %dma_start3A_76 : memref<1x10240x128xf32, #tpu.memory_space<hbm>> -> memref<10240x128xf32, #tpu.memory_space<hbm>>
        %dma_start3A_78 = arith.constant 0 : i32
        %dma_start3A_79 = tpu.memref_slice %dma_start3A_77[%mul3A_7, %dma_start3A_78] : memref<10240x128xf32, #tpu.memory_space<hbm>> -> memref<536x128xf32, #tpu.memory_space<hbm>>
        %dma_start3A_80 = arith.constant 0 : i32
        %dma_start3A_81 = tpu.memref_slice %arg13[%mul3A_7, %dma_start3A_80] : memref<10016x128xf32, #tpu.memory_space<vmem_shared>> -> memref<536x128xf32, #tpu.memory_space<vmem_shared>>
        tpu.enqueue_dma source(%dma_start3A_81 : memref<536x128xf32, #tpu.memory_space<vmem_shared>>) target(%dma_start3A_79 : memref<536x128xf32, #tpu.memory_space<hbm>>) target_semaphore(%run_scoped3A : memref<!tpu.dma_semaphore, #tpu.memory_space<semaphore_mem>>)
        %dma_wait3A = arith.constant 0 : i32
        %dma_wait3A_82 = arith.constant 0 : i32
        %dma_wait3A_83 = tpu.memref_slice %arg8[%arg0, %dma_wait3A, %dma_wait3A_82] : memref<2x10240x128xf32, #tpu.memory_space<hbm>> -> memref<1x10240x128xf32, #tpu.memory_space<hbm>>
        %dma_wait3A_84 = tpu.memref_squeeze %dma_wait3A_83 : memref<1x10240x128xf32, #tpu.memory_space<hbm>> -> memref<10240x128xf32, #tpu.memory_space<hbm>>
        %dma_wait3A_85 = arith.constant 0 : i32
        %dma_wait3A_86 = tpu.memref_slice %dma_wait3A_84[%mul3A_7, %dma_wait3A_85] : memref<10240x128xf32, #tpu.memory_space<hbm>> -> memref<536x128xf32, #tpu.memory_space<hbm>>
        %dma_wait3A_87 = arith.constant 0 : i32
        %dma_wait3A_88 = tpu.memref_slice %arg13[%mul3A_7, %dma_wait3A_87] : memref<10016x128xf32, #tpu.memory_space<vmem_shared>> -> memref<536x128xf32, #tpu.memory_space<vmem_shared>>
        tpu.wait_dma2 semaphore(%run_scoped3A : memref<!tpu.dma_semaphore, #tpu.memory_space<semaphore_mem>>) src(%dma_wait3A_88 : memref<536x128xf32, #tpu.memory_space<vmem_shared>>) dst(%dma_wait3A_86 : memref<536x128xf32, #tpu.memory_space<hbm>>)
        tpu.yield
      }) : () -> ()
    } else {
    }
    return
  }
}

module attributes {stable_mosaic.version = 14 : i64} {
  func.func @_scale_body(%arg0: i32, %arg1: memref<32x1x4x128xf32, #tpu.memory_space<vmem>>, %arg2: memref<512x128xf32, #tpu.memory_space<vmem>>, %arg3: memref<512x128xf32, #tpu.memory_space<vmem>>, %arg4: memref<512x128xf32, #tpu.memory_space<vmem>>) attributes {dimension_semantics = [#tpu.dimension_semantics<arbitrary>], iteration_bounds = array<i64: 20>, scalar_prefetch = 0 : i64, scratch_operands = 0 : i64, tpu.core_type = #tpu.core_type<tc>, window_params = [{transform_indices = @transform_0, window_bounds = array<i64: 32, 1, 4, 128>}, {transform_indices = @transform_1, window_bounds = array<i64: 512, 128>}, {transform_indices = @transform_2, window_bounds = array<i64: 512, 128>}, {transform_indices = @transform_3, window_bounds = array<i64: 512, 128>}]} {
    %get3A = arith.constant 0 : index
    %get3A_0 = arith.constant 0 : index
    %get3A_1 = arith.constant 0 : index
    %get3A_2 = arith.constant 0 : index
    %get3A_3 = vector.load %arg1[%get3A, %get3A_0, %get3A_1, %get3A_2] : memref<32x1x4x128xf32, #tpu.memory_space<vmem>>, vector<32x1x4x128xf32>
    %reduce_sum3A = arith.constant dense<0.000000e+00> : vector<1x4x128xf32>
    %reduce_sum3A_4 = vector.multi_reduction <add>, %get3A_3, %reduce_sum3A [0] : vector<32x1x4x128xf32> to vector<1x4x128xf32>
    %squeeze3A = vector.shape_cast %reduce_sum3A_4 : vector<1x4x128xf32> to vector<4x128xf32>
    %iota3A = tpu.iota {dimensions = array<i32: 0>} : vector<128x128xi32>
    %iota3A_5 = tpu.iota {dimensions = array<i32: 1>} : vector<128x128xi32>
    %eq3A = arith.cmpi eq, %iota3A, %iota3A_5 : vector<128x128xi32>
    %jit3A = arith.constant 1.000000e+00 : f32
    %jit3A_6 = arith.constant 0.000000e+00 : f32
    %broadcast_in_dim3A = vector.broadcast %jit3A : f32 to vector<128x128xf32>
    %broadcast_in_dim3A_7 = vector.broadcast %jit3A_6 : f32 to vector<128x128xf32>
    %select_n3A = arith.select %eq3A, %broadcast_in_dim3A, %broadcast_in_dim3A_7 : vector<128x128xi1>, vector<128x128xf32>
    %broadcast_in_dim3A_8 = arith.constant 1.000000e+00 : f32
    %broadcast_in_dim3A_9 = vector.broadcast %broadcast_in_dim3A_8 : f32 to vector<128x128xf32>
    %slice3A = vector.extract_strided_slice %squeeze3A {offsets = [0, 0], sizes = [1, 128], strides = [1, 1]} : vector<4x128xf32> to vector<1x128xf32>
    %squeeze3A_10 = vector.shape_cast %slice3A : vector<1x128xf32> to vector<128xf32>
    %broadcast_in_dim3A_11 = vector.shape_cast %squeeze3A_10 : vector<128xf32> to vector<1x128xf32>
    %broadcast_in_dim3A_12 = vector.shape_cast %broadcast_in_dim3A_11 : vector<1x128xf32> to vector<1x128xf32>
    %broadcast_in_dim3A_13 = vector.broadcast %broadcast_in_dim3A_12 : vector<1x128xf32> to vector<128x128xf32>
    %mul3A = arith.mulf %broadcast_in_dim3A_13, %select_n3A : vector<128x128xf32>
    %dot_general3A = arith.constant dense<0.000000e+00> : vector<128x128xf32>
    %dot_general3A_14 = tpu.matmul %mul3A, %broadcast_in_dim3A_9, %dot_general3A {dimension_numbers = #tpu.dot_dimension_numbers<[1], [0], [0], [1], [0, 0, 1, 1], [], []>, precision = #tpu.contract_precision<fp32>, transpose_lhs_hint = false} : vector<128x128xf32>, vector<128x128xf32>, vector<128x128xf32> -> vector<128x128xf32>
    %slice3A_15 = vector.extract_strided_slice %squeeze3A {offsets = [1, 0], sizes = [1, 128], strides = [1, 1]} : vector<4x128xf32> to vector<1x128xf32>
    %squeeze3A_16 = vector.shape_cast %slice3A_15 : vector<1x128xf32> to vector<128xf32>
    %broadcast_in_dim3A_17 = vector.shape_cast %squeeze3A_16 : vector<128xf32> to vector<1x128xf32>
    %broadcast_in_dim3A_18 = vector.shape_cast %broadcast_in_dim3A_17 : vector<1x128xf32> to vector<1x128xf32>
    %broadcast_in_dim3A_19 = vector.broadcast %broadcast_in_dim3A_18 : vector<1x128xf32> to vector<128x128xf32>
    %mul3A_20 = arith.mulf %broadcast_in_dim3A_19, %select_n3A : vector<128x128xf32>
    %dot_general3A_21 = arith.constant dense<0.000000e+00> : vector<128x128xf32>
    %dot_general3A_22 = tpu.matmul %mul3A_20, %broadcast_in_dim3A_9, %dot_general3A_21 {dimension_numbers = #tpu.dot_dimension_numbers<[1], [0], [0], [1], [0, 0, 1, 1], [], []>, precision = #tpu.contract_precision<fp32>, transpose_lhs_hint = false} : vector<128x128xf32>, vector<128x128xf32>, vector<128x128xf32> -> vector<128x128xf32>
    %slice3A_23 = vector.extract_strided_slice %squeeze3A {offsets = [2, 0], sizes = [1, 128], strides = [1, 1]} : vector<4x128xf32> to vector<1x128xf32>
    %squeeze3A_24 = vector.shape_cast %slice3A_23 : vector<1x128xf32> to vector<128xf32>
    %broadcast_in_dim3A_25 = vector.shape_cast %squeeze3A_24 : vector<128xf32> to vector<1x128xf32>
    %broadcast_in_dim3A_26 = vector.shape_cast %broadcast_in_dim3A_25 : vector<1x128xf32> to vector<1x128xf32>
    %broadcast_in_dim3A_27 = vector.broadcast %broadcast_in_dim3A_26 : vector<1x128xf32> to vector<128x128xf32>
    %mul3A_28 = arith.mulf %broadcast_in_dim3A_27, %select_n3A : vector<128x128xf32>
    %dot_general3A_29 = arith.constant dense<0.000000e+00> : vector<128x128xf32>
    %dot_general3A_30 = tpu.matmul %mul3A_28, %broadcast_in_dim3A_9, %dot_general3A_29 {dimension_numbers = #tpu.dot_dimension_numbers<[1], [0], [0], [1], [0, 0, 1, 1], [], []>, precision = #tpu.contract_precision<fp32>, transpose_lhs_hint = false} : vector<128x128xf32>, vector<128x128xf32>, vector<128x128xf32> -> vector<128x128xf32>
    %slice3A_31 = vector.extract_strided_slice %squeeze3A {offsets = [3, 0], sizes = [1, 128], strides = [1, 1]} : vector<4x128xf32> to vector<1x128xf32>
    %squeeze3A_32 = vector.shape_cast %slice3A_31 : vector<1x128xf32> to vector<128xf32>
    %broadcast_in_dim3A_33 = vector.shape_cast %squeeze3A_32 : vector<128xf32> to vector<1x128xf32>
    %broadcast_in_dim3A_34 = vector.shape_cast %broadcast_in_dim3A_33 : vector<1x128xf32> to vector<1x128xf32>
    %broadcast_in_dim3A_35 = vector.broadcast %broadcast_in_dim3A_34 : vector<1x128xf32> to vector<128x128xf32>
    %mul3A_36 = arith.mulf %broadcast_in_dim3A_35, %select_n3A : vector<128x128xf32>
    %dot_general3A_37 = arith.constant dense<0.000000e+00> : vector<128x128xf32>
    %dot_general3A_38 = tpu.matmul %mul3A_36, %broadcast_in_dim3A_9, %dot_general3A_37 {dimension_numbers = #tpu.dot_dimension_numbers<[1], [0], [0], [1], [0, 0, 1, 1], [], []>, precision = #tpu.contract_precision<fp32>, transpose_lhs_hint = false} : vector<128x128xf32>, vector<128x128xf32>, vector<128x128xf32> -> vector<128x128xf32>
    %concatenate3A = tpu.concatenate %dot_general3A_14, %dot_general3A_22, %dot_general3A_30, %dot_general3A_38 in 0 : vector<128x128xf32>, vector<128x128xf32>, vector<128x128xf32>, vector<128x128xf32> -> vector<512x128xf32>
    %rsqrt3A = math.rsqrt %concatenate3A : vector<512x128xf32>
    %swap3A = arith.constant 0 : index
    %swap3A_39 = arith.constant 0 : index
    %swap3A_40 = vector.load %arg4[%swap3A, %swap3A_39] : memref<512x128xf32, #tpu.memory_space<vmem>>, vector<512x128xf32>
    tpu.vector_store %arg4[%swap3A, %swap3A_39], %rsqrt3A {strides = array<i32>} : memref<512x128xf32, #tpu.memory_space<vmem>>, vector<512x128xf32>,
    %get3A_41 = arith.constant 0 : index
    %get3A_42 = arith.constant 0 : index
    %get3A_43 = vector.load %arg2[%get3A_41, %get3A_42] : memref<512x128xf32, #tpu.memory_space<vmem>>, vector<512x128xf32>
    %mul3A_44 = arith.mulf %rsqrt3A, %get3A_43 : vector<512x128xf32>
    %swap3A_45 = arith.constant 0 : index
    %swap3A_46 = arith.constant 0 : index
    %swap3A_47 = vector.load %arg3[%swap3A_45, %swap3A_46] : memref<512x128xf32, #tpu.memory_space<vmem>>, vector<512x128xf32>
    tpu.vector_store %arg3[%swap3A_45, %swap3A_46], %mul3A_44 {strides = array<i32>} : memref<512x128xf32, #tpu.memory_space<vmem>>, vector<512x128xf32>,
    return
  }
  func.func @transform_0(%arg0: i32) -> (i32, i32, i32, i32) {
    %c0_i32 = arith.constant 0 : i32
    %c0_i32_0 = arith.constant 0 : i32
    %c0_i32_1 = arith.constant 0 : i32
    %c0_i32_2 = arith.constant 0 : i32
    return %c0_i32, %arg0, %c0_i32_0, %c0_i32_1 : i32, i32, i32, i32
  }
  func.func @transform_1(%arg0: i32) -> (i32, i32) {
    %c0_i32 = arith.constant 0 : i32
    %c0_i32_0 = arith.constant 0 : i32
    return %arg0, %c0_i32 : i32, i32
  }
  func.func @transform_2(%arg0: i32) -> (i32, i32) {
    %c0_i32 = arith.constant 0 : i32
    %c0_i32_0 = arith.constant 0 : i32
    return %arg0, %c0_i32 : i32, i32
  }
  func.func @transform_3(%arg0: i32) -> (i32, i32) {
    %c0_i32 = arith.constant 0 : i32
    %c0_i32_0 = arith.constant 0 : i32
    return %arg0, %c0_i32 : i32, i32
  }
}

module attributes {stable_mosaic.version = 14 : i64} {
  func.func @_mid_body(%arg0: i32, %arg1: memref<2x512x128xf32, #tpu.memory_space<vmem>>, %arg2: memref<512x128xf32, #tpu.memory_space<vmem>>, %arg3: memref<512x128xf32, #tpu.memory_space<vmem>>, %arg4: memref<512x128xf32, #tpu.memory_space<vmem>>) attributes {dimension_semantics = [#tpu.dimension_semantics<arbitrary>], iteration_bounds = array<i64: 20>, scalar_prefetch = 0 : i64, scratch_operands = 0 : i64, tpu.core_type = #tpu.core_type<tc>, window_params = [{transform_indices = @transform_0, window_bounds = array<i64: 2, 512, 128>}, {transform_indices = @transform_1, window_bounds = array<i64: 512, 128>}, {transform_indices = @transform_2, window_bounds = array<i64: 512, 128>}, {transform_indices = @transform_3, window_bounds = array<i64: 512, 128>}]} {
    %get3A = arith.constant 0 : index
    %get3A_0 = arith.constant 0 : index
    %get3A_1 = vector.load %arg2[%get3A, %get3A_0] : memref<512x128xf32, #tpu.memory_space<vmem>>, vector<512x128xf32>
    %get3A_2 = arith.constant 0 : index
    %get3A_3 = arith.constant 0 : index
    %get3A_4 = arith.constant 0 : index
    %get3A_5 = vector.load %arg1[%get3A_2, %get3A_3, %get3A_4] : memref<2x512x128xf32, #tpu.memory_space<vmem>>, vector<1x512x128xf32>
    %get3A_6 = vector.shape_cast %get3A_5 : vector<1x512x128xf32> to vector<512x128xf32>
    %get3A_7 = arith.constant 1 : index
    %get3A_8 = arith.constant 0 : index
    %get3A_9 = arith.constant 0 : index
    %get3A_10 = vector.load %arg1[%get3A_7, %get3A_8, %get3A_9] : memref<2x512x128xf32, #tpu.memory_space<vmem>>, vector<1x512x128xf32>
    %get3A_11 = vector.shape_cast %get3A_10 : vector<1x512x128xf32> to vector<512x128xf32>
    %add3A = arith.addf %get3A_6, %get3A_11 : vector<512x128xf32>
    %mul3A = arith.mulf %get3A_1, %add3A : vector<512x128xf32>
    %swap3A = arith.constant 0 : index
    %swap3A_12 = arith.constant 0 : index
    %swap3A_13 = vector.load %arg3[%swap3A, %swap3A_12] : memref<512x128xf32, #tpu.memory_space<vmem>>, vector<512x128xf32>
    tpu.vector_store %arg3[%swap3A, %swap3A_12], %mul3A {strides = array<i32>} : memref<512x128xf32, #tpu.memory_space<vmem>>, vector<512x128xf32>,
    %mul3A_14 = arith.mulf %get3A_1, %mul3A : vector<512x128xf32>
    %swap3A_15 = arith.constant 0 : index
    %swap3A_16 = arith.constant 0 : index
    %swap3A_17 = vector.load %arg4[%swap3A_15, %swap3A_16] : memref<512x128xf32, #tpu.memory_space<vmem>>, vector<512x128xf32>
    tpu.vector_store %arg4[%swap3A_15, %swap3A_16], %mul3A_14 {strides = array<i32>} : memref<512x128xf32, #tpu.memory_space<vmem>>, vector<512x128xf32>,
    return
  }
  func.func @transform_0(%arg0: i32) -> (i32, i32, i32) {
    %c0_i32 = arith.constant 0 : i32
    %c0_i32_0 = arith.constant 0 : i32
    %c0_i32_1 = arith.constant 0 : i32
    return %c0_i32, %arg0, %c0_i32_0 : i32, i32, i32
  }
  func.func @transform_1(%arg0: i32) -> (i32, i32) {
    %c0_i32 = arith.constant 0 : i32
    %c0_i32_0 = arith.constant 0 : i32
    return %arg0, %c0_i32 : i32, i32
  }
  func.func @transform_2(%arg0: i32) -> (i32, i32) {
    %c0_i32 = arith.constant 0 : i32
    %c0_i32_0 = arith.constant 0 : i32
    return %arg0, %c0_i32 : i32, i32
  }
  func.func @transform_3(%arg0: i32) -> (i32, i32) {
    %c0_i32 = arith.constant 0 : i32
    %c0_i32_0 = arith.constant 0 : i32
    return %arg0, %c0_i32 : i32, i32
  }
}

module attributes {stable_mosaic.version = 14 : i64} {
  func.func @_mlp_body(%arg0: i32, %arg1: memref<512x128xf32, #tpu.memory_space<vmem>>, %arg2: memref<512x128xf32, #tpu.memory_space<vmem>>, %arg3: memref<2x512x128xf32, #tpu.memory_space<vmem>>, %arg4: memref<512x128xf32, #tpu.memory_space<vmem>>, %arg5: memref<3x128x128xf32, #tpu.memory_space<vmem>>, %arg6: memref<3x128xf32, #tpu.memory_space<vmem>>, %arg7: memref<3x128x128xf32, #tpu.memory_space<vmem>>, %arg8: memref<3x128xf32, #tpu.memory_space<vmem>>, %arg9: memref<3x128x128xf32, #tpu.memory_space<vmem>>, %arg10: memref<3x128xf32, #tpu.memory_space<vmem>>, %arg11: memref<128x384xf32, #tpu.memory_space<vmem>>, %arg12: memref<1x128xf32, #tpu.memory_space<vmem>>, %arg13: memref<128x128xf32, #tpu.memory_space<vmem>>, %arg14: memref<1x128xf32, #tpu.memory_space<vmem>>, %arg15: memref<128x384xf32, #tpu.memory_space<vmem>>, %arg16: memref<1x128xf32, #tpu.memory_space<vmem>>, %arg17: memref<512x128xf32, #tpu.memory_space<vmem>>) attributes {dimension_semantics = [#tpu.dimension_semantics<arbitrary>], iteration_bounds = array<i64: 20>, scalar_prefetch = 0 : i64, scratch_operands = 0 : i64, tpu.core_type = #tpu.core_type<tc>, window_params = [{transform_indices = @transform_0, window_bounds = array<i64: 512, 128>}, {transform_indices = @transform_1, window_bounds = array<i64: 512, 128>}, {transform_indices = @transform_2, window_bounds = array<i64: 2, 512, 128>}, {transform_indices = @transform_3, window_bounds = array<i64: 512, 128>}, {pipeline_mode = #tpu.pipeline_mode<synchronous>, transform_indices = @transform_4, window_bounds = array<i64: 3, 128, 128>}, {pipeline_mode = #tpu.pipeline_mode<synchronous>, transform_indices = @transform_5, window_bounds = array<i64: 3, 128>}, {pipeline_mode = #tpu.pipeline_mode<synchronous>, transform_indices = @transform_6, window_bounds = array<i64: 3, 128, 128>}, {pipeline_mode = #tpu.pipeline_mode<synchronous>, transform_indices = @transform_7, window_bounds = array<i64: 3, 128>}, {pipeline_mode = #tpu.pipeline_mode<synchronous>, transform_indices = @transform_8, window_bounds = array<i64: 3, 128, 128>}, {pipeline_mode = #tpu.pipeline_mode<synchronous>, transform_indices = @transform_9, window_bounds = array<i64: 3, 128>}, {pipeline_mode = #tpu.pipeline_mode<synchronous>, transform_indices = @transform_10, window_bounds = array<i64: 128, 384>}, {pipeline_mode = #tpu.pipeline_mode<synchronous>, transform_indices = @transform_11, window_bounds = array<i64: 1, 128>}, {pipeline_mode = #tpu.pipeline_mode<synchronous>, transform_indices = @transform_12, window_bounds = array<i64: 128, 128>}, {pipeline_mode = #tpu.pipeline_mode<synchronous>, transform_indices = @transform_13, window_bounds = array<i64: 1, 128>}, {pipeline_mode = #tpu.pipeline_mode<synchronous>, transform_indices = @transform_14, window_bounds = array<i64: 128, 384>}, {pipeline_mode = #tpu.pipeline_mode<synchronous>, transform_indices = @transform_15, window_bounds = array<i64: 1, 128>}, {transform_indices = @transform_16, window_bounds = array<i64: 512, 128>}]} {
    %get3A = arith.constant 0 : index
    %get3A_0 = arith.constant 0 : index
    %get3A_1 = vector.load %arg4[%get3A, %get3A_0] : memref<512x128xf32, #tpu.memory_space<vmem>>, vector<512x128xf32>
    %get3A_2 = arith.constant 0 : index
    %get3A_3 = arith.constant 0 : index
    %get3A_4 = arith.constant 0 : index
    %get3A_5 = vector.load %arg3[%get3A_2, %get3A_3, %get3A_4] : memref<2x512x128xf32, #tpu.memory_space<vmem>>, vector<1x512x128xf32>
    %get3A_6 = vector.shape_cast %get3A_5 : vector<1x512x128xf32> to vector<512x128xf32>
    %get3A_7 = arith.constant 1 : index
    %get3A_8 = arith.constant 0 : index
    %get3A_9 = arith.constant 0 : index
    %get3A_10 = vector.load %arg3[%get3A_7, %get3A_8, %get3A_9] : memref<2x512x128xf32, #tpu.memory_space<vmem>>, vector<1x512x128xf32>
    %get3A_11 = vector.shape_cast %get3A_10 : vector<1x512x128xf32> to vector<512x128xf32>
    %add3A = arith.addf %get3A_6, %get3A_11 : vector<512x128xf32>
    %mul3A = arith.mulf %get3A_1, %add3A : vector<512x128xf32>
    %get3A_12 = arith.constant 2 : index
    %get3A_13 = arith.constant 0 : index
    %get3A_14 = arith.constant 0 : index
    %get3A_15 = vector.load %arg9[%get3A_12, %get3A_13, %get3A_14] : memref<3x128x128xf32, #tpu.memory_space<vmem>>, vector<1x128x128xf32>
    %get3A_16 = vector.shape_cast %get3A_15 : vector<1x128x128xf32> to vector<128x128xf32>
    %dot_general3A = arith.constant dense<0.000000e+00> : vector<512x128xf32>
    %dot_general3A_17 = tpu.matmul %mul3A, %get3A_16, %dot_general3A {dimension_numbers = #tpu.dot_dimension_numbers<[1], [1], [0], [0], [0, 0, 1, 0], [], []>, transpose_lhs_hint = false} : vector<512x128xf32>, vector<128x128xf32>, vector<512x128xf32> -> vector<512x128xf32>
    %get3A_18 = arith.constant 2 : index
    %get3A_19 = arith.constant 0 : index
    %get3A_20 = vector.load %arg10[%get3A_18, %get3A_19] : memref<3x128xf32, #tpu.memory_space<vmem>>, vector<1x128xf32>
    %get3A_21 = vector.shape_cast %get3A_20 : vector<1x128xf32> to vector<128xf32>
    %broadcast_in_dim3A = vector.shape_cast %get3A_21 : vector<128xf32> to vector<1x128xf32>
    %add3A_22 = vector.broadcast %broadcast_in_dim3A : vector<1x128xf32> to vector<512x128xf32>
    %add3A_23 = arith.addf %dot_general3A_17, %add3A_22 : vector<512x128xf32>
    %get3A_24 = arith.constant 2 : index
    %get3A_25 = arith.constant 0 : index
    %get3A_26 = arith.constant 0 : index
    %get3A_27 = vector.load %arg5[%get3A_24, %get3A_25, %get3A_26] : memref<3x128x128xf32, #tpu.memory_space<vmem>>, vector<1x128x128xf32>
    %get3A_28 = vector.shape_cast %get3A_27 : vector<1x128x128xf32> to vector<128x128xf32>
    %dot_general3A_29 = arith.constant dense<0.000000e+00> : vector<512x128xf32>
    %dot_general3A_30 = tpu.matmul %mul3A, %get3A_28, %dot_general3A_29 {dimension_numbers = #tpu.dot_dimension_numbers<[1], [1], [0], [0], [0, 0, 1, 0], [], []>, transpose_lhs_hint = false} : vector<512x128xf32>, vector<128x128xf32>, vector<512x128xf32> -> vector<512x128xf32>
    %get3A_31 = arith.constant 2 : index
    %get3A_32 = arith.constant 0 : index
    %get3A_33 = vector.load %arg6[%get3A_31, %get3A_32] : memref<3x128xf32, #tpu.memory_space<vmem>>, vector<1x128xf32>
    %get3A_34 = vector.shape_cast %get3A_33 : vector<1x128xf32> to vector<128xf32>
    %broadcast_in_dim3A_35 = vector.shape_cast %get3A_34 : vector<128xf32> to vector<1x128xf32>
    %add3A_36 = vector.broadcast %broadcast_in_dim3A_35 : vector<1x128xf32> to vector<512x128xf32>
    %add3A_37 = arith.addf %dot_general3A_30, %add3A_36 : vector<512x128xf32>
    %max3A = arith.constant 0.000000e+00 : f32
    %max3A_38 = vector.broadcast %max3A : f32 to vector<512x128xf32>
    %max3A_39 = arith.maximumf %add3A_37, %max3A_38 : vector<512x128xf32>
    %get3A_40 = arith.constant 2 : index
    %get3A_41 = arith.constant 0 : index
    %get3A_42 = arith.constant 0 : index
    %get3A_43 = vector.load %arg7[%get3A_40, %get3A_41, %get3A_42] : memref<3x128x128xf32, #tpu.memory_space<vmem>>, vector<1x128x128xf32>
    %get3A_44 = vector.shape_cast %get3A_43 : vector<1x128x128xf32> to vector<128x128xf32>
    %dot_general3A_45 = arith.constant dense<0.000000e+00> : vector<512x128xf32>
    %dot_general3A_46 = tpu.matmul %max3A_39, %get3A_44, %dot_general3A_45 {dimension_numbers = #tpu.dot_dimension_numbers<[1], [1], [0], [0], [0, 0, 1, 0], [], []>, transpose_lhs_hint = false} : vector<512x128xf32>, vector<128x128xf32>, vector<512x128xf32> -> vector<512x128xf32>
    %get3A_47 = arith.constant 2 : index
    %get3A_48 = arith.constant 0 : index
    %get3A_49 = vector.load %arg8[%get3A_47, %get3A_48] : memref<3x128xf32, #tpu.memory_space<vmem>>, vector<1x128xf32>
    %get3A_50 = vector.shape_cast %get3A_49 : vector<1x128xf32> to vector<128xf32>
    %broadcast_in_dim3A_51 = vector.shape_cast %get3A_50 : vector<128xf32> to vector<1x128xf32>
    %add3A_52 = vector.broadcast %broadcast_in_dim3A_51 : vector<1x128xf32> to vector<512x128xf32>
    %add3A_53 = arith.addf %dot_general3A_46, %add3A_52 : vector<512x128xf32>
    %add3A_54 = arith.addf %add3A_53, %add3A_23 : vector<512x128xf32>
    %get3A_55 = arith.constant 0 : index
    %get3A_56 = arith.constant 0 : index
    %get3A_57 = vector.load %arg1[%get3A_55, %get3A_56] : memref<512x128xf32, #tpu.memory_space<vmem>>, vector<512x128xf32>
    %get3A_58 = arith.constant 0 : index
    %get3A_59 = arith.constant 0 : index
    %get3A_60 = vector.load %arg2[%get3A_58, %get3A_59] : memref<512x128xf32, #tpu.memory_space<vmem>>, vector<512x128xf32>
    %concatenate3A = tpu.concatenate %get3A_57, %get3A_60, %add3A_54 in 1 : vector<512x128xf32>, vector<512x128xf32>, vector<512x128xf32> -> vector<512x384xf32>
    %get3A_61 = arith.constant 0 : index
    %get3A_62 = arith.constant 0 : index
    %get3A_63 = vector.load %arg15[%get3A_61, %get3A_62] : memref<128x384xf32, #tpu.memory_space<vmem>>, vector<128x384xf32>
    %dot_general3A_64 = arith.constant dense<0.000000e+00> : vector<512x128xf32>
    %dot_general3A_65 = tpu.matmul %concatenate3A, %get3A_63, %dot_general3A_64 {dimension_numbers = #tpu.dot_dimension_numbers<[1], [1], [0], [0], [0, 0, 1, 0], [], []>, transpose_lhs_hint = false} : vector<512x384xf32>, vector<128x384xf32>, vector<512x128xf32> -> vector<512x128xf32>
    %get3A_66 = arith.constant 0 : index
    %get3A_67 = arith.constant 0 : index
    %get3A_68 = vector.load %arg16[%get3A_66, %get3A_67] : memref<1x128xf32, #tpu.memory_space<vmem>>, vector<1x128xf32>
    %add3A_69 = vector.broadcast %get3A_68 : vector<1x128xf32> to vector<512x128xf32>
    %add3A_70 = arith.addf %dot_general3A_65, %add3A_69 : vector<512x128xf32>
    %get3A_71 = arith.constant 0 : index
    %get3A_72 = arith.constant 0 : index
    %get3A_73 = vector.load %arg11[%get3A_71, %get3A_72] : memref<128x384xf32, #tpu.memory_space<vmem>>, vector<128x384xf32>
    %dot_general3A_74 = arith.constant dense<0.000000e+00> : vector<512x128xf32>
    %dot_general3A_75 = tpu.matmul %concatenate3A, %get3A_73, %dot_general3A_74 {dimension_numbers = #tpu.dot_dimension_numbers<[1], [1], [0], [0], [0, 0, 1, 0], [], []>, transpose_lhs_hint = false} : vector<512x384xf32>, vector<128x384xf32>, vector<512x128xf32> -> vector<512x128xf32>
    %get3A_76 = arith.constant 0 : index
    %get3A_77 = arith.constant 0 : index
    %get3A_78 = vector.load %arg12[%get3A_76, %get3A_77] : memref<1x128xf32, #tpu.memory_space<vmem>>, vector<1x128xf32>
    %add3A_79 = vector.broadcast %get3A_78 : vector<1x128xf32> to vector<512x128xf32>
    %add3A_80 = arith.addf %dot_general3A_75, %add3A_79 : vector<512x128xf32>
    %max3A_81 = arith.constant 0.000000e+00 : f32
    %max3A_82 = vector.broadcast %max3A_81 : f32 to vector<512x128xf32>
    %max3A_83 = arith.maximumf %add3A_80, %max3A_82 : vector<512x128xf32>
    %get3A_84 = arith.constant 0 : index
    %get3A_85 = arith.constant 0 : index
    %get3A_86 = vector.load %arg13[%get3A_84, %get3A_85] : memref<128x128xf32, #tpu.memory_space<vmem>>, vector<128x128xf32>
    %dot_general3A_87 = arith.constant dense<0.000000e+00> : vector<512x128xf32>
    %dot_general3A_88 = tpu.matmul %max3A_83, %get3A_86, %dot_general3A_87 {dimension_numbers = #tpu.dot_dimension_numbers<[1], [1], [0], [0], [0, 0, 1, 0], [], []>, transpose_lhs_hint = false} : vector<512x128xf32>, vector<128x128xf32>, vector<512x128xf32> -> vector<512x128xf32>
    %get3A_89 = arith.constant 0 : index
    %get3A_90 = arith.constant 0 : index
    %get3A_91 = vector.load %arg14[%get3A_89, %get3A_90] : memref<1x128xf32, #tpu.memory_space<vmem>>, vector<1x128xf32>
    %add3A_92 = vector.broadcast %get3A_91 : vector<1x128xf32> to vector<512x128xf32>
    %add3A_93 = arith.addf %dot_general3A_88, %add3A_92 : vector<512x128xf32>
    %add3A_94 = arith.addf %add3A_93, %add3A_70 : vector<512x128xf32>
    %swap3A = arith.constant 0 : index
    %swap3A_95 = arith.constant 0 : index
    %swap3A_96 = vector.load %arg17[%swap3A, %swap3A_95] : memref<512x128xf32, #tpu.memory_space<vmem>>, vector<512x128xf32>
    tpu.vector_store %arg17[%swap3A, %swap3A_95], %add3A_94 {strides = array<i32>} : memref<512x128xf32, #tpu.memory_space<vmem>>, vector<512x128xf32>,
    return
  }
  func.func @transform_0(%arg0: i32) -> (i32, i32) {
    %c0_i32 = arith.constant 0 : i32
    %c0_i32_0 = arith.constant 0 : i32
    return %arg0, %c0_i32 : i32, i32
  }
  func.func @transform_1(%arg0: i32) -> (i32, i32) {
    %c0_i32 = arith.constant 0 : i32
    %c0_i32_0 = arith.constant 0 : i32
    return %arg0, %c0_i32 : i32, i32
  }
  func.func @transform_2(%arg0: i32) -> (i32, i32, i32) {
    %c0_i32 = arith.constant 0 : i32
    %c0_i32_0 = arith.constant 0 : i32
    %c0_i32_1 = arith.constant 0 : i32
    return %c0_i32, %arg0, %c0_i32_0 : i32, i32, i32
  }
  func.func @transform_3(%arg0: i32) -> (i32, i32) {
    %c0_i32 = arith.constant 0 : i32
    %c0_i32_0 = arith.constant 0 : i32
    return %arg0, %c0_i32 : i32, i32
  }
  func.func @transform_4(%arg0: i32) -> (i32, i32, i32) {
    %c0_i32 = arith.constant 0 : i32
    %c0_i32_0 = arith.constant 0 : i32
    %c0_i32_1 = arith.constant 0 : i32
    %c0_i32_2 = arith.constant 0 : i32
    return %c0_i32, %c0_i32_0, %c0_i32_1 : i32, i32, i32
  }
  func.func @transform_5(%arg0: i32) -> (i32, i32) {
    %c0_i32 = arith.constant 0 : i32
    %c0_i32_0 = arith.constant 0 : i32
    %c0_i32_1 = arith.constant 0 : i32
    return %c0_i32, %c0_i32_0 : i32, i32
  }
  func.func @transform_6(%arg0: i32) -> (i32, i32, i32) {
    %c0_i32 = arith.constant 0 : i32
    %c0_i32_0 = arith.constant 0 : i32
    %c0_i32_1 = arith.constant 0 : i32
    %c0_i32_2 = arith.constant 0 : i32
    return %c0_i32, %c0_i32_0, %c0_i32_1 : i32, i32, i32
  }
  func.func @transform_7(%arg0: i32) -> (i32, i32) {
    %c0_i32 = arith.constant 0 : i32
    %c0_i32_0 = arith.constant 0 : i32
    %c0_i32_1 = arith.constant 0 : i32
    return %c0_i32, %c0_i32_0 : i32, i32
  }
  func.func @transform_8(%arg0: i32) -> (i32, i32, i32) {
    %c0_i32 = arith.constant 0 : i32
    %c0_i32_0 = arith.constant 0 : i32
    %c0_i32_1 = arith.constant 0 : i32
    %c0_i32_2 = arith.constant 0 : i32
    return %c0_i32, %c0_i32_0, %c0_i32_1 : i32, i32, i32
  }
  func.func @transform_9(%arg0: i32) -> (i32, i32) {
    %c0_i32 = arith.constant 0 : i32
    %c0_i32_0 = arith.constant 0 : i32
    %c0_i32_1 = arith.constant 0 : i32
    return %c0_i32, %c0_i32_0 : i32, i32
  }
  func.func @transform_10(%arg0: i32) -> (i32, i32) {
    %c0_i32 = arith.constant 0 : i32
    %c0_i32_0 = arith.constant 0 : i32
    %c0_i32_1 = arith.constant 0 : i32
    return %c0_i32, %c0_i32_0 : i32, i32
  }
  func.func @transform_11(%arg0: i32) -> (i32, i32) {
    %c0_i32 = arith.constant 0 : i32
    %c0_i32_0 = arith.constant 0 : i32
    %c0_i32_1 = arith.constant 0 : i32
    return %c0_i32, %c0_i32_0 : i32, i32
  }
  func.func @transform_12(%arg0: i32) -> (i32, i32) {
    %c0_i32 = arith.constant 0 : i32
    %c0_i32_0 = arith.constant 0 : i32
    %c0_i32_1 = arith.constant 0 : i32
    return %c0_i32, %c0_i32_0 : i32, i32
  }
  func.func @transform_13(%arg0: i32) -> (i32, i32) {
    %c0_i32 = arith.constant 0 : i32
    %c0_i32_0 = arith.constant 0 : i32
    %c0_i32_1 = arith.constant 0 : i32
    return %c0_i32, %c0_i32_0 : i32, i32
  }
  func.func @transform_14(%arg0: i32) -> (i32, i32) {
    %c0_i32 = arith.constant 0 : i32
    %c0_i32_0 = arith.constant 0 : i32
    %c0_i32_1 = arith.constant 0 : i32
    return %c0_i32, %c0_i32_0 : i32, i32
  }
  func.func @transform_15(%arg0: i32) -> (i32, i32) {
    %c0_i32 = arith.constant 0 : i32
    %c0_i32_0 = arith.constant 0 : i32
    %c0_i32_1 = arith.constant 0 : i32
    return %c0_i32, %c0_i32_0 : i32, i32
  }
  func.func @transform_16(%arg0: i32) -> (i32, i32) {
    %c0_i32 = arith.constant 0 : i32
    %c0_i32_0 = arith.constant 0 : i32
    return %arg0, %c0_i32 : i32, i32
  }
}

module attributes {stable_mosaic.version = 14 : i64} {
  func.func @_branch_body(%arg0: i32, %arg1: memref<512x128xf32, #tpu.memory_space<vmem>>, %arg2: memref<1x128x128xf32, #tpu.memory_space<vmem>>, %arg3: memref<1x128xf32, #tpu.memory_space<vmem>>, %arg4: memref<1x128x128xf32, #tpu.memory_space<vmem>>, %arg5: memref<1x128xf32, #tpu.memory_space<vmem>>, %arg6: memref<1x128x128xf32, #tpu.memory_space<vmem>>, %arg7: memref<1x128xf32, #tpu.memory_space<vmem>>, %arg8: memref<512x128xf32, #tpu.memory_space<vmem>>) attributes {dimension_semantics = [#tpu.dimension_semantics<arbitrary>], iteration_bounds = array<i64: 20>, scalar_prefetch = 0 : i64, scratch_operands = 0 : i64, tpu.core_type = #tpu.core_type<tc>, window_params = [{transform_indices = @transform_0, window_bounds = array<i64: 512, 128>}, {pipeline_mode = #tpu.pipeline_mode<synchronous>, transform_indices = @transform_1, window_bounds = array<i64: 1, 128, 128>}, {pipeline_mode = #tpu.pipeline_mode<synchronous>, transform_indices = @transform_2, window_bounds = array<i64: 1, 128>}, {pipeline_mode = #tpu.pipeline_mode<synchronous>, transform_indices = @transform_3, window_bounds = array<i64: 1, 128, 128>}, {pipeline_mode = #tpu.pipeline_mode<synchronous>, transform_indices = @transform_4, window_bounds = array<i64: 1, 128>}, {pipeline_mode = #tpu.pipeline_mode<synchronous>, transform_indices = @transform_5, window_bounds = array<i64: 1, 128, 128>}, {pipeline_mode = #tpu.pipeline_mode<synchronous>, transform_indices = @transform_6, window_bounds = array<i64: 1, 128>}, {transform_indices = @transform_7, window_bounds = array<i64: 512, 128>}]} {
    %get3A = arith.constant 0 : index
    %get3A_0 = arith.constant 0 : index
    %get3A_1 = vector.load %arg1[%get3A, %get3A_0] : memref<512x128xf32, #tpu.memory_space<vmem>>, vector<512x128xf32>
    %get3A_2 = arith.constant 0 : index
    %get3A_3 = arith.constant 0 : index
    %get3A_4 = arith.constant 0 : index
    %get3A_5 = vector.load %arg6[%get3A_2, %get3A_3, %get3A_4] : memref<1x128x128xf32, #tpu.memory_space<vmem>>, vector<1x128x128xf32>
    %get3A_6 = vector.shape_cast %get3A_5 : vector<1x128x128xf32> to vector<128x128xf32>
    %dot_general3A = arith.constant dense<0.000000e+00> : vector<512x128xf32>
    %dot_general3A_7 = tpu.matmul %get3A_1, %get3A_6, %dot_general3A {dimension_numbers = #tpu.dot_dimension_numbers<[1], [1], [0], [0], [0, 0, 1, 0], [], []>, transpose_lhs_hint = false} : vector<512x128xf32>, vector<128x128xf32>, vector<512x128xf32> -> vector<512x128xf32>
    %get3A_8 = arith.constant 0 : index
    %get3A_9 = arith.constant 0 : index
    %get3A_10 = vector.load %arg7[%get3A_8, %get3A_9] : memref<1x128xf32, #tpu.memory_space<vmem>>, vector<1x128xf32>
    %get3A_11 = vector.shape_cast %get3A_10 : vector<1x128xf32> to vector<128xf32>
    %broadcast_in_dim3A = vector.shape_cast %get3A_11 : vector<128xf32> to vector<1x128xf32>
    %add3A = vector.broadcast %broadcast_in_dim3A : vector<1x128xf32> to vector<512x128xf32>
    %add3A_12 = arith.addf %dot_general3A_7, %add3A : vector<512x128xf32>
    %get3A_13 = arith.constant 0 : index
    %get3A_14 = arith.constant 0 : index
    %get3A_15 = arith.constant 0 : index
    %get3A_16 = vector.load %arg2[%get3A_13, %get3A_14, %get3A_15] : memref<1x128x128xf32, #tpu.memory_space<vmem>>, vector<1x128x128xf32>
    %get3A_17 = vector.shape_cast %get3A_16 : vector<1x128x128xf32> to vector<128x128xf32>
    %dot_general3A_18 = arith.constant dense<0.000000e+00> : vector<512x128xf32>
    %dot_general3A_19 = tpu.matmul %get3A_1, %get3A_17, %dot_general3A_18 {dimension_numbers = #tpu.dot_dimension_numbers<[1], [1], [0], [0], [0, 0, 1, 0], [], []>, transpose_lhs_hint = false} : vector<512x128xf32>, vector<128x128xf32>, vector<512x128xf32> -> vector<512x128xf32>
    %get3A_20 = arith.constant 0 : index
    %get3A_21 = arith.constant 0 : index
    %get3A_22 = vector.load %arg3[%get3A_20, %get3A_21] : memref<1x128xf32, #tpu.memory_space<vmem>>, vector<1x128xf32>
    %get3A_23 = vector.shape_cast %get3A_22 : vector<1x128xf32> to vector<128xf32>
    %broadcast_in_dim3A_24 = vector.shape_cast %get3A_23 : vector<128xf32> to vector<1x128xf32>
    %add3A_25 = vector.broadcast %broadcast_in_dim3A_24 : vector<1x128xf32> to vector<512x128xf32>
    %add3A_26 = arith.addf %dot_general3A_19, %add3A_25 : vector<512x128xf32>
    %max3A = arith.constant 0.000000e+00 : f32
    %max3A_27 = vector.broadcast %max3A : f32 to vector<512x128xf32>
    %max3A_28 = arith.maximumf %add3A_26, %max3A_27 : vector<512x128xf32>
    %get3A_29 = arith.constant 0 : index
    %get3A_30 = arith.constant 0 : index
    %get3A_31 = arith.constant 0 : index
    %get3A_32 = vector.load %arg4[%get3A_29, %get3A_30, %get3A_31] : memref<1x128x128xf32, #tpu.memory_space<vmem>>, vector<1x128x128xf32>
    %get3A_33 = vector.shape_cast %get3A_32 : vector<1x128x128xf32> to vector<128x128xf32>
    %dot_general3A_34 = arith.constant dense<0.000000e+00> : vector<512x128xf32>
    %dot_general3A_35 = tpu.matmul %max3A_28, %get3A_33, %dot_general3A_34 {dimension_numbers = #tpu.dot_dimension_numbers<[1], [1], [0], [0], [0, 0, 1, 0], [], []>, transpose_lhs_hint = false} : vector<512x128xf32>, vector<128x128xf32>, vector<512x128xf32> -> vector<512x128xf32>
    %get3A_36 = arith.constant 0 : index
    %get3A_37 = arith.constant 0 : index
    %get3A_38 = vector.load %arg5[%get3A_36, %get3A_37] : memref<1x128xf32, #tpu.memory_space<vmem>>, vector<1x128xf32>
    %get3A_39 = vector.shape_cast %get3A_38 : vector<1x128xf32> to vector<128xf32>
    %broadcast_in_dim3A_40 = vector.shape_cast %get3A_39 : vector<128xf32> to vector<1x128xf32>
    %add3A_41 = vector.broadcast %broadcast_in_dim3A_40 : vector<1x128xf32> to vector<512x128xf32>
    %add3A_42 = arith.addf %dot_general3A_35, %add3A_41 : vector<512x128xf32>
    %add3A_43 = arith.addf %add3A_42, %add3A_12 : vector<512x128xf32>
    %swap3A = arith.constant 0 : index
    %swap3A_44 = arith.constant 0 : index
    %swap3A_45 = vector.load %arg8[%swap3A, %swap3A_44] : memref<512x128xf32, #tpu.memory_space<vmem>>, vector<512x128xf32>
    tpu.vector_store %arg8[%swap3A, %swap3A_44], %add3A_43 {strides = array<i32>} : memref<512x128xf32, #tpu.memory_space<vmem>>, vector<512x128xf32>,
    return
  }
  func.func @transform_0(%arg0: i32) -> (i32, i32) {
    %c0_i32 = arith.constant 0 : i32
    %c0_i32_0 = arith.constant 0 : i32
    return %arg0, %c0_i32 : i32, i32
  }
  func.func @transform_1(%arg0: i32) -> (i32, i32, i32) {
    %c0_i32 = arith.constant 0 : i32
    %c0_i32_0 = arith.constant 0 : i32
    %c0_i32_1 = arith.constant 0 : i32
    %c0_i32_2 = arith.constant 0 : i32
    return %c0_i32, %c0_i32_0, %c0_i32_1 : i32, i32, i32
  }
  func.func @transform_2(%arg0: i32) -> (i32, i32) {
    %c0_i32 = arith.constant 0 : i32
    %c0_i32_0 = arith.constant 0 : i32
    %c0_i32_1 = arith.constant 0 : i32
    return %c0_i32, %c0_i32_0 : i32, i32
  }
  func.func @transform_3(%arg0: i32) -> (i32, i32, i32) {
    %c0_i32 = arith.constant 0 : i32
    %c0_i32_0 = arith.constant 0 : i32
    %c0_i32_1 = arith.constant 0 : i32
    %c0_i32_2 = arith.constant 0 : i32
    return %c0_i32, %c0_i32_0, %c0_i32_1 : i32, i32, i32
  }
  func.func @transform_4(%arg0: i32) -> (i32, i32) {
    %c0_i32 = arith.constant 0 : i32
    %c0_i32_0 = arith.constant 0 : i32
    %c0_i32_1 = arith.constant 0 : i32
    return %c0_i32, %c0_i32_0 : i32, i32
  }
  func.func @transform_5(%arg0: i32) -> (i32, i32, i32) {
    %c0_i32 = arith.constant 0 : i32
    %c0_i32_0 = arith.constant 0 : i32
    %c0_i32_1 = arith.constant 0 : i32
    %c0_i32_2 = arith.constant 0 : i32
    return %c0_i32, %c0_i32_0, %c0_i32_1 : i32, i32, i32
  }
  func.func @transform_6(%arg0: i32) -> (i32, i32) {
    %c0_i32 = arith.constant 0 : i32
    %c0_i32_0 = arith.constant 0 : i32
    %c0_i32_1 = arith.constant 0 : i32
    return %c0_i32, %c0_i32_0 : i32, i32
  }
  func.func @transform_7(%arg0: i32) -> (i32, i32) {
    %c0_i32 = arith.constant 0 : i32
    %c0_i32_0 = arith.constant 0 : i32
    return %arg0, %c0_i32 : i32, i32
  }
}

</mosaic_0001>

<sc_bundles>
// kernel: kernel.10.cloned.1.call-start
scs
__scs_entry_jumppad:
0x0: {  	(pc) =	sbr.rel $0x88, $3  }
0x1: {  	(tag) =	ssettag $0x0;
	lr =	simm.s32 $0x1  }
0x2: {  	[smem:$0x3F93] =	sst lr;
	_ =	strace $0xD0000000  }
0x3: {  	_ = 	snop  }
0x4: {  	_ = 	snop  }
0x5: {  	_ = 	snop  }
0x6: {  	_ = 	snop  }
0x7: {  	_ = 	snop  }
__scs_overlays_trampoline_lowered:
0x8: {  	[smem:$0x3FA2] =	sst s0  }
0x9: {  	[smem:$0x3FA3] =	sst s1  }
0xa: {  	[smem:$0x3FA4] =	sst s2  }
0xb: {  	[smem:$0x3FA5] =	sst s3  }
0xc: {  	[smem:$0x3FA6] =	sst s4  }
0xd: {  	[smem:$0x3FA7] =	sst s5  }
0xe: {  	[smem:$0x3FA8] =	sst s6  }
0xf: {  	[smem:$0x3FA9] =	sst s7  }
0x10: {  	[smem:$0x3FAA] =	sst s8  }
0x11: {  	[smem:$0x3FAB] =	sst s9;
	s0 =	simm.s32 @!p0 $0x0  }
0x12: {  	s1 =	sld [smem:$0x3F91];
	s0 =	simm.s32 @p0 $0x1  }
0x13: {  	[smem:$0x3FAC] =	sst s0;
	s0 =	simm.s32 @!p1 $0x0  }
0x14: {  	s2 =	sld [smem:$0x3F90];
	s0 =	simm.s32 @p1 $0x1  }
0x15: {  	[smem:$0x3FAD] =	sst s0;
	s0 =	simm.s32 @!p2 $0x0  }
0x16: {  	s3 =	sld [smem:$0x3FDB];
	s0 =	simm.s32 @p2 $0x1  }
0x17: {  	s4 =	simm.s32 $0x1BF5;
	[smem:$0x3FAF] =	sst s0  }
0x18: {  	s0 =	sld [smem:$0x3F92];
	_ =	swait.ge [sflag:s4], $0x0  }
0x19: {  	s7 =	sld [smem:$0x3F93]  }
0x1a: {  	s8 =	sadd.s32 $0xFFFFE003, lr  }
0x1b: {  	s9 =	sadd.s32 $0xFFFFFEF7, lr;
	s5 =	simm.s32 $0xFFFFFFFF;
	p2 =	slt.u32 s8, $0xFFFFF086  }
0x1c: {  	p1 =	slt.u32 s9, $0xF7A;
	s5 =	simm.s32 @!p2 $0x0  }
0x1d: {  	s5 =	simm.s32 @p1 $0x1;
	p0 =	seq.s32 s7, s2  }
0x1e: {  	s7 =	smul.u32 @!p0 $0xF7A, s2;
	p2 =	seq.s32 @!p0 s5, $0x0  }
0x1f: {  	s9 =	smul.u32 $0xF7A, s1;
	s8 =	simm.s32 @!p0 $0x1BF5;
	p2 =	por !p2, p0  }
0x20: {  	[sflag:s8] =	ssyncset.s32 @!p0 $0xFFFFF086;
	s6 =	sadd.s32 @!p0 s3, s7;
	s7 =	simm.s32 @!p0 $0x108  }
0x21: {  	s3 =	sadd.s32 s3, s9;
	s6 =	sadd.s32 @!p0 $0x88, s6;
	s7 =	simm.s32 @p2 $0x1082  }
0x22: {  	[simem:s7], [sflag:s8] =	dma.local @!p0 [hbm:s6], $0xF7A  }
0x23: {  	s9 =	sor.u32 $0xD0000000, s2;
	s6 =	simm.s32 $0x108;
	_ =	swait.ge @!p0 [sflag:s8], $0x0  }
0x24: {  	s3 =	sadd.s32 $0x88, s3;
	s6 =	simm.s32 @!p1 $0x1082;
	[sflag:s4] =	ssyncset.s32 $0xFFFFF086  }
0x25: {  	[simem:s6], [sflag:s4] =	dma.local [hbm:s3], $0xF7A  }
0x26: {  	[smem:$0x3F93] =	sst s1;
	(tag) =	ssettag s2;
	_ =	strace s9  }
0x27: {  	s1 =	sld [smem:$0x3FA3]  }
0x28: {  	s2 =	sld [smem:$0x3FA4]  }
0x29: {  	s4 =	sld [smem:$0x3FA6]  }
0x2a: {  	p0 =	seq.s32 s5, $0x0;
	s5 =	sld [smem:$0x3FA7]  }
0x2b: {  	s6 =	sld [smem:$0x3FA8]  }
0x2c: {  	s7 =	sld [smem:$0x3FA9]  }
0x2d: {  	s3 =	simm.s32 $0x108;
	s8 =	sld [smem:$0x3FAA]  }
0x2e: {  	s3 =	simm.s32 @!p0 $0x1082;
	s9 =	sld [smem:$0x3FAB]  }
0x2f: {  	lr =	sadd.s32 s0, s3;
	s0 =	sld [smem:$0x3FA2]  }
0x30: {  	s3 =	sld [smem:$0x3FA5]  }
0x31: {  	[smem:$0x3FAE] =	sst s10  }
0x32: {  	s10 =	sld [smem:$0x3FAC];
	_ =	sdelay $0x3  }
0x33: {  	p0 =	seq.s32 s10, $0x1;
	s10 =	sld [smem:$0x3FAE];
	_ =	sdelay $0x3  }
0x34: {  	[smem:$0x3FAE] =	sst s10  }
0x35: {  	s10 =	sld [smem:$0x3FAD];
	_ =	sdelay $0x3  }
0x36: {  	p1 =	seq.s32 s10, $0x1;
	s10 =	sld [smem:$0x3FAE];
	_ =	sdelay $0x3  }
0x37: {  	[smem:$0x3FAE] =	sst s10  }
0x38: {  	s10 =	sld [smem:$0x3FAF]  }
0x39: {  	_ = 	snop;
	(pc) =	sbr.ind lr, $3  }
0x3a: {  	_ = 	snop  }
0x3b: {  	_ = 	snop  }
0x3c: {  	p2 =	seq.s32 s10, $0x1;
	s10 =	sld [smem:$0x3FAE]  }
0x3d: {  	_ =	shalt  }
0x3e: {  	_ =	shalt  }
0x3f: {  	_ =	shalt  }
0x40: {  	_ =	shalt  }
0x41: {  	_ =	shalt  }
0x42: {  	_ =	shalt  }
0x43: {  	_ =	shalt  }
0x44: {  	_ =	shalt  }
0x45: {  	_ =	shalt  }
0x46: {  	_ =	shalt  }
0x47: {  	_ =	shalt  }
0x48: {  	_ =	shalt  }
0x49: {  	_ =	shalt  }
0x4a: {  	_ =	shalt  }
0x4b: {  	_ =	shalt  }
0x4c: {  	_ =	shalt  }
0x4d: {  	_ =	shalt  }
0x4e: {  	_ =	shalt  }
0x4f: {  	_ =	shalt  }
0x50: {  	_ =	shalt  }
0x51: {  	_ =	shalt  }
0x52: {  	_ =	shalt  }
0x53: {  	_ =	shalt  }
0x54: {  	_ =	shalt  }
0x55: {  	_ =	shalt  }
0x56: {  	_ =	shalt  }
0x57: {  	_ =	shalt  }
0x58: {  	_ =	shalt  }
0x59: {  	_ =	shalt  }
0x5a: {  	_ =	shalt  }
0x5b: {  	_ =	shalt  }
0x5c: {  	_ =	shalt  }
0x5d: {  	_ =	shalt  }
0x5e: {  	_ =	shalt  }
0x5f: {  	_ =	shalt  }
0x60: {  	_ =	shalt  }
0x61: {  	_ =	shalt  }
0x62: {  	_ =	shalt  }
0x63: {  	_ =	shalt  }
0x64: {  	_ =	shalt  }
0x65: {  	_ =	shalt  }
0x66: {  	_ =	shalt  }
0x67: {  	_ =	shalt  }
0x68: {  	_ =	shalt  }
0x69: {  	_ =	shalt  }
0x6a: {  	_ =	shalt  }
0x6b: {  	_ =	shalt  }
0x6c: {  	_ =	shalt  }
0x6d: {  	_ =	shalt  }
0x6e: {  	_ =	shalt  }
0x6f: {  	_ =	shalt  }
0x70: {  	_ =	shalt  }
0x71: {  	_ =	shalt  }
0x72: {  	_ =	shalt  }
0x73: {  	_ =	shalt  }
0x74: {  	_ =	shalt  }
0x75: {  	_ =	shalt  }
0x76: {  	_ =	shalt  }
0x77: {  	_ =	shalt  }
0x78: {  	_ =	shalt  }
0x79: {  	_ =	shalt  }
0x7a: {  	_ =	shalt  }
0x7b: {  	_ =	shalt  }
0x7c: {  	_ =	shalt  }
0x7d: {  	_ =	shalt  }
0x7e: {  	_ =	shalt  }
0x7f: {  	_ =	shalt  }
0x80: {  	_ =	shalt  }
0x81: {  	_ =	shalt  }
0x82: {  	_ =	shalt  }
0x83: {  	_ =	shalt  }
0x84: {  	_ =	shalt  }
0x85: {  	_ =	shalt  }
0x86: {  	_ =	shalt  }
0x87: {  	_ =	shalt  }
.Lfunc_end0:
.L_simem_size_0:
called_computation_lowered:
.L_overlay_start_0:
0x88: {  	s2 =	sld [smem:$0x3FD9]  }
0x89: {  	s3 =	sld [smem:$0x3FFE];
	_ =	sdelay $0x1  }
0x8a: {  	s1 =	srdreg.scid  }
0x8b: {  	s0 =	sand.u32 $0x1, s1  }
0x8c: {  	s16 =	sshll.u32 s0, $0xA;
	s2 =	sadd.s32 s3, s2  }
0x8d: {  	s2 =	sadd.s32 s2, s16  }
0x8e: {  	[smem:$0x3FBA] =	sst s2  }
0x8f: {  	_ = 	snop  }
0x90: {  	(tm) =	ssettm $0x1  }
0x91: {  	s17 =	sld [smem:$0x3FFB];
	_ =	sdelay $0x3  }
0x92: {  	_ =	strace s17  }
0x93: {  	s2 =	sld [smem:$0x3FFC];
	_ =	sdelay $0x3  }
0x94: {  	_ =	strace s2  }
0x95: {  	s2 =	sld [smem:$0x3FFD];
	_ =	sdelay $0x3  }
0x96: {  	_ =	strace s2  }
0x97: {  	_ =	strace $0x8FFFFFFF  }
0x98: {  	s18 =	sld [smem:$0x3FDB];
	_ =	sdelay $0x1  }
0x99: {  	s19 =	simm.s32 $_scs_section_size  }
0x9a: {  	s4 =	simm.s32 $_size__tile_overlayer_lowered;
	s5 =	simm.s32 $_tile_overlayer_lowered  }
0x9b: {  	s22 =	simm.s32 $0x1BFF;
	s21 =	sshll.u32 s5, $0x1;
	s2 =	sadd.s32 s19, s18  }
0x9c: {  	s6 =	simm.s32 $0x0;
	s20 =	sshll.u32 s4, $0x1;
	s4 =	sadd.s32 s21, s2  }
0x9d: {  	[timem:s6], [sflag:s22] =	dma.local [hbm:s4], s20  }
0x9e: {  	_ =	swait.ge [sflag:s22], s20  }
0x9f: {  	s3 =	ssub.s32 $0x0, s20;
	[sflag:s22] =	ssyncset.done $0x0  }
0xa0: {  	[sflag:s22] =	ssyncadd.s32 s3;
	_ =	sdelay $0x1  }
0xa1: {  	s23 =	simm.s32 $0x1B8B  }
0xa2: {  	_ =	swait.ge [sflag:s23], $0x1  }
0xa3: {  	[sflag:s23] =	ssyncset.done $0x0  }
0xa4: {  	s25 =	simm.s32 $0x1B8E;
	s24 =	sld [smem:$0x3FFE];
	[sflag:s23] =	ssyncadd.s32 $0xFFFFFFFF  }
0xa5: {  	s26 =	simm.s32 $execute0_lowered;
	[smem:$0x3FD2] =	sst s25  }
0xa6: {  	s4 =	sshll.u32 s26, $0x1;
	_ =	strace $0x80000046;
	[dreg:$0x1] =	wrdreg $0xFFFFFFFF  }
0xa7: {  	s28 =	simm.s32 $_size_execute0_lowered;
	s2 =	sadd.s32 s2, s4;
	[dreg:$0x0] =	wrdreg $0x0  }
0xa8: {  	s4 =	sshll.u32 s28, $0x1;
	[dreg:$0x2] =	wrdreg s2  }
0xa9: {  	[dreg:$0x3] =	wrdreg s4  }
0xaa: {  	[dreg:$0x4] =	wrdreg $0xC0  }
0xab: {  	_ =	task [dreg:s6], $0x5FFFF  }
0xac: {  	[dreg:$0x1] =	wrdreg $0xFFFFFFFF  }
0xad: {  	[dreg:$0x0] =	wrdreg $0x60  }
0xae: {  	[dreg:$0x2] =	wrdreg s24  }
0xaf: {  	[dreg:$0x3] =	wrdreg $0x9  }
0xb0: {  	_ =	task.clear_ibuf [dreg:s6], $0x4FFFF;
	_ =	strace $0x90000046  }
0xb1: {  	s29 =	simm.s32 $0x9;
	_ =	strace $0x80000048  }
0xb2: {  	_ =	swait.ge [sflag:s29], $0x1  }
0xb3: {  	[sflag:s29] =	ssyncadd.s32 $0xFFFFFFFF  }
0xb4: {  	_ =	strace $0x90000048  }
0xb5: {  	_ =	sfence  }
0xb6: {  	s30 =	sld [smem:$0x0];
	_ =	sdelay $0x2  }
0xb7: {  	s31 =	sshll.u32 s1, $0xD;
	s1 =	sshrl.u32 s1, $0x2  }
0xb8: {  	s3 =	sand.u32 $0x4000, s31;
	s1 =	sadd.s32 s1, s30  }
0xb9: {  	s0 =	sor.u32 s3, s0;
	s1 =	sshll.u32 s1, $0x11  }
0xba: {  	s0 =	sor.u32 s1, s0  }
0xbb: {  	s0 =	sadd.s32 $0x8F2B, s0  }
0xbc: {  	[sflag:s0] =	ssyncadd.remote.s32 $0x1  }
0xbd: {  	_ =	sfence.sel $0xFFFF  }
0xbe: {  	[dreg:$0x0] =	wrdreg $0xFFFFFFFF;
	(pc) =	sbr.abs _section_cstart, $3  }
0xbf: {  	[dreg:$0x1] =	wrdreg $0xFFFFFFFF  }
0xc0: {  	_ =	task.clear_ibuf [dreg:s6], $0x2FFFF;
	_ =	strace $0x9FFFFFFF  }
0xc1: {  	(tm) =	ssettm $0x7FFFFFFF  }
tec
execute0_lowered:
.L_overlay_start_1:
0x0: {  	(tag) =	ssettag $0x1  }
0x1: {  	s0 =	srdreg.scid  }
0x2: {  	s5 =	rddreg [dreg:$0x0];
	s3 =	sand.u32 $0x1, s0  }
0x3: {  	s2 =	simm.s32 $0x0;
	s0 =	stileid.u32;
	s1 =	sshll.u32 s3, $0x4  }
0x4: {  	s8 =	simm.s32 $0x80;
	s9 =	simm.s32 $0x400;
	s4 =	sor.u32 s0, s1  }
0x5: {  	s10 =	simm.s32 $0x0;
	[smem:$0x7FF] =	sst s2;
	s1 =	sshrl.u32 s4, $0x3  }
0x6: {  	s7 =	sshll.u32 s0, $0x7;
	s3 =	ssub.s32 $0x2, s3;
	s6 =	smul.u32 $0x14000, s1  }
0x7: {  	s7 =	sand.u32 $0x380, s7;
	s31 =	sshrl.u32 s3, $0x1;
	s4 =	smul.u32 $0x2780, s4  }
0x8: {  	s1 =	rddreg [dreg:$0x1];
	_ =	strace $0x80000047;
	s6 =	sor.u32 s7, s6  }
0x9: {  	s4 =	sadd.s32 s4, s5;
	s7 =	simm.s32 $0x13C00;
	s6 =	sshrl.u32 s6, $0x3  }
0xa: {  	s5 =	sadd.s32 s6, s5;
	s6 =	ssub.s32 s3, s31;
	s3 =	sadd.s32 $0x3800, s4  }
0xb: {  	v0 =	vimm.f32 $0.0e+00;
	v1 =	vimm.f32 $1.000000000e+00;
	s4 =	sadd.s32 $0x52800, s5;
	s5 =	smax.u32 s6, $0x1;
	s6 =	simm.s32 $0x1  }
.LBB2_1:
0xc: {  	[tilespmem:s2], [sflag:$0x1] =	stream.linear.gather [hbm4b:s3+s2], $0x13C00, $0x38;
	[tilespmem:$0x16400] =	vst v63  }
0xd: {  	_ =	swait.ge [sflag:s6], $0x13C00  }
0xe: {  	[sflag:s6] =	ssyncset.done $0x0  }
0xf: {  	s11 =	simm.s32 $0x0;
	[sflag:s6] =	ssyncadd.s32 $0xFFFEC400  }
.LBB2_2:
0x10: {  	p0 =	sne.s32 s11, $0x9FC0  }
.Ltmp0:
0x11: {  	_ = 	snop;
	(pc) =	sbr.rel @p0 .LBB2_2-.Ltmp0, $3  }
0x12: {  	_ =	sdelay $0x1  }
0x13: {  	s12 =	sshra.s32 s11, $0x2  }
0x14: {  	s11 =	sadd.s32 $0x40, s11;
	[tilespmem:s12+$0x13C00] =	vst v0  }
0x15: {  	s12 =	simm.s32 $0x0;
	s11 =	simm.s32 $0x200  }
.LBB2_4:
0x16: {  	p0 =	sne.s32 s11, $0x4EE00;
	v2 =	vld [tilespmem:s12+$0x0];
	_ =	sdelay $0x3  }
.Ltmp1:
0x17: {  	(pc) =	sbr.rel @p0 .LBB2_4-.Ltmp1, $2  }
0x18: {  	_ =	sdelay $0x2  }
0x19: {  	s12 =	sshra.s32 s11, $0x2;
	s11 =	sadd.s32 $0x200, s11;
	[tilespmem:v2+s7+$0x0] =	vst.idx.add.f32.msk $0xffff, v1  }
0x1a: {  	v2 =	vld [tilespmem:s12+$0x0];
	_ =	sdelay $0x5  }
0x1b: {  	s10 =	sadd.s32 $0x1, s10  }
0x1c: {  	p0 =	sne.s32 s10, s5  }
.Ltmp2:
0x1d: {  	[tilespmem:v2+s7+$0x0] =	vst.idx.add.f32.msk $0xffff, v1;
	(pc) =	sbr.rel @p0 .LBB2_1-.Ltmp2, $4  }
0x1e: {  	[hbm4b:s4+s8] =	stream.strided.scatter [tilespmem:s7], [sflag:$0x1], $0x2800, s9, s8, $0x38;
	[tilespmem:$0x16400] =	vst v63  }
0x1f: {  	_ =	swait.ge [sflag:s6], $0x2800  }
0x20: {  	[sflag:s6] =	ssyncset.done $0x0  }
0x21: {  	[sflag:s6] =	ssyncadd.s32 $0xFFFFD800  }
0x22: {  	_ =	sfence.sel $0x180000  }
0x23: {  	[bflag:$0x0] =	sbarrier.arrive $0xFFFF  }
0x24: {  	p0 =	sne.s32 s0, $0x0;
	_ =	strace $0x90000047  }
0x25: {  	s0 =	sadd.s32 @!p0 $0x100000, s1;
	[bflag:$0x2] =	sbarrier.arrive $0xFFFF  }
0x26: {  	[sflag:s0] =	ssyncadd.tile.s32 @!p0 $0x1;
	_ =	shalt  }
.Lfunc_end2:
_tile_overlayer_lowered:
.L_overlay_start_2:
0x27: {  	(tag) =	ssettag $0x2  }
0x28: {  	s0 =	rddreg [dreg:$0x0];
	s2 =	stileid.u32  }
0x29: {  	s1 =	rddreg [dreg:$0x1];
	p0 =	sne.s32 s2, $0x0  }
0x2a: {  	s3 =	rddreg [dreg:$0x2];
	[bflag:$0x3] =	sbarrier.arrive $0xFFFF;
	s2 =	simm.s32 @!p0 $0x1C01  }
0x2b: {  	[timem:s3], [sflag:s2] =	dma.local @!p0 [hbm:s0], s1  }
0x2c: {  	s0 =	simm.s32 @!p0 $0x1  }
0x2d: {  	_ =	swait.ge @!p0 [sflag:s0], s1  }
0x2e: {  	s1 =	ssub.s32 @!p0 $0x0, s1;
	[sflag:s0] =	ssyncset.done @!p0 $0x0  }
0x2f: {  	[sflag:s0] =	ssyncadd.s32 @!p0 s1  }
0x30: {  	[bflag:$0x3] =	sbarrier.arrive $0xFFFF  }
0x31: {  	_ =	shalt  }

// kernel: kernel.13.cloned.1.call-start
scs
__scs_entry_jumppad:
0x0: {  	(pc) =	sbr.rel $0x88, $3  }
0x1: {  	(tag) =	ssettag $0x0;
	lr =	simm.s32 $0x1  }
0x2: {  	[smem:$0x3F93] =	sst lr;
	_ =	strace $0xD0000000  }
0x3: {  	_ = 	snop  }
0x4: {  	_ = 	snop  }
0x5: {  	_ = 	snop  }
0x6: {  	_ = 	snop  }
0x7: {  	_ = 	snop  }
__scs_overlays_trampoline_lowered:
0x8: {  	[smem:$0x3FA2] =	sst s0  }
0x9: {  	[smem:$0x3FA3] =	sst s1  }
0xa: {  	[smem:$0x3FA4] =	sst s2  }
0xb: {  	[smem:$0x3FA5] =	sst s3  }
0xc: {  	[smem:$0x3FA6] =	sst s4  }
0xd: {  	[smem:$0x3FA7] =	sst s5  }
0xe: {  	[smem:$0x3FA8] =	sst s6  }
0xf: {  	[smem:$0x3FA9] =	sst s7  }
0x10: {  	[smem:$0x3FAA] =	sst s8  }
0x11: {  	[smem:$0x3FAB] =	sst s9;
	s0 =	simm.s32 @!p0 $0x0  }
0x12: {  	s1 =	sld [smem:$0x3F91];
	s0 =	simm.s32 @p0 $0x1  }
0x13: {  	[smem:$0x3FAC] =	sst s0;
	s0 =	simm.s32 @!p1 $0x0  }
0x14: {  	s2 =	sld [smem:$0x3F90];
	s0 =	simm.s32 @p1 $0x1  }
0x15: {  	[smem:$0x3FAD] =	sst s0;
	s0 =	simm.s32 @!p2 $0x0  }
0x16: {  	s3 =	sld [smem:$0x3FDB];
	s0 =	simm.s32 @p2 $0x1  }
0x17: {  	s4 =	simm.s32 $0x1BF5;
	[smem:$0x3FAF] =	sst s0  }
0x18: {  	s0 =	sld [smem:$0x3F92];
	_ =	swait.ge [sflag:s4], $0x0  }
0x19: {  	s7 =	sld [smem:$0x3F93]  }
0x1a: {  	s8 =	sadd.s32 $0xFFFFE003, lr  }
0x1b: {  	s9 =	sadd.s32 $0xFFFFFEF7, lr;
	s5 =	simm.s32 $0xFFFFFFFF;
	p2 =	slt.u32 s8, $0xFFFFF086  }
0x1c: {  	p1 =	slt.u32 s9, $0xF7A;
	s5 =	simm.s32 @!p2 $0x0  }
0x1d: {  	s5 =	simm.s32 @p1 $0x1;
	p0 =	seq.s32 s7, s2  }
0x1e: {  	s7 =	smul.u32 @!p0 $0xF7A, s2;
	p2 =	seq.s32 @!p0 s5, $0x0  }
0x1f: {  	s9 =	smul.u32 $0xF7A, s1;
	s8 =	simm.s32 @!p0 $0x1BF5;
	p2 =	por !p2, p0  }
0x20: {  	[sflag:s8] =	ssyncset.s32 @!p0 $0xFFFFF086;
	s6 =	sadd.s32 @!p0 s3, s7;
	s7 =	simm.s32 @!p0 $0x108  }
0x21: {  	s3 =	sadd.s32 s3, s9;
	s6 =	sadd.s32 @!p0 $0x88, s6;
	s7 =	simm.s32 @p2 $0x1082  }
0x22: {  	[simem:s7], [sflag:s8] =	dma.local @!p0 [hbm:s6], $0xF7A  }
0x23: {  	s9 =	sor.u32 $0xD0000000, s2;
	s6 =	simm.s32 $0x108;
	_ =	swait.ge @!p0 [sflag:s8], $0x0  }
0x24: {  	s3 =	sadd.s32 $0x88, s3;
	s6 =	simm.s32 @!p1 $0x1082;
	[sflag:s4] =	ssyncset.s32 $0xFFFFF086  }
0x25: {  	[simem:s6], [sflag:s4] =	dma.local [hbm:s3], $0xF7A  }
0x26: {  	[smem:$0x3F93] =	sst s1;
	(tag) =	ssettag s2;
	_ =	strace s9  }
0x27: {  	s1 =	sld [smem:$0x3FA3]  }
0x28: {  	s2 =	sld [smem:$0x3FA4]  }
0x29: {  	s4 =	sld [smem:$0x3FA6]  }
0x2a: {  	p0 =	seq.s32 s5, $0x0;
	s5 =	sld [smem:$0x3FA7]  }
0x2b: {  	s6 =	sld [smem:$0x3FA8]  }
0x2c: {  	s7 =	sld [smem:$0x3FA9]  }
0x2d: {  	s3 =	simm.s32 $0x108;
	s8 =	sld [smem:$0x3FAA]  }
0x2e: {  	s3 =	simm.s32 @!p0 $0x1082;
	s9 =	sld [smem:$0x3FAB]  }
0x2f: {  	lr =	sadd.s32 s0, s3;
	s0 =	sld [smem:$0x3FA2]  }
0x30: {  	s3 =	sld [smem:$0x3FA5]  }
0x31: {  	[smem:$0x3FAE] =	sst s10  }
0x32: {  	s10 =	sld [smem:$0x3FAC];
	_ =	sdelay $0x3  }
0x33: {  	p0 =	seq.s32 s10, $0x1;
	s10 =	sld [smem:$0x3FAE];
	_ =	sdelay $0x3  }
0x34: {  	[smem:$0x3FAE] =	sst s10  }
0x35: {  	s10 =	sld [smem:$0x3FAD];
	_ =	sdelay $0x3  }
0x36: {  	p1 =	seq.s32 s10, $0x1;
	s10 =	sld [smem:$0x3FAE];
	_ =	sdelay $0x3  }
0x37: {  	[smem:$0x3FAE] =	sst s10  }
0x38: {  	s10 =	sld [smem:$0x3FAF]  }
0x39: {  	_ = 	snop;
	(pc) =	sbr.ind lr, $3  }
0x3a: {  	_ = 	snop  }
0x3b: {  	_ = 	snop  }
0x3c: {  	p2 =	seq.s32 s10, $0x1;
	s10 =	sld [smem:$0x3FAE]  }
0x3d: {  	_ =	shalt  }
0x3e: {  	_ =	shalt  }
0x3f: {  	_ =	shalt  }
0x40: {  	_ =	shalt  }
0x41: {  	_ =	shalt  }
0x42: {  	_ =	shalt  }
0x43: {  	_ =	shalt  }
0x44: {  	_ =	shalt  }
0x45: {  	_ =	shalt  }
0x46: {  	_ =	shalt  }
0x47: {  	_ =	shalt  }
0x48: {  	_ =	shalt  }
0x49: {  	_ =	shalt  }
0x4a: {  	_ =	shalt  }
0x4b: {  	_ =	shalt  }
0x4c: {  	_ =	shalt  }
0x4d: {  	_ =	shalt  }
0x4e: {  	_ =	shalt  }
0x4f: {  	_ =	shalt  }
0x50: {  	_ =	shalt  }
0x51: {  	_ =	shalt  }
0x52: {  	_ =	shalt  }
0x53: {  	_ =	shalt  }
0x54: {  	_ =	shalt  }
0x55: {  	_ =	shalt  }
0x56: {  	_ =	shalt  }
0x57: {  	_ =	shalt  }
0x58: {  	_ =	shalt  }
0x59: {  	_ =	shalt  }
0x5a: {  	_ =	shalt  }
0x5b: {  	_ =	shalt  }
0x5c: {  	_ =	shalt  }
0x5d: {  	_ =	shalt  }
0x5e: {  	_ =	shalt  }
0x5f: {  	_ =	shalt  }
0x60: {  	_ =	shalt  }
0x61: {  	_ =	shalt  }
0x62: {  	_ =	shalt  }
0x63: {  	_ =	shalt  }
0x64: {  	_ =	shalt  }
0x65: {  	_ =	shalt  }
0x66: {  	_ =	shalt  }
0x67: {  	_ =	shalt  }
0x68: {  	_ =	shalt  }
0x69: {  	_ =	shalt  }
0x6a: {  	_ =	shalt  }
0x6b: {  	_ =	shalt  }
0x6c: {  	_ =	shalt  }
0x6d: {  	_ =	shalt  }
0x6e: {  	_ =	shalt  }
0x6f: {  	_ =	shalt  }
0x70: {  	_ =	shalt  }
0x71: {  	_ =	shalt  }
0x72: {  	_ =	shalt  }
0x73: {  	_ =	shalt  }
0x74: {  	_ =	shalt  }
0x75: {  	_ =	shalt  }
0x76: {  	_ =	shalt  }
0x77: {  	_ =	shalt  }
0x78: {  	_ =	shalt  }
0x79: {  	_ =	shalt  }
0x7a: {  	_ =	shalt  }
0x7b: {  	_ =	shalt  }
0x7c: {  	_ =	shalt  }
0x7d: {  	_ =	shalt  }
0x7e: {  	_ =	shalt  }
0x7f: {  	_ =	shalt  }
0x80: {  	_ =	shalt  }
0x81: {  	_ =	shalt  }
0x82: {  	_ =	shalt  }
0x83: {  	_ =	shalt  }
0x84: {  	_ =	shalt  }
0x85: {  	_ =	shalt  }
0x86: {  	_ =	shalt  }
0x87: {  	_ =	shalt  }
.Lfunc_end0:
.L_simem_size_0:
called_computation.1_lowered:
.L_overlay_start_0:
0x88: {  	s2 =	sld [smem:$0x3FD9]  }
0x89: {  	s3 =	sld [smem:$0x3FFE];
	_ =	sdelay $0x1  }
0x8a: {  	s1 =	srdreg.scid  }
0x8b: {  	s0 =	sand.u32 $0x1, s1  }
0x8c: {  	s17 =	sshll.u32 s0, $0xA;
	s2 =	sadd.s32 s3, s2  }
0x8d: {  	s2 =	sadd.s32 s2, s17  }
0x8e: {  	[smem:$0x3FBA] =	sst s2  }
0x8f: {  	_ = 	snop  }
0x90: {  	s2 =	sld [smem:$0x3FD0];
	(tm) =	ssettm $0x1  }
0x91: {  	s18 =	sld [smem:$0x3FFB];
	_ =	sdelay $0x3  }
0x92: {  	_ =	strace s18  }
0x93: {  	s3 =	sld [smem:$0x3FFC];
	_ =	sdelay $0x3  }
0x94: {  	_ =	strace s3  }
0x95: {  	s3 =	sld [smem:$0x3FFD];
	_ =	sdelay $0x3  }
0x96: {  	_ =	strace s3  }
0x97: {  	_ =	strace $0x8FFFFFFF  }
0x98: {  	s19 =	sld [smem:$0x3FDB];
	_ =	sdelay $0x1  }
0x99: {  	s4 =	simm.s32 $_scs_section_size  }
0x9a: {  	s5 =	simm.s32 $_size__tile_overlayer_lowered;
	s6 =	simm.s32 $_tile_overlayer_lowered  }
0x9b: {  	s22 =	simm.s32 $0x1BFF;
	s21 =	sshll.u32 s6, $0x1;
	s3 =	sadd.s32 s4, s19  }
0x9c: {  	s7 =	simm.s32 $0x0;
	s20 =	sshll.u32 s5, $0x1;
	s5 =	sadd.s32 s21, s3  }
0x9d: {  	[timem:s7], [sflag:s22] =	dma.local [hbm:s5], s20  }
0x9e: {  	_ =	swait.ge [sflag:s22], s20  }
0x9f: {  	s4 =	ssub.s32 $0x0, s20;
	[sflag:s22] =	ssyncset.done $0x0  }
0xa0: {  	[sflag:s22] =	ssyncadd.s32 s4;
	_ =	sdelay $0x1  }
0xa1: {  	s23 =	simm.s32 $0x1B8B  }
0xa2: {  	_ =	swait.ge [sflag:s23], $0x1  }
0xa3: {  	[sflag:s23] =	ssyncset.done $0x0  }
0xa4: {  	s25 =	simm.s32 $0x1B8E;
	s24 =	sld [smem:$0x3FFE];
	[sflag:s23] =	ssyncadd.s32 $0xFFFFFFFF  }
0xa5: {  	s26 =	simm.s32 $execute0_lowered;
	[smem:$0x3FD2] =	sst s25  }
0xa6: {  	s5 =	sshll.u32 s26, $0x1;
	_ =	strace $0x80000049;
	[dreg:$0x1] =	wrdreg $0xFFFFFFFF  }
0xa7: {  	s28 =	simm.s32 $_size_execute0_lowered;
	s3 =	sadd.s32 s3, s5;
	[dreg:$0x0] =	wrdreg $0x0  }
0xa8: {  	s5 =	sshll.u32 s28, $0x1;
	[dreg:$0x2] =	wrdreg s3  }
0xa9: {  	[dreg:$0x3] =	wrdreg s5  }
0xaa: {  	[dreg:$0x4] =	wrdreg $0xC0  }
0xab: {  	_ =	task [dreg:s7], $0x5FFFF  }
0xac: {  	[dreg:$0x1] =	wrdreg $0xFFFFFFFF  }
0xad: {  	[dreg:$0x0] =	wrdreg $0x60  }
0xae: {  	[dreg:$0x2] =	wrdreg s24  }
0xaf: {  	[dreg:$0x3] =	wrdreg s2  }
0xb0: {  	[dreg:$0x4] =	wrdreg $0xC5000  }
0xb1: {  	[dreg:$0x5] =	wrdreg $0x9  }
0xb2: {  	_ =	task.clear_ibuf [dreg:s7], $0x6FFFF;
	_ =	strace $0x90000049  }
0xb3: {  	s29 =	simm.s32 $0x9;
	_ =	strace $0x8000004B  }
0xb4: {  	_ =	swait.ge [sflag:s29], $0x1  }
0xb5: {  	[sflag:s29] =	ssyncadd.s32 $0xFFFFFFFF  }
0xb6: {  	_ =	strace $0x9000004B  }
0xb7: {  	_ =	sfence  }
0xb8: {  	s30 =	sld [smem:$0x0];
	_ =	sdelay $0x2  }
0xb9: {  	s31 =	sshll.u32 s1, $0xD;
	s1 =	sshrl.u32 s1, $0x2  }
0xba: {  	s3 =	sand.u32 $0x4000, s31;
	s1 =	sadd.s32 s1, s30  }
0xbb: {  	s0 =	sor.u32 s3, s0;
	s1 =	sshll.u32 s1, $0x11  }
0xbc: {  	s0 =	sor.u32 s1, s0  }
0xbd: {  	s0 =	sadd.s32 $0x8F2B, s0  }
0xbe: {  	[sflag:s0] =	ssyncadd.remote.s32 $0x1  }
0xbf: {  	_ =	sfence.sel $0xFFFF  }
0xc0: {  	[dreg:$0x0] =	wrdreg $0xFFFFFFFF;
	(pc) =	sbr.abs _section_cstart, $3  }
0xc1: {  	[dreg:$0x1] =	wrdreg $0xFFFFFFFF  }
0xc2: {  	_ =	task.clear_ibuf [dreg:s7], $0x2FFFF;
	_ =	strace $0x9FFFFFFF  }
0xc3: {  	(tm) =	ssettm $0x7FFFFFFF  }
tec
execute0_lowered:
.L_overlay_start_1:
0x0: {  	(tag) =	ssettag $0x1  }
0x1: {  	s0 =	rddreg [dreg:$0x0]  }
0x2: {  	s1 =	rddreg [dreg:$0x1]  }
0x3: {  	s2 =	rddreg [dreg:$0x2];
	s14 =	stileid.u32  }
0x4: {  	s6 =	simm.s32 $0x0;
	s7 =	srdreg.scid;
	s28 =	simm.s32 $0x1  }
0x5: {  	s29 =	simm.s32 $0x3;
	s30 =	simm.s32 $0x2;
	s15 =	smul.u32 $0x780, s14  }
0x6: {  	s31 =	simm.s32 $0x4;
	s3 =	sshrl.u32 s14, $0x3;
	s12 =	smul.u32 $0x4F000, s14  }
0x7: {  	s4 =	sshll.u32 s14, $0x7;
	[smem:$0x7FF] =	sst s6;
	s16 =	smul.u32 $0xA00, s14  }
0x8: {  	s7 =	sand.u32 $0x1, s7;
	s23 =	sshll.u32 s14, $0x6;
	s5 =	smul.u32 $0x16800, s3  }
0x9: {  	p1 =	seq.s32 s14, $0xF;
	s13 =	sand.u32 $0x380, s4;
	s3 =	smul.u32 $0x10C00, s3  }
0xa: {  	_ =	strace $0x8000004A;
	s4 =	sadd.s32 $0x3800, s0;
	s9 =	smul.u32 $0x28000, s7  }
0xb: {  	s10 =	ssub.s32 $0x2, s7;
	p0 =	seq.s32 s7, $0x0;
	s6 =	sadd.s32 s15, s0  }
0xc: {  	s11 =	sshrl.u32 s10, $0x1;
	s17 =	sshrl.u32 s12, $0x2;
	s1 =	sadd.s32 s1, s16  }
0xd: {  	s12 =	sadd.s32 $0x138400, s2;
	s15 =	sor.u32 $0x1C05, s23;
	s23 =	simm.s32 $0x48  }
0xe: {  	s5 =	sor.u32 s13, s5;
	s3 =	sor.u32 s13, s3;
	s10 =	ssub.s32 s10, s11  }
0xf: {  	s6 =	sadd.s32 $0x5C800, s6;
	[dreg:$0x7] =	wrdreg s1;
	s11 =	simm.s32 $0xA0  }
0x10: {  	s5 =	sshrl.u32 s5, $0x3;
	s3 =	sshrl.u32 s3, $0x3;
	[dreg:$0x5] =	wrdreg s6  }
0x11: {  	s11 =	simm.s32 @!p0 $0x76;
	s10 =	smax.u32 s10, $0x1;
	p0 =	sne.s32 s7, $0x0  }
0x12: {  	s8 =	sadd.s32 s5, s0;
	s3 =	sadd.s32 s3, s0;
	s5 =	sadd.s32 $0x2B800, s0  }
0x13: {  	s0 =	sadd.s32 s9, s0;
	s9 =	sadd.s32 s17, s2;
	s13 =	sshrl.u32 s11, $0x1  }
0x14: {  	[dreg:$0x8] =	wrdreg s10;
	s17 =	simm.s32 $0x5;
	s3 =	sadd.s32 $0x69A00, s3  }
0x15: {  	s18 =	sadd.s32 $0x64000, s8;
	s19 =	sadd.s32 $0x4000, s9;
	s20 =	sadd.s32 $0x8000, s9  }
0x16: {  	s21 =	sadd.s32 $0xC000, s9;
	s8 =	sadd.s32 $0x10000, s9;
	[dreg:$0x4] =	wrdreg s3  }
0x17: {  	s16 =	sadd.s32 $0x6DE00, s0;
	s22 =	sadd.s32 $0xFFFFFFFF, s13;
	[dreg:$0x6] =	wrdreg s18  }
0x18: {  	s0 =	smul.u32 $0x2780, s14;
	s24 =	sshrl.u32 s9, $0x3;
	[dreg:$0x9] =	wrdreg s22  }
0x19: {  	[dreg:$0xa] =	wrdreg s24;
	s1 =	sshrl.u32 s19, $0x3;
	s25 =	sshrl.u32 s20, $0x3  }
0x1a: {  	s26 =	sshrl.u32 s21, $0x3;
	s22 =	sshrl.u32 @!p1 s8, $0x3;
	[dreg:$0xb] =	wrdreg s1  }
0x1b: {  	s24 =	simm.s32 $0x7D00;
	s21 =	smov.u32 s16;
	[dreg:$0xc] =	wrdreg s25  }
0x1c: {  	[dreg:$0xd] =	wrdreg s26;
	s1 =	sshrl.u32 @p1 s12, $0x3;
	s25 =	sadd.s32 @!p1 s0, s16  }
0x1d: {  	s26 =	simm.s32 $0xA100;
	s0 =	simm.s32 $0x0;
	[dreg:$0xe] =	wrdreg s1  }
.LBB2_1:
0x1e: {  	s1 =	simm.s32 @p0 $0x80  }
0x1f: {  	s3 =	simm.s32 @p0 $0x400;
	s6 =	simm.s32 @p0 $0x0;
	s7 =	rddreg [dreg:$0x4]  }
0x20: {  	[tilespmem:s6], [sflag:$0x5] =	stream.strided.gather @p0 [hbm4b:s7+s1], $0x2180, s3, s1, $0x38;
	[tilespmem:$0x1FE00] =	vst v63  }
0x21: {  	s1 =	simm.s32 @p0 $0x5  }
0x22: {  	_ =	swait.ge @p0 [sflag:s1], $0x2180  }
0x23: {  	[sflag:s1] =	ssyncset.done @p0 $0x0  }
0x24: {  	s3 =	simm.s32 @p0 $0x2D00;
	s7 =	rddreg [dreg:$0x5];
	[sflag:s1] =	ssyncadd.s32 @p0 $0xFFFFDE80  }
0x25: {  	[tilespmem:s3], [sflag:$0x5] =	stream.linear.gather @p0 [hbm4b:s7+s6], $0x3B00, $0x38;
	[tilespmem:$0x1FE00] =	vst v63  }
0x26: {  	_ =	swait.ge @p0 [sflag:s1], $0x3B00  }
0x27: {  	s3 =	simm.s32 @!p0 $0x400;
	s6 =	simm.s32 @!p0 $0x0;
	[sflag:s1] =	ssyncset.done @p0 $0x0  }
0x28: {  	s7 =	rddreg [dreg:$0x6];
	[sflag:s1] =	ssyncadd.s32 @p0 $0xFFFFC500;
	s1 =	simm.s32 @!p0 $0x80  }
0x29: {  	[tilespmem:s6], [sflag:$0x5] =	stream.strided.gather @!p0 [hbm4b:s7+s1], $0x2D00, s3, s1, $0x38;
	[tilespmem:$0x1FE00] =	vst v63  }
0x2a: {  	s1 =	simm.s32 @!p0 $0x5  }
0x2b: {  	_ =	swait.ge @!p0 [sflag:s1], $0x2D00  }
0x2c: {  	[sflag:s1] =	ssyncset.done @!p0 $0x0  }
0x2d: {  	s3 =	simm.s32 @!p0 $0x2D00;
	s7 =	rddreg [dreg:$0x7];
	[sflag:s1] =	ssyncadd.s32 @!p0 $0xFFFFD300  }
0x2e: {  	[tilespmem:s3], [sflag:$0x5] =	stream.linear.gather @!p0 [hbm4b:s7+s6], $0x5000, $0x38;
	[tilespmem:$0x1FE00] =	vst v63  }
0x2f: {  	_ =	swait.ge @!p0 [sflag:s1], $0x5000  }
0x30: {  	[sflag:s1] =	ssyncset.done @!p0 $0x0  }
0x31: {  	s12 =	rddreg [dreg:$0xa];
	[sflag:s1] =	ssyncadd.s32 @!p0 $0xFFFFB000  }
0x32: {  	[spmem:s12], [sflag:s15] =	dma.local [hbm:s5], $0x800  }
0x33: {  	_ =	swait.ge [sflag:s17], $0x800  }
0x34: {  	[sflag:s17] =	ssyncset.done $0x0  }
0x35: {  	s13 =	rddreg [dreg:$0xb];
	[sflag:s17] =	ssyncadd.s32 $0xFFFFF800  }
0x36: {  	[spmem:s13], [sflag:s15] =	dma.local [hbm:s5], $0x800  }
0x37: {  	_ =	swait.ge [sflag:s17], $0x800  }
0x38: {  	[sflag:s17] =	ssyncset.done $0x0  }
0x39: {  	s14 =	rddreg [dreg:$0xc];
	[sflag:s17] =	ssyncadd.s32 $0xFFFFF800  }
0x3a: {  	[spmem:s14], [sflag:s15] =	dma.local [hbm:s5], $0x800  }
0x3b: {  	_ =	swait.ge [sflag:s17], $0x800  }
0x3c: {  	[sflag:s17] =	ssyncset.done $0x0  }
0x3d: {  	s16 =	rddreg [dreg:$0xd];
	[sflag:s17] =	ssyncadd.s32 $0xFFFFF800  }
0x3e: {  	[spmem:s16], [sflag:s15] =	dma.local [hbm:s5], $0x800  }
0x3f: {  	_ =	swait.ge [sflag:s17], $0x800  }
0x40: {  	[sflag:s17] =	ssyncset.done $0x0  }
0x41: {  	s3 =	simm.s32 @p1 $0x5;
	s1 =	rddreg [dreg:$0xe];
	[sflag:s17] =	ssyncadd.s32 $0xFFFFF800  }
0x42: {  	[spmem:s1], [sflag:s15] =	dma.local @p1 [hbm:s5], $0x180  }
0x43: {  	_ =	swait.ge @p1 [sflag:s3], $0x180  }
0x44: {  	[sflag:s3] =	ssyncset.done @p1 $0x0  }
0x45: {  	s1 =	simm.s32 @!p1 $0x5;
	[sflag:s3] =	ssyncadd.s32 @p1 $0xFFFFFE80  }
0x46: {  	[spmem:s22], [sflag:s15] =	dma.local @!p1 [hbm:s5], $0x780  }
0x47: {  	_ =	swait.ge @!p1 [sflag:s1], $0x780  }
0x48: {  	[sflag:s1] =	ssyncset.done @!p1 $0x0  }
0x49: {  	[sflag:s1] =	ssyncadd.s32 @!p1 $0xFFFFF880  }
0x4a: {  	s18 =	simm.s32 $0x0;
	[bflag:$0x0] =	sbarrier.arrive $0xFFFF  }
0x4b: {  	[tilespmem:s24], [sflag:$0x1] =	stream.indirect.gather [hbm4b:s4+s23], $0x80, s18, s23, $0xb8;
	[tilespmem:$0x1FE00] =	vst v63  }
0x4c: {  	_ = 	snop  }
0x4d: {  	[tilespmem:s26], [sflag:$0x2] =	stream.indirect.gather [hbm4b:s4+s23], $0x80, s23, s23, $0xb8;
	[tilespmem:$0x1FE00] =	vst v63  }
0x4e: {  	_ =	swait.ge [sflag:s28], $0x2400  }
0x4f: {  	[sflag:s28] =	ssyncset.done $0x0  }
0x50: {  	s19 =	simm.s32 $0x2D00;
	[sflag:s28] =	ssyncadd.s32 $0xFFFFDC00  }
0x51: {  	[spmem:s2] =	stream.indirect.scatter.add.f32 [tilespmem:s24], [sflag:$0x3], $0x80, s19, s23, $0xb8;
	[tilespmem:$0x1FE00] =	vst v63  }
0x52: {  	p2 =	sle.u32 s11, $0x2;
	_ =	swait.ge [sflag:s29], $0x2400  }
0x53: {  	s8 =	simm.s32 @!p2 $0x7D00;
	[sflag:s29] =	ssyncset.done $0x0  }
0x54: {  	s6 =	simm.s32 @!p2 $0x90;
	s7 =	simm.s32 @!p2 $0x48;
	[sflag:s29] =	ssyncadd.s32 $0xFFFFDC00  }
0x55: {  	[tilespmem:s8], [sflag:$0x1] =	stream.indirect.gather @!p2 [hbm4b:s4+s7], $0x80, s6, s7, $0xb8;
	[tilespmem:$0x1FE00] =	vst v63  }
0x56: {  	_ =	swait.ge [sflag:s30], $0x2400  }
0x57: {  	s20 =	rddreg [dreg:$0x9]  }
0x58: {  	s13 =	sadd.s32 $0xFFFFFFFF, s20  }
0x59: {  	s10 =	simm.s32 $0x2D80;
	p3 =	sle.u32 s11, $0x3;
	p2 =	sne.s32 s13, $0x0  }
.Ltmp0:
0x5a: {  	s12 =	simm.s32 $0xD8;
	[sflag:s30] =	ssyncset.done $0x0;
	(pc) =	sbr.rel @!p2 .LBB2_3-.Ltmp0, $4  }
0x5b: {  	s14 =	simm.s32 $0xD8;
	s16 =	simm.s32 @!p3 $0x48;
	[sflag:s30] =	ssyncadd.s32 $0xFFFFDC00  }
0x5c: {  	[spmem:s2] =	stream.indirect.scatter.add.f32 [tilespmem:s26], [sflag:$0x4], $0x80, s10, s23, $0xb8;
	[tilespmem:$0x1FE00] =	vst v63  }
0x5d: {  	s18 =	simm.s32 @!p3 $0xA100;
	s6 =	simm.s32 $0xD8;
	_ =	swait.ge [sflag:s31], $0x2400  }
0x5e: {  	s8 =	simm.s32 $0x2E80;
	s7 =	simm.s32 $0x5;
	[sflag:s31] =	ssyncset.done $0x0  }
.LBB2_2:
0x5f: {  	s14 =	smov.u32 s6;
	s10 =	smov.u32 s8  }
0x60: {  	s13 =	sadd.s32 $0xFFFFFFFF, s13;
	s6 =	sadd.s32 $0x90, s6;
	[sflag:s31] =	ssyncadd.s32 $0xFFFFDC00  }
0x61: {  	[tilespmem:s18], [sflag:$0x2] =	stream.indirect.gather @!p3 [hbm4b:s4+s16], $0x80, s12, s16, $0xb8;
	[tilespmem:$0x1FE00] =	vst v63  }
0x62: {  	p2 =	sne.s32 s13, $0x0;
	s12 =	smov.u32 s6;
	_ =	swait.ge [sflag:s28], $0x2400  }
0x63: {  	s16 =	sadd.s32 $0xFFFFFF80, s8;
	s18 =	smov.u32 s8;
	[sflag:s28] =	ssyncset.done $0x0  }
0x64: {  	s19 =	sadd.s32 $0xFFFFFFFF, s7;
	[sflag:s28] =	ssyncadd.s32 $0xFFFFDC00  }
0x65: {  	[spmem:s2] =	stream.indirect.scatter.add.f32 [tilespmem:s24], [sflag:$0x3], $0x80, s16, s23, $0xb8;
	[tilespmem:$0x1FE00] =	vst v63  }
0x66: {  	p3 =	sge.u32 s19, s11;
	_ =	swait.ge [sflag:s29], $0x2400  }
0x67: {  	s19 =	simm.s32 @!p3 $0x48;
	s16 =	sadd.s32 @!p3 $0xFFFFFFB8, s6;
	[sflag:s29] =	ssyncset.done $0x0  }
0x68: {  	s20 =	simm.s32 @!p3 $0x7D00;
	[sflag:s29] =	ssyncadd.s32 $0xFFFFDC00  }
0x69: {  	[tilespmem:s20], [sflag:$0x1] =	stream.indirect.gather @!p3 [hbm4b:s4+s19], $0x80, s16, s19, $0xb8;
	[tilespmem:$0x1FE00] =	vst v63  }
0x6a: {  	_ =	swait.ge [sflag:s30], $0x2400  }
.Ltmp1:
0x6b: {  	[sflag:s30] =	ssyncset.done $0x0;
	(pc) =	sbr.rel @p2 .LBB2_2-.Ltmp1, $4  }
0x6c: {  	s8 =	sadd.s32 $0x100, s8;
	[sflag:s30] =	ssyncadd.s32 $0xFFFFDC00  }
0x6d: {  	[spmem:s2] =	stream.indirect.scatter.add.f32 [tilespmem:s26], [sflag:$0x4], $0x80, s18, s23, $0xb8;
	[tilespmem:$0x1FE00] =	vst v63  }
0x6e: {  	p3 =	sge.u32 s7, s11;
	s7 =	sadd.s32 $0x2, s7;
	_ =	swait.ge [sflag:s31], $0x2400  }
0x6f: {  	s16 =	simm.s32 @!p3 $0x48;
	s18 =	simm.s32 @!p3 $0xA100;
	[sflag:s31] =	ssyncset.done $0x0  }
.LBB2_3:
0x70: {  	[sflag:s31] =	ssyncadd.s32 $0xFFFFDC00  }
0x71: {  	[tilespmem:s18], [sflag:$0x2] =	stream.indirect.gather @!p3 [hbm4b:s4+s16], $0x80, s12, s16, $0xb8;
	[tilespmem:$0x1FE00] =	vst v63  }
0x72: {  	_ =	swait.ge [sflag:s28], $0x2400  }
0x73: {  	[sflag:s28] =	ssyncset.done $0x0  }
0x74: {  	s10 =	sadd.s32 $0x80, s10;
	s19 =	sadd.s32 $0xFFFFFFFF, s7;
	[sflag:s28] =	ssyncadd.s32 $0xFFFFDC00  }
0x75: {  	[spmem:s2] =	stream.indirect.scatter.add.f32 [tilespmem:s24], [sflag:$0x3], $0x80, s10, s23, $0xb8;
	[tilespmem:$0x1FE00] =	vst v63  }
0x76: {  	p2 =	sge.u32 s19, s11;
	_ =	swait.ge [sflag:s29], $0x2400  }
0x77: {  	s12 =	simm.s32 @!p2 $0x48;
	[sflag:s29] =	ssyncset.done $0x0  }
0x78: {  	s13 =	simm.s32 @!p2 $0x7D00;
	s10 =	sadd.s32 @!p2 $0x48, s14;
	[sflag:s29] =	ssyncadd.s32 $0xFFFFDC00  }
0x79: {  	[tilespmem:s13], [sflag:$0x1] =	stream.indirect.gather @!p2 [hbm4b:s4+s12], $0x80, s10, s12, $0xb8;
	[tilespmem:$0x1FE00] =	vst v63  }
0x7a: {  	_ =	swait.ge [sflag:s30], $0x2400  }
0x7b: {  	[sflag:s30] =	ssyncset.done $0x0  }
0x7c: {  	[sflag:s30] =	ssyncadd.s32 $0xFFFFDC00  }
0x7d: {  	[spmem:s2] =	stream.indirect.scatter.add.f32 [tilespmem:s26], [sflag:$0x4], $0x80, s8, s23, $0xb8;
	[tilespmem:$0x1FE00] =	vst v63  }
0x7e: {  	_ =	swait.ge [sflag:s31], $0x2400  }
0x7f: {  	s6 =	sadd.s32 $0x90, s6;
	p2 =	sge.u32 s7, s11;
	[sflag:s31] =	ssyncset.done $0x0  }
0x80: {  	s7 =	simm.s32 @!p2 $0x48;
	s8 =	simm.s32 @!p2 $0xA100;
	[sflag:s31] =	ssyncadd.s32 $0xFFFFDC00  }
0x81: {  	[tilespmem:s8], [sflag:$0x2] =	stream.indirect.gather @!p2 [hbm4b:s4+s7], $0x80, s6, s7, $0xb8;
	[tilespmem:$0x1FE00] =	vst v63  }
0x82: {  	s6 =	sadd.s32 @p1 $0x25080, s21;
	s7 =	sshrl.u32 @p1 s9, $0x3;
	[bflag:$0x0] =	sbarrier.arrive $0xFFFF  }
0x83: {  	[hbm:s6], [sflag:s15] =	dma.local @p1 [spmem:s7], $0x2180  }
0x84: {  	_ =	swait.ge @p1 [sflag:s3], $0x2180  }
0x85: {  	[sflag:s3] =	ssyncset.done @p1 $0x0  }
0x86: {  	[sflag:s3] =	ssyncadd.s32 @p1 $0xFFFFDE80;
	s3 =	sshrl.u32 @!p1 s9, $0x3  }
0x87: {  	[hbm:s25], [sflag:s15] =	dma.local @!p1 [spmem:s3], $0x2780  }
0x88: {  	_ =	swait.ge @!p1 [sflag:s1], $0x2780  }
0x89: {  	s0 =	sadd.s32 $0x1, s0;
	s20 =	rddreg [dreg:$0x8]  }
0x8a: {  	p2 =	sne.s32 s0, s20  }
.Ltmp2:
0x8b: {  	_ = 	snop;
	(pc) =	sbr.rel @p2 .LBB2_1-.Ltmp2, $3  }
0x8c: {  	_ =	sdelay $0x1  }
0x8d: {  	[sflag:s1] =	ssyncset.done @!p1 $0x0  }
0x8e: {  	[sflag:s1] =	ssyncadd.s32 @!p1 $0xFFFFD880  }
0x8f: {  	_ =	sfence.sel $0x180000  }
0x90: {  	[bflag:$0x0] =	sbarrier.arrive $0xFFFF  }
0x91: {  	_ =	strace $0x9000004A  }
0x92: {  	s0 =	stileid.u32;
	[bflag:$0x2] =	sbarrier.arrive $0xFFFF  }
0x93: {  	p0 =	sne.s32 s0, $0x0;
	s0 =	rddreg [dreg:$0x3]  }
0x94: {  	s0 =	sadd.s32 @!p0 $0x100000, s0  }
0x95: {  	[sflag:s0] =	ssyncadd.tile.s32 @!p0 $0x1;
	_ =	shalt  }
.Lfunc_end2:
_tile_overlayer_lowered:
.L_overlay_start_2:
0x96: {  	(tag) =	ssettag $0x2  }
0x97: {  	s0 =	rddreg [dreg:$0x0];
	s2 =	stileid.u32  }
0x98: {  	s1 =	rddreg [dreg:$0x1];
	p0 =	sne.s32 s2, $0x0  }
0x99: {  	s3 =	rddreg [dreg:$0x2];
	[bflag:$0x3] =	sbarrier.arrive $0xFFFF;
	s2 =	simm.s32 @!p0 $0x1C05  }
0x9a: {  	[timem:s3], [sflag:s2] =	dma.local @!p0 [hbm:s0], s1  }
0x9b: {  	s0 =	simm.s32 @!p0 $0x5  }
0x9c: {  	_ =	swait.ge @!p0 [sflag:s0], s1  }
0x9d: {  	s1 =	ssub.s32 @!p0 $0x0, s1;
	[sflag:s0] =	ssyncset.done @!p0 $0x0  }
0x9e: {  	[sflag:s0] =	ssyncadd.s32 @!p0 s1  }
0x9f: {  	[bflag:$0x3] =	sbarrier.arrive $0xFFFF  }
0xa0: {  	_ =	shalt  }

// kernel: kernel.16.cloned.1.call-start
scs
__scs_entry_jumppad:
0x0: {  	(pc) =	sbr.rel $0x88, $3  }
0x1: {  	(tag) =	ssettag $0x0;
	lr =	simm.s32 $0x1  }
0x2: {  	[smem:$0x3F93] =	sst lr;
	_ =	strace $0xD0000000  }
0x3: {  	_ = 	snop  }
0x4: {  	_ = 	snop  }
0x5: {  	_ = 	snop  }
0x6: {  	_ = 	snop  }
0x7: {  	_ = 	snop  }
__scs_overlays_trampoline_lowered:
0x8: {  	[smem:$0x3FA2] =	sst s0  }
0x9: {  	[smem:$0x3FA3] =	sst s1  }
0xa: {  	[smem:$0x3FA4] =	sst s2  }
0xb: {  	[smem:$0x3FA5] =	sst s3  }
0xc: {  	[smem:$0x3FA6] =	sst s4  }
0xd: {  	[smem:$0x3FA7] =	sst s5  }
0xe: {  	[smem:$0x3FA8] =	sst s6  }
0xf: {  	[smem:$0x3FA9] =	sst s7  }
0x10: {  	[smem:$0x3FAA] =	sst s8  }
0x11: {  	[smem:$0x3FAB] =	sst s9;
	s0 =	simm.s32 @!p0 $0x0  }
0x12: {  	s1 =	sld [smem:$0x3F91];
	s0 =	simm.s32 @p0 $0x1  }
0x13: {  	[smem:$0x3FAC] =	sst s0;
	s0 =	simm.s32 @!p1 $0x0  }
0x14: {  	s2 =	sld [smem:$0x3F90];
	s0 =	simm.s32 @p1 $0x1  }
0x15: {  	[smem:$0x3FAD] =	sst s0;
	s0 =	simm.s32 @!p2 $0x0  }
0x16: {  	s3 =	sld [smem:$0x3FDB];
	s0 =	simm.s32 @p2 $0x1  }
0x17: {  	s4 =	simm.s32 $0x1BF5;
	[smem:$0x3FAF] =	sst s0  }
0x18: {  	s0 =	sld [smem:$0x3F92];
	_ =	swait.ge [sflag:s4], $0x0  }
0x19: {  	s7 =	sld [smem:$0x3F93]  }
0x1a: {  	s8 =	sadd.s32 $0xFFFFE003, lr  }
0x1b: {  	s9 =	sadd.s32 $0xFFFFFEF7, lr;
	s5 =	simm.s32 $0xFFFFFFFF;
	p2 =	slt.u32 s8, $0xFFFFF086  }
0x1c: {  	p1 =	slt.u32 s9, $0xF7A;
	s5 =	simm.s32 @!p2 $0x0  }
0x1d: {  	s5 =	simm.s32 @p1 $0x1;
	p0 =	seq.s32 s7, s2  }
0x1e: {  	s7 =	smul.u32 @!p0 $0xF7A, s2;
	p2 =	seq.s32 @!p0 s5, $0x0  }
0x1f: {  	s9 =	smul.u32 $0xF7A, s1;
	s8 =	simm.s32 @!p0 $0x1BF5;
	p2 =	por !p2, p0  }
0x20: {  	[sflag:s8] =	ssyncset.s32 @!p0 $0xFFFFF086;
	s6 =	sadd.s32 @!p0 s3, s7;
	s7 =	simm.s32 @!p0 $0x108  }
0x21: {  	s3 =	sadd.s32 s3, s9;
	s6 =	sadd.s32 @!p0 $0x88, s6;
	s7 =	simm.s32 @p2 $0x1082  }
0x22: {  	[simem:s7], [sflag:s8] =	dma.local @!p0 [hbm:s6], $0xF7A  }
0x23: {  	s9 =	sor.u32 $0xD0000000, s2;
	s6 =	simm.s32 $0x108;
	_ =	swait.ge @!p0 [sflag:s8], $0x0  }
0x24: {  	s3 =	sadd.s32 $0x88, s3;
	s6 =	simm.s32 @!p1 $0x1082;
	[sflag:s4] =	ssyncset.s32 $0xFFFFF086  }
0x25: {  	[simem:s6], [sflag:s4] =	dma.local [hbm:s3], $0xF7A  }
0x26: {  	[smem:$0x3F93] =	sst s1;
	(tag) =	ssettag s2;
	_ =	strace s9  }
0x27: {  	s1 =	sld [smem:$0x3FA3]  }
0x28: {  	s2 =	sld [smem:$0x3FA4]  }
0x29: {  	s4 =	sld [smem:$0x3FA6]  }
0x2a: {  	p0 =	seq.s32 s5, $0x0;
	s5 =	sld [smem:$0x3FA7]  }
0x2b: {  	s6 =	sld [smem:$0x3FA8]  }
0x2c: {  	s7 =	sld [smem:$0x3FA9]  }
0x2d: {  	s3 =	simm.s32 $0x108;
	s8 =	sld [smem:$0x3FAA]  }
0x2e: {  	s3 =	simm.s32 @!p0 $0x1082;
	s9 =	sld [smem:$0x3FAB]  }
0x2f: {  	lr =	sadd.s32 s0, s3;
	s0 =	sld [smem:$0x3FA2]  }
0x30: {  	s3 =	sld [smem:$0x3FA5]  }
0x31: {  	[smem:$0x3FAE] =	sst s10  }
0x32: {  	s10 =	sld [smem:$0x3FAC];
	_ =	sdelay $0x3  }
0x33: {  	p0 =	seq.s32 s10, $0x1;
	s10 =	sld [smem:$0x3FAE];
	_ =	sdelay $0x3  }
0x34: {  	[smem:$0x3FAE] =	sst s10  }
0x35: {  	s10 =	sld [smem:$0x3FAD];
	_ =	sdelay $0x3  }
0x36: {  	p1 =	seq.s32 s10, $0x1;
	s10 =	sld [smem:$0x3FAE];
	_ =	sdelay $0x3  }
0x37: {  	[smem:$0x3FAE] =	sst s10  }
0x38: {  	s10 =	sld [smem:$0x3FAF]  }
0x39: {  	_ = 	snop;
	(pc) =	sbr.ind lr, $3  }
0x3a: {  	_ = 	snop  }
0x3b: {  	_ = 	snop  }
0x3c: {  	p2 =	seq.s32 s10, $0x1;
	s10 =	sld [smem:$0x3FAE]  }
0x3d: {  	_ =	shalt  }
0x3e: {  	_ =	shalt  }
0x3f: {  	_ =	shalt  }
0x40: {  	_ =	shalt  }
0x41: {  	_ =	shalt  }
0x42: {  	_ =	shalt  }
0x43: {  	_ =	shalt  }
0x44: {  	_ =	shalt  }
0x45: {  	_ =	shalt  }
0x46: {  	_ =	shalt  }
0x47: {  	_ =	shalt  }
0x48: {  	_ =	shalt  }
0x49: {  	_ =	shalt  }
0x4a: {  	_ =	shalt  }
0x4b: {  	_ =	shalt  }
0x4c: {  	_ =	shalt  }
0x4d: {  	_ =	shalt  }
0x4e: {  	_ =	shalt  }
0x4f: {  	_ =	shalt  }
0x50: {  	_ =	shalt  }
0x51: {  	_ =	shalt  }
0x52: {  	_ =	shalt  }
0x53: {  	_ =	shalt  }
0x54: {  	_ =	shalt  }
0x55: {  	_ =	shalt  }
0x56: {  	_ =	shalt  }
0x57: {  	_ =	shalt  }
0x58: {  	_ =	shalt  }
0x59: {  	_ =	shalt  }
0x5a: {  	_ =	shalt  }
0x5b: {  	_ =	shalt  }
0x5c: {  	_ =	shalt  }
0x5d: {  	_ =	shalt  }
0x5e: {  	_ =	shalt  }
0x5f: {  	_ =	shalt  }
0x60: {  	_ =	shalt  }
0x61: {  	_ =	shalt  }
0x62: {  	_ =	shalt  }
0x63: {  	_ =	shalt  }
0x64: {  	_ =	shalt  }
0x65: {  	_ =	shalt  }
0x66: {  	_ =	shalt  }
0x67: {  	_ =	shalt  }
0x68: {  	_ =	shalt  }
0x69: {  	_ =	shalt  }
0x6a: {  	_ =	shalt  }
0x6b: {  	_ =	shalt  }
0x6c: {  	_ =	shalt  }
0x6d: {  	_ =	shalt  }
0x6e: {  	_ =	shalt  }
0x6f: {  	_ =	shalt  }
0x70: {  	_ =	shalt  }
0x71: {  	_ =	shalt  }
0x72: {  	_ =	shalt  }
0x73: {  	_ =	shalt  }
0x74: {  	_ =	shalt  }
0x75: {  	_ =	shalt  }
0x76: {  	_ =	shalt  }
0x77: {  	_ =	shalt  }
0x78: {  	_ =	shalt  }
0x79: {  	_ =	shalt  }
0x7a: {  	_ =	shalt  }
0x7b: {  	_ =	shalt  }
0x7c: {  	_ =	shalt  }
0x7d: {  	_ =	shalt  }
0x7e: {  	_ =	shalt  }
0x7f: {  	_ =	shalt  }
0x80: {  	_ =	shalt  }
0x81: {  	_ =	shalt  }
0x82: {  	_ =	shalt  }
0x83: {  	_ =	shalt  }
0x84: {  	_ =	shalt  }
0x85: {  	_ =	shalt  }
0x86: {  	_ =	shalt  }
0x87: {  	_ =	shalt  }
.Lfunc_end0:
.L_simem_size_0:
called_computation.2_lowered:
.L_overlay_start_0:
0x88: {  	s2 =	sld [smem:$0x3FD9]  }
0x89: {  	s3 =	sld [smem:$0x3FFE];
	_ =	sdelay $0x1  }
0x8a: {  	s1 =	srdreg.scid  }
0x8b: {  	s0 =	sand.u32 $0x1, s1  }
0x8c: {  	s17 =	sshll.u32 s0, $0xA;
	s2 =	sadd.s32 s3, s2  }
0x8d: {  	s2 =	sadd.s32 s2, s17  }
0x8e: {  	[smem:$0x3FBA] =	sst s2  }
0x8f: {  	_ = 	snop  }
0x90: {  	s2 =	sld [smem:$0x3FD0];
	(tm) =	ssettm $0x1  }
0x91: {  	s18 =	sld [smem:$0x3FFB];
	_ =	sdelay $0x3  }
0x92: {  	_ =	strace s18  }
0x93: {  	s3 =	sld [smem:$0x3FFC];
	_ =	sdelay $0x3  }
0x94: {  	_ =	strace s3  }
0x95: {  	s3 =	sld [smem:$0x3FFD];
	_ =	sdelay $0x3  }
0x96: {  	_ =	strace s3  }
0x97: {  	_ =	strace $0x8FFFFFFF  }
0x98: {  	s19 =	sld [smem:$0x3FDB];
	_ =	sdelay $0x1  }
0x99: {  	s4 =	simm.s32 $_scs_section_size  }
0x9a: {  	s5 =	simm.s32 $_size__tile_overlayer_lowered;
	s6 =	simm.s32 $_tile_overlayer_lowered  }
0x9b: {  	s22 =	simm.s32 $0x1BFF;
	s21 =	sshll.u32 s6, $0x1;
	s3 =	sadd.s32 s4, s19  }
0x9c: {  	s7 =	simm.s32 $0x0;
	s20 =	sshll.u32 s5, $0x1;
	s5 =	sadd.s32 s21, s3  }
0x9d: {  	[timem:s7], [sflag:s22] =	dma.local [hbm:s5], s20  }
0x9e: {  	_ =	swait.ge [sflag:s22], s20  }
0x9f: {  	s4 =	ssub.s32 $0x0, s20;
	[sflag:s22] =	ssyncset.done $0x0  }
0xa0: {  	[sflag:s22] =	ssyncadd.s32 s4;
	_ =	sdelay $0x1  }
0xa1: {  	s23 =	simm.s32 $0x1B8B  }
0xa2: {  	_ =	swait.ge [sflag:s23], $0x1  }
0xa3: {  	[sflag:s23] =	ssyncset.done $0x0  }
0xa4: {  	s25 =	simm.s32 $0x1B8E;
	s24 =	sld [smem:$0x3FFE];
	[sflag:s23] =	ssyncadd.s32 $0xFFFFFFFF  }
0xa5: {  	s26 =	simm.s32 $execute0_lowered;
	[smem:$0x3FD2] =	sst s25  }
0xa6: {  	s5 =	sshll.u32 s26, $0x1;
	_ =	strace $0x8000004C;
	[dreg:$0x1] =	wrdreg $0xFFFFFFFF  }
0xa7: {  	s28 =	simm.s32 $_size_execute0_lowered;
	s3 =	sadd.s32 s3, s5;
	[dreg:$0x0] =	wrdreg $0x0  }
0xa8: {  	s5 =	sshll.u32 s28, $0x1;
	[dreg:$0x2] =	wrdreg s3  }
0xa9: {  	[dreg:$0x3] =	wrdreg s5  }
0xaa: {  	[dreg:$0x4] =	wrdreg $0xC0  }
0xab: {  	_ =	task [dreg:s7], $0x5FFFF  }
0xac: {  	[dreg:$0x1] =	wrdreg $0xFFFFFFFF  }
0xad: {  	[dreg:$0x0] =	wrdreg $0x60  }
0xae: {  	[dreg:$0x2] =	wrdreg s24  }
0xaf: {  	[dreg:$0x3] =	wrdreg s2  }
0xb0: {  	[dreg:$0x4] =	wrdreg $0xC5000  }
0xb1: {  	[dreg:$0x5] =	wrdreg $0x9  }
0xb2: {  	_ =	task.clear_ibuf [dreg:s7], $0x6FFFF;
	_ =	strace $0x9000004C  }
0xb3: {  	s29 =	simm.s32 $0x9;
	_ =	strace $0x8000004E  }
0xb4: {  	_ =	swait.ge [sflag:s29], $0x1  }
0xb5: {  	[sflag:s29] =	ssyncadd.s32 $0xFFFFFFFF  }
0xb6: {  	_ =	strace $0x9000004E  }
0xb7: {  	_ =	sfence  }
0xb8: {  	s30 =	sld [smem:$0x0];
	_ =	sdelay $0x2  }
0xb9: {  	s31 =	sshll.u32 s1, $0xD;
	s1 =	sshrl.u32 s1, $0x2  }
0xba: {  	s3 =	sand.u32 $0x4000, s31;
	s1 =	sadd.s32 s1, s30  }
0xbb: {  	s0 =	sor.u32 s3, s0;
	s1 =	sshll.u32 s1, $0x11  }
0xbc: {  	s0 =	sor.u32 s1, s0  }
0xbd: {  	s0 =	sadd.s32 $0x8F2B, s0  }
0xbe: {  	[sflag:s0] =	ssyncadd.remote.s32 $0x1  }
0xbf: {  	_ =	sfence.sel $0xFFFF  }
0xc0: {  	[dreg:$0x0] =	wrdreg $0xFFFFFFFF;
	(pc) =	sbr.abs _section_cstart, $3  }
0xc1: {  	[dreg:$0x1] =	wrdreg $0xFFFFFFFF  }
0xc2: {  	_ =	task.clear_ibuf [dreg:s7], $0x2FFFF;
	_ =	strace $0x9FFFFFFF  }
0xc3: {  	(tm) =	ssettm $0x7FFFFFFF  }
tec
execute0_lowered:
.L_overlay_start_1:
0x0: {  	(tag) =	ssettag $0x1  }
0x1: {  	s0 =	rddreg [dreg:$0x0]  }
0x2: {  	s1 =	rddreg [dreg:$0x1]  }
0x3: {  	s2 =	rddreg [dreg:$0x2];
	s14 =	stileid.u32  }
0x4: {  	s6 =	simm.s32 $0x0;
	s7 =	srdreg.scid;
	s28 =	simm.s32 $0x1  }
0x5: {  	s29 =	simm.s32 $0x3;
	s30 =	simm.s32 $0x2;
	s15 =	smul.u32 $0x780, s14  }
0x6: {  	s31 =	simm.s32 $0x4;
	s3 =	sshrl.u32 s14, $0x3;
	s12 =	smul.u32 $0x4F000, s14  }
0x7: {  	s4 =	sshll.u32 s14, $0x7;
	[smem:$0x7FF] =	sst s6;
	s16 =	smul.u32 $0xA00, s14  }
0x8: {  	s7 =	sand.u32 $0x1, s7;
	s23 =	sshll.u32 s14, $0x6;
	s5 =	smul.u32 $0x16800, s3  }
0x9: {  	p1 =	seq.s32 s14, $0xF;
	s13 =	sand.u32 $0x380, s4;
	s3 =	smul.u32 $0x10C00, s3  }
0xa: {  	_ =	strace $0x8000004D;
	s4 =	sadd.s32 $0x3800, s0;
	s9 =	smul.u32 $0x28000, s7  }
0xb: {  	s10 =	ssub.s32 $0x2, s7;
	p0 =	seq.s32 s7, $0x0;
	s6 =	sadd.s32 s15, s0  }
0xc: {  	s11 =	sshrl.u32 s10, $0x1;
	s17 =	sshrl.u32 s12, $0x2;
	s1 =	sadd.s32 s1, s16  }
0xd: {  	s12 =	sadd.s32 $0x138400, s2;
	s15 =	sor.u32 $0x1C05, s23;
	s23 =	simm.s32 $0x48  }
0xe: {  	s5 =	sor.u32 s13, s5;
	s3 =	sor.u32 s13, s3;
	s10 =	ssub.s32 s10, s11  }
0xf: {  	s6 =	sadd.s32 $0x5C800, s6;
	[dreg:$0x7] =	wrdreg s1;
	s11 =	simm.s32 $0xA0  }
0x10: {  	s5 =	sshrl.u32 s5, $0x3;
	s3 =	sshrl.u32 s3, $0x3;
	[dreg:$0x5] =	wrdreg s6  }
0x11: {  	s11 =	simm.s32 @!p0 $0x76;
	s10 =	smax.u32 s10, $0x1;
	p0 =	sne.s32 s7, $0x0  }
0x12: {  	s8 =	sadd.s32 s5, s0;
	s3 =	sadd.s32 s3, s0;
	s5 =	sadd.s32 $0x2B800, s0  }
0x13: {  	s0 =	sadd.s32 s9, s0;
	s9 =	sadd.s32 s17, s2;
	s13 =	sshrl.u32 s11, $0x1  }
0x14: {  	[dreg:$0x8] =	wrdreg s10;
	s17 =	simm.s32 $0x5;
	s3 =	sadd.s32 $0x69A00, s3  }
0x15: {  	s18 =	sadd.s32 $0x64000, s8;
	s19 =	sadd.s32 $0x4000, s9;
	s20 =	sadd.s32 $0x8000, s9  }
0x16: {  	s21 =	sadd.s32 $0xC000, s9;
	s8 =	sadd.s32 $0x10000, s9;
	[dreg:$0x4] =	wrdreg s3  }
0x17: {  	s16 =	sadd.s32 $0x6DE00, s0;
	s22 =	sadd.s32 $0xFFFFFFFF, s13;
	[dreg:$0x6] =	wrdreg s18  }
0x18: {  	s0 =	smul.u32 $0x2780, s14;
	s24 =	sshrl.u32 s9, $0x3;
	[dreg:$0x9] =	wrdreg s22  }
0x19: {  	[dreg:$0xa] =	wrdreg s24;
	s1 =	sshrl.u32 s19, $0x3;
	s25 =	sshrl.u32 s20, $0x3  }
0x1a: {  	s26 =	sshrl.u32 s21, $0x3;
	s22 =	sshrl.u32 @!p1 s8, $0x3;
	[dreg:$0xb] =	wrdreg s1  }
0x1b: {  	s24 =	simm.s32 $0x7D00;
	s21 =	smov.u32 s16;
	[dreg:$0xc] =	wrdreg s25  }
0x1c: {  	[dreg:$0xd] =	wrdreg s26;
	s1 =	sshrl.u32 @p1 s12, $0x3;
	s25 =	sadd.s32 @!p1 s0, s16  }
0x1d: {  	s26 =	simm.s32 $0xA100;
	s0 =	simm.s32 $0x0;
	[dreg:$0xe] =	wrdreg s1  }
.LBB2_1:
0x1e: {  	s1 =	simm.s32 @p0 $0x80  }
0x1f: {  	s3 =	simm.s32 @p0 $0x400;
	s6 =	simm.s32 @p0 $0x0;
	s7 =	rddreg [dreg:$0x4]  }
0x20: {  	[tilespmem:s6], [sflag:$0x5] =	stream.strided.gather @p0 [hbm4b:s7+s1], $0x2180, s3, s1, $0x38;
	[tilespmem:$0x1FE00] =	vst v63  }
0x21: {  	s1 =	simm.s32 @p0 $0x5  }
0x22: {  	_ =	swait.ge @p0 [sflag:s1], $0x2180  }
0x23: {  	[sflag:s1] =	ssyncset.done @p0 $0x0  }
0x24: {  	s3 =	simm.s32 @p0 $0x2D00;
	s7 =	rddreg [dreg:$0x5];
	[sflag:s1] =	ssyncadd.s32 @p0 $0xFFFFDE80  }
0x25: {  	[tilespmem:s3], [sflag:$0x5] =	stream.linear.gather @p0 [hbm4b:s7+s6], $0x3B00, $0x38;
	[tilespmem:$0x1FE00] =	vst v63  }
0x26: {  	_ =	swait.ge @p0 [sflag:s1], $0x3B00  }
0x27: {  	s3 =	simm.s32 @!p0 $0x400;
	s6 =	simm.s32 @!p0 $0x0;
	[sflag:s1] =	ssyncset.done @p0 $0x0  }
0x28: {  	s7 =	rddreg [dreg:$0x6];
	[sflag:s1] =	ssyncadd.s32 @p0 $0xFFFFC500;
	s1 =	simm.s32 @!p0 $0x80  }
0x29: {  	[tilespmem:s6], [sflag:$0x5] =	stream.strided.gather @!p0 [hbm4b:s7+s1], $0x2D00, s3, s1, $0x38;
	[tilespmem:$0x1FE00] =	vst v63  }
0x2a: {  	s1 =	simm.s32 @!p0 $0x5  }
0x2b: {  	_ =	swait.ge @!p0 [sflag:s1], $0x2D00  }
0x2c: {  	[sflag:s1] =	ssyncset.done @!p0 $0x0  }
0x2d: {  	s3 =	simm.s32 @!p0 $0x2D00;
	s7 =	rddreg [dreg:$0x7];
	[sflag:s1] =	ssyncadd.s32 @!p0 $0xFFFFD300  }
0x2e: {  	[tilespmem:s3], [sflag:$0x5] =	stream.linear.gather @!p0 [hbm4b:s7+s6], $0x5000, $0x38;
	[tilespmem:$0x1FE00] =	vst v63  }
0x2f: {  	_ =	swait.ge @!p0 [sflag:s1], $0x5000  }
0x30: {  	[sflag:s1] =	ssyncset.done @!p0 $0x0  }
0x31: {  	s12 =	rddreg [dreg:$0xa];
	[sflag:s1] =	ssyncadd.s32 @!p0 $0xFFFFB000  }
0x32: {  	[spmem:s12], [sflag:s15] =	dma.local [hbm:s5], $0x800  }
0x33: {  	_ =	swait.ge [sflag:s17], $0x800  }
0x34: {  	[sflag:s17] =	ssyncset.done $0x0  }
0x35: {  	s13 =	rddreg [dreg:$0xb];
	[sflag:s17] =	ssyncadd.s32 $0xFFFFF800  }
0x36: {  	[spmem:s13], [sflag:s15] =	dma.local [hbm:s5], $0x800  }
0x37: {  	_ =	swait.ge [sflag:s17], $0x800  }
0x38: {  	[sflag:s17] =	ssyncset.done $0x0  }
0x39: {  	s14 =	rddreg [dreg:$0xc];
	[sflag:s17] =	ssyncadd.s32 $0xFFFFF800  }
0x3a: {  	[spmem:s14], [sflag:s15] =	dma.local [hbm:s5], $0x800  }
0x3b: {  	_ =	swait.ge [sflag:s17], $0x800  }
0x3c: {  	[sflag:s17] =	ssyncset.done $0x0  }
0x3d: {  	s16 =	rddreg [dreg:$0xd];
	[sflag:s17] =	ssyncadd.s32 $0xFFFFF800  }
0x3e: {  	[spmem:s16], [sflag:s15] =	dma.local [hbm:s5], $0x800  }
0x3f: {  	_ =	swait.ge [sflag:s17], $0x800  }
0x40: {  	[sflag:s17] =	ssyncset.done $0x0  }
0x41: {  	s3 =	simm.s32 @p1 $0x5;
	s1 =	rddreg [dreg:$0xe];
	[sflag:s17] =	ssyncadd.s32 $0xFFFFF800  }
0x42: {  	[spmem:s1], [sflag:s15] =	dma.local @p1 [hbm:s5], $0x180  }
0x43: {  	_ =	swait.ge @p1 [sflag:s3], $0x180  }
0x44: {  	[sflag:s3] =	ssyncset.done @p1 $0x0  }
0x45: {  	s1 =	simm.s32 @!p1 $0x5;
	[sflag:s3] =	ssyncadd.s32 @p1 $0xFFFFFE80  }
0x46: {  	[spmem:s22], [sflag:s15] =	dma.local @!p1 [hbm:s5], $0x780  }
0x47: {  	_ =	swait.ge @!p1 [sflag:s1], $0x780  }
0x48: {  	[sflag:s1] =	ssyncset.done @!p1 $0x0  }
0x49: {  	[sflag:s1] =	ssyncadd.s32 @!p1 $0xFFFFF880  }
0x4a: {  	s18 =	simm.s32 $0x0;
	[bflag:$0x0] =	sbarrier.arrive $0xFFFF  }
0x4b: {  	[tilespmem:s24], [sflag:$0x1] =	stream.indirect.gather [hbm4b:s4+s23], $0x80, s18, s23, $0xb8;
	[tilespmem:$0x1FE00] =	vst v63  }
0x4c: {  	_ = 	snop  }
0x4d: {  	[tilespmem:s26], [sflag:$0x2] =	stream.indirect.gather [hbm4b:s4+s23], $0x80, s23, s23, $0xb8;
	[tilespmem:$0x1FE00] =	vst v63  }
0x4e: {  	_ =	swait.ge [sflag:s28], $0x2400  }
0x4f: {  	[sflag:s28] =	ssyncset.done $0x0  }
0x50: {  	s19 =	simm.s32 $0x2D00;
	[sflag:s28] =	ssyncadd.s32 $0xFFFFDC00  }
0x51: {  	[spmem:s2] =	stream.indirect.scatter.add.f32 [tilespmem:s24], [sflag:$0x3], $0x80, s19, s23, $0xb8;
	[tilespmem:$0x1FE00] =	vst v63  }
0x52: {  	p2 =	sle.u32 s11, $0x2;
	_ =	swait.ge [sflag:s29], $0x2400  }
0x53: {  	s8 =	simm.s32 @!p2 $0x7D00;
	[sflag:s29] =	ssyncset.done $0x0  }
0x54: {  	s6 =	simm.s32 @!p2 $0x90;
	s7 =	simm.s32 @!p2 $0x48;
	[sflag:s29] =	ssyncadd.s32 $0xFFFFDC00  }
0x55: {  	[tilespmem:s8], [sflag:$0x1] =	stream.indirect.gather @!p2 [hbm4b:s4+s7], $0x80, s6, s7, $0xb8;
	[tilespmem:$0x1FE00] =	vst v63  }
0x56: {  	_ =	swait.ge [sflag:s30], $0x2400  }
0x57: {  	s20 =	rddreg [dreg:$0x9]  }
0x58: {  	s13 =	sadd.s32 $0xFFFFFFFF, s20  }
0x59: {  	s10 =	simm.s32 $0x2D80;
	p3 =	sle.u32 s11, $0x3;
	p2 =	sne.s32 s13, $0x0  }
.Ltmp0:
0x5a: {  	s12 =	simm.s32 $0xD8;
	[sflag:s30] =	ssyncset.done $0x0;
	(pc) =	sbr.rel @!p2 .LBB2_3-.Ltmp0, $4  }
0x5b: {  	s14 =	simm.s32 $0xD8;
	s16 =	simm.s32 @!p3 $0x48;
	[sflag:s30] =	ssyncadd.s32 $0xFFFFDC00  }
0x5c: {  	[spmem:s2] =	stream.indirect.scatter.add.f32 [tilespmem:s26], [sflag:$0x4], $0x80, s10, s23, $0xb8;
	[tilespmem:$0x1FE00] =	vst v63  }
0x5d: {  	s18 =	simm.s32 @!p3 $0xA100;
	s6 =	simm.s32 $0xD8;
	_ =	swait.ge [sflag:s31], $0x2400  }
0x5e: {  	s8 =	simm.s32 $0x2E80;
	s7 =	simm.s32 $0x5;
	[sflag:s31] =	ssyncset.done $0x0  }
.LBB2_2:
0x5f: {  	s14 =	smov.u32 s6;
	s10 =	smov.u32 s8  }
0x60: {  	s13 =	sadd.s32 $0xFFFFFFFF, s13;
	s6 =	sadd.s32 $0x90, s6;
	[sflag:s31] =	ssyncadd.s32 $0xFFFFDC00  }
0x61: {  	[tilespmem:s18], [sflag:$0x2] =	stream.indirect.gather @!p3 [hbm4b:s4+s16], $0x80, s12, s16, $0xb8;
	[tilespmem:$0x1FE00] =	vst v63  }
0x62: {  	p2 =	sne.s32 s13, $0x0;
	s12 =	smov.u32 s6;
	_ =	swait.ge [sflag:s28], $0x2400  }
0x63: {  	s16 =	sadd.s32 $0xFFFFFF80, s8;
	s18 =	smov.u32 s8;
	[sflag:s28] =	ssyncset.done $0x0  }
0x64: {  	s19 =	sadd.s32 $0xFFFFFFFF, s7;
	[sflag:s28] =	ssyncadd.s32 $0xFFFFDC00  }
0x65: {  	[spmem:s2] =	stream.indirect.scatter.add.f32 [tilespmem:s24], [sflag:$0x3], $0x80, s16, s23, $0xb8;
	[tilespmem:$0x1FE00] =	vst v63  }
0x66: {  	p3 =	sge.u32 s19, s11;
	_ =	swait.ge [sflag:s29], $0x2400  }
0x67: {  	s19 =	simm.s32 @!p3 $0x48;
	s16 =	sadd.s32 @!p3 $0xFFFFFFB8, s6;
	[sflag:s29] =	ssyncset.done $0x0  }
0x68: {  	s20 =	simm.s32 @!p3 $0x7D00;
	[sflag:s29] =	ssyncadd.s32 $0xFFFFDC00  }
0x69: {  	[tilespmem:s20], [sflag:$0x1] =	stream.indirect.gather @!p3 [hbm4b:s4+s19], $0x80, s16, s19, $0xb8;
	[tilespmem:$0x1FE00] =	vst v63  }
0x6a: {  	_ =	swait.ge [sflag:s30], $0x2400  }
.Ltmp1:
0x6b: {  	[sflag:s30] =	ssyncset.done $0x0;
	(pc) =	sbr.rel @p2 .LBB2_2-.Ltmp1, $4  }
0x6c: {  	s8 =	sadd.s32 $0x100, s8;
	[sflag:s30] =	ssyncadd.s32 $0xFFFFDC00  }
0x6d: {  	[spmem:s2] =	stream.indirect.scatter.add.f32 [tilespmem:s26], [sflag:$0x4], $0x80, s18, s23, $0xb8;
	[tilespmem:$0x1FE00] =	vst v63  }
0x6e: {  	p3 =	sge.u32 s7, s11;
	s7 =	sadd.s32 $0x2, s7;
	_ =	swait.ge [sflag:s31], $0x2400  }
0x6f: {  	s16 =	simm.s32 @!p3 $0x48;
	s18 =	simm.s32 @!p3 $0xA100;
	[sflag:s31] =	ssyncset.done $0x0  }
.LBB2_3:
0x70: {  	[sflag:s31] =	ssyncadd.s32 $0xFFFFDC00  }
0x71: {  	[tilespmem:s18], [sflag:$0x2] =	stream.indirect.gather @!p3 [hbm4b:s4+s16], $0x80, s12, s16, $0xb8;
	[tilespmem:$0x1FE00] =	vst v63  }
0x72: {  	_ =	swait.ge [sflag:s28], $0x2400  }
0x73: {  	[sflag:s28] =	ssyncset.done $0x0  }
0x74: {  	s10 =	sadd.s32 $0x80, s10;
	s19 =	sadd.s32 $0xFFFFFFFF, s7;
	[sflag:s28] =	ssyncadd.s32 $0xFFFFDC00  }
0x75: {  	[spmem:s2] =	stream.indirect.scatter.add.f32 [tilespmem:s24], [sflag:$0x3], $0x80, s10, s23, $0xb8;
	[tilespmem:$0x1FE00] =	vst v63  }
0x76: {  	p2 =	sge.u32 s19, s11;
	_ =	swait.ge [sflag:s29], $0x2400  }
0x77: {  	s12 =	simm.s32 @!p2 $0x48;
	[sflag:s29] =	ssyncset.done $0x0  }
0x78: {  	s13 =	simm.s32 @!p2 $0x7D00;
	s10 =	sadd.s32 @!p2 $0x48, s14;
	[sflag:s29] =	ssyncadd.s32 $0xFFFFDC00  }
0x79: {  	[tilespmem:s13], [sflag:$0x1] =	stream.indirect.gather @!p2 [hbm4b:s4+s12], $0x80, s10, s12, $0xb8;
	[tilespmem:$0x1FE00] =	vst v63  }
0x7a: {  	_ =	swait.ge [sflag:s30], $0x2400  }
0x7b: {  	[sflag:s30] =	ssyncset.done $0x0  }
0x7c: {  	[sflag:s30] =	ssyncadd.s32 $0xFFFFDC00  }
0x7d: {  	[spmem:s2] =	stream.indirect.scatter.add.f32 [tilespmem:s26], [sflag:$0x4], $0x80, s8, s23, $0xb8;
	[tilespmem:$0x1FE00] =	vst v63  }
0x7e: {  	_ =	swait.ge [sflag:s31], $0x2400  }
0x7f: {  	s6 =	sadd.s32 $0x90, s6;
	p2 =	sge.u32 s7, s11;
	[sflag:s31] =	ssyncset.done $0x0  }
0x80: {  	s7 =	simm.s32 @!p2 $0x48;
	s8 =	simm.s32 @!p2 $0xA100;
	[sflag:s31] =	ssyncadd.s32 $0xFFFFDC00  }
0x81: {  	[tilespmem:s8], [sflag:$0x2] =	stream.indirect.gather @!p2 [hbm4b:s4+s7], $0x80, s6, s7, $0xb8;
	[tilespmem:$0x1FE00] =	vst v63  }
0x82: {  	s6 =	sadd.s32 @p1 $0x25080, s21;
	s7 =	sshrl.u32 @p1 s9, $0x3;
	[bflag:$0x0] =	sbarrier.arrive $0xFFFF  }
0x83: {  	[hbm:s6], [sflag:s15] =	dma.local @p1 [spmem:s7], $0x2180  }
0x84: {  	_ =	swait.ge @p1 [sflag:s3], $0x2180  }
0x85: {  	[sflag:s3] =	ssyncset.done @p1 $0x0  }
0x86: {  	[sflag:s3] =	ssyncadd.s32 @p1 $0xFFFFDE80;
	s3 =	sshrl.u32 @!p1 s9, $0x3  }
0x87: {  	[hbm:s25], [sflag:s15] =	dma.local @!p1 [spmem:s3], $0x2780  }
0x88: {  	_ =	swait.ge @!p1 [sflag:s1], $0x2780  }
0x89: {  	s0 =	sadd.s32 $0x1, s0;
	s20 =	rddreg [dreg:$0x8]  }
0x8a: {  	p2 =	sne.s32 s0, s20  }
.Ltmp2:
0x8b: {  	_ = 	snop;
	(pc) =	sbr.rel @p2 .LBB2_1-.Ltmp2, $3  }
0x8c: {  	_ =	sdelay $0x1  }
0x8d: {  	[sflag:s1] =	ssyncset.done @!p1 $0x0  }
0x8e: {  	[sflag:s1] =	ssyncadd.s32 @!p1 $0xFFFFD880  }
0x8f: {  	_ =	sfence.sel $0x180000  }
0x90: {  	[bflag:$0x0] =	sbarrier.arrive $0xFFFF  }
0x91: {  	_ =	strace $0x9000004D  }
0x92: {  	s0 =	stileid.u32;
	[bflag:$0x2] =	sbarrier.arrive $0xFFFF  }
0x93: {  	p0 =	sne.s32 s0, $0x0;
	s0 =	rddreg [dreg:$0x3]  }
0x94: {  	s0 =	sadd.s32 @!p0 $0x100000, s0  }
0x95: {  	[sflag:s0] =	ssyncadd.tile.s32 @!p0 $0x1;
	_ =	shalt  }
.Lfunc_end2:
_tile_overlayer_lowered:
.L_overlay_start_2:
0x96: {  	(tag) =	ssettag $0x2  }
0x97: {  	s0 =	rddreg [dreg:$0x0];
	s2 =	stileid.u32  }
0x98: {  	s1 =	rddreg [dreg:$0x1];
	p0 =	sne.s32 s2, $0x0  }
0x99: {  	s3 =	rddreg [dreg:$0x2];
	[bflag:$0x3] =	sbarrier.arrive $0xFFFF;
	s2 =	simm.s32 @!p0 $0x1C05  }
0x9a: {  	[timem:s3], [sflag:s2] =	dma.local @!p0 [hbm:s0], s1  }
0x9b: {  	s0 =	simm.s32 @!p0 $0x5  }
0x9c: {  	_ =	swait.ge @!p0 [sflag:s0], s1  }
0x9d: {  	s1 =	ssub.s32 @!p0 $0x0, s1;
	[sflag:s0] =	ssyncset.done @!p0 $0x0  }
0x9e: {  	[sflag:s0] =	ssyncadd.s32 @!p0 s1  }
0x9f: {  	[bflag:$0x3] =	sbarrier.arrive $0xFFFF  }
0xa0: {  	_ =	shalt  }

</sc_bundles>
